<compile_context>
chip_gen: v7x
topology: tpu7x:2x2x1
jax: 0.10.2.dev20260603
libtpu: 0.0.44.dev20260713+nightly
codegen_flags: <defaults>
</compile_context>

<pallas_src>
import jax
import jax.numpy as jnp
from jax import lax
from jax.experimental import pallas as pl
from jax.experimental.pallas import tpu as pltpu
from jax.experimental.pallas import tpu_sc as plsc

B, T, D = 4, 2048, 64
NC, NS = 2, 16
NW = NC * NS
N = B * T
RPW = N // NW
WPB = T // RPW
WIN = 128
G = 4
NG = RPW // G
NSLOT = 2 * G


def _emb_body(x_hbm, tokT_hbm, posT_hbm, out_hbm, idx_v, win_v, acc_v,
              pos_v, sem_a, sem_b, sem_p):
    c = lax.axis_index("c")
    s = lax.axis_index("s")
    wid = s * NC + c
    b = wid // WPB
    t0 = (wid % WPB) * RPW

    pltpu.sync_copy(x_hbm.at[b, pl.ds(t0, RPW)], idx_v)
    pcp = pltpu.async_copy(posT_hbm.at[:, pl.ds(t0, RPW)], pos_v, sem_p)

    lane16 = lax.iota(jnp.int32, 16)

    def scal_idx(j):
        chunk = idx_v[pl.ds(pl.multiple_of((j // 16) * 16, 16), 16)]
        m = lane16 == jnp.full((16,), j % 16, jnp.int32)
        return jnp.max(jnp.where(m, chunk, 0))

    def group_fire(g, sem, slot0):
        for u in range(G):
            i = scal_idx(g * G + u)
            base = pl.multiple_of((i // WIN) * WIN, WIN)
            pltpu.async_copy(
                tokT_hbm.at[:, pl.ds(base, WIN)], win_v.at[slot0 + u], sem
            )

    def group_drain(g, sem, slot0):
        pltpu.make_async_copy(
            tokT_hbm.at[:, pl.ds(0, G * WIN)],
            win_v.at[pl.ds(slot0, G)],
            sem,
        ).wait()

    def group_extract(g, slot0):
        for u in range(G):
            j = g * G + u
            lam = jnp.full((16,), jnp.remainder(scal_idx(j), WIN), jnp.int32)
            j16 = jnp.full((16,), j, jnp.int32)
            for dc in range(D // 16):
                d16 = dc * 16 + lane16
                vals = plsc.load_gather(win_v.at[slot0 + u], [d16, lam])
                plsc.store_scatter(acc_v, [d16, j16], vals)

    group_fire(0, sem_a, 0)

    def step(k, carry):
        g0 = 2 * k
        group_fire(g0 + 1, sem_b, G)
        group_drain(g0, sem_a, 0)
        group_extract(g0, 0)

        @pl.when(k < NG // 2 - 1)
        def _():
            group_fire(g0 + 2, sem_a, 0)

        group_drain(g0 + 1, sem_b, G)
        group_extract(g0 + 1, G)
        return carry

    lax.fori_loop(0, NG // 2, step, None)
    pcp.wait()

    def add_row(d, carry):
        for tb in range(RPW // 16):
            sl = (d, pl.ds(tb * 16, 16))
            acc_v[sl] = acc_v[sl] + pos_v[sl]
        return carry

    lax.fori_loop(0, D, add_row, None)
    pltpu.sync_copy(acc_v, out_hbm.at[b, :, pl.ds(t0, RPW)])


@jax.jit
def _emb(x, tokT, posT):
    kfn = pl.kernel(
        _emb_body,
        out_type=jax.ShapeDtypeStruct((B, D, T), jnp.float32),
        mesh=plsc.VectorSubcoreMesh(core_axis_name="c", subcore_axis_name="s"),
        scratch_types=[
            pltpu.VMEM((RPW,), jnp.int32),
            pltpu.VMEM((NSLOT, D, WIN), jnp.float32),
            pltpu.VMEM((D, RPW), jnp.float32),
            pltpu.VMEM((D, RPW), jnp.float32),
            pltpu.SemaphoreType.DMA,
            pltpu.SemaphoreType.DMA,
            pltpu.SemaphoreType.DMA,
        ],
        compiler_params=pltpu.CompilerParams(
            use_tc_tiling_on_sc=True, needs_layout_passes=False
        ),
    )
    return kfn(x, tokT, posT)


def kernel(x, token_table, pos_table):
    out = _emb(x.astype(jnp.int32), token_table.T, pos_table.T)
    return out.transpose(0, 2, 1)

# --- scband reference (transcript-rebuilt; emitter-appended) ---
"""Pipeline reference for scband-embeddings-2491081031976 (READ-ONLY COPY).

The authoritative reference and input builder live on the scoring server;
editing this copy changes nothing except your own understanding.
"""

import jax, jax.numpy as jnp
import numpy as np

VOCAB = 1000000
EMBED_DIM = 64
BLOCK_SIZE = 2048
B, T = 4, 2048


def setup_inputs(seed: int = 0) -> dict:
    key = jax.random.key(seed)
    k1, k2, k3 = jax.random.split(key, 3)
    x = jax.random.randint(k1, (B, T), 0, VOCAB, dtype=jnp.int64 if jax.config.jax_enable_x64 else jnp.int32)
    token_table = jax.random.normal(k2, (VOCAB, EMBED_DIM), dtype=jnp.float32) * 0.02
    pos_table = jax.random.normal(k3, (BLOCK_SIZE, EMBED_DIM), dtype=jnp.float32) * 0.02
    return {"x": x, "token_table": token_table, "pos_table": pos_table}


def reference(x, token_table, pos_table):
    # TokenEmbedding: gather rows from token table
    token_emb = jnp.take(token_table, x, axis=0)  # [B, T, D]
    # PositionalEmbedding: embedding of arange(T), unsqueezed to [1, T, D]
    Tlen = x.shape[1]
    positions = jnp.arange(Tlen)
    pos_emb = jnp.take(pos_table, positions, axis=0)[None, :, :]  # [1, T, D]
    return token_emb + pos_emb

if __name__ == "__main__":
    import jax
    _d = setup_inputs()
    print(jax.jit(kernel)(*tuple(_d.values())))

</pallas_src>

<mosaic_0001>
#map = affine_map<(d0, d1) -> (0, 0)>
#map1 = affine_map<(d0, d1) -> (0, 0, 0)>
module attributes {stable_mosaic.version = 14 : i64} {
  func.func @_emb_body(%arg0: i32, %arg1: i32, %arg2: memref<4x2048xi32, #tpu.memory_space<hbm>>, %arg3: memref<64x1000000xf32, #tpu.memory_space<hbm>>, %arg4: memref<64x2048xf32, #tpu.memory_space<hbm>>, %arg5: memref<4x64x2048xf32, #tpu.memory_space<hbm>>, %arg6: memref<256xi32, #tpu.memory_space<vmem>>, %arg7: memref<8x64x128xf32, #tpu.memory_space<vmem>>, %arg8: memref<64x256xf32, #tpu.memory_space<vmem>>, %arg9: memref<64x256xf32, #tpu.memory_space<vmem>>, %arg10: memref<!tpu.dma_semaphore, #tpu.memory_space<semaphore_mem>>, %arg11: memref<!tpu.dma_semaphore, #tpu.memory_space<semaphore_mem>>, %arg12: memref<!tpu.dma_semaphore, #tpu.memory_space<semaphore_mem>>) attributes {dimension_semantics = [#tpu.dimension_semantics<core_parallel>, #tpu.dimension_semantics<subcore_parallel>], iteration_bounds = array<i64: 2, 16>, scalar_prefetch = 0 : i64, scratch_operands = 7 : i64, tpu.core_type = #tpu.core_type<sc_vector_subcore>, window_params = [{transform_indices = #map}, {transform_indices = #map}, {transform_indices = #map}, {transform_indices = #map1}]} {
    %mul3A = arith.constant 2 : i32
    %mul3A_0 = arith.muli %arg1, %mul3A : i32
    %add3A = arith.addi %mul3A_0, %arg0 : i32
    %jit3A = arith.constant 8 : i32
    %div3A = arith.divsi %add3A, %jit3A : i32
    %sign3A = arith.constant 0 : i32
    %sign3A_1 = arith.cmpi sgt, %add3A, %sign3A : i32
    %sign3A_2 = arith.extui %sign3A_1 : i1 to i32
    %sign3A_3 = arith.constant 0 : i32
    %sign3A_4 = arith.cmpi slt, %add3A, %sign3A_3 : i32
    %sign3A_5 = arith.extui %sign3A_4 : i1 to i32
    %sign3A_6 = arith.subi %sign3A_2, %sign3A_5 : i32
    %sign3A_7 = arith.constant 0 : i32
    %sign3A_8 = arith.cmpi sgt, %jit3A, %sign3A_7 : i32
    %sign3A_9 = arith.extui %sign3A_8 : i1 to i32
    %sign3A_10 = arith.constant 0 : i32
    %sign3A_11 = arith.cmpi slt, %jit3A, %sign3A_10 : i32
    %sign3A_12 = arith.extui %sign3A_11 : i1 to i32
    %sign3A_13 = arith.subi %sign3A_9, %sign3A_12 : i32
    %ne3A = arith.cmpi ne, %sign3A_6, %sign3A_13 : i32
    %rem3A = arith.remsi %add3A, %jit3A : i32
    %ne3A_14 = arith.constant 0 : i32
    %ne3A_15 = arith.cmpi ne, %rem3A, %ne3A_14 : i32
    %and3A = arith.andi %ne3A, %ne3A_15 : i1
    %sub3A = arith.constant 1 : i32
    %sub3A_16 = arith.subi %div3A, %sub3A : i32
    %select_n3A = arith.select %and3A, %sub3A_16, %div3A : i32
    %jit3A_17 = arith.constant 8 : i32
    %eq3A = arith.constant 0 : i32
    %eq3A_18 = arith.cmpi eq, %jit3A_17, %eq3A : i32
    %jit3A_19 = arith.constant 1 : i32
    %select_n3A_20 = arith.select %eq3A_18, %jit3A_19, %jit3A_17 : i32
    %rem3A_21 = arith.remsi %add3A, %select_n3A_20 : i32
    %ne3A_22 = arith.constant 0 : i32
    %ne3A_23 = arith.cmpi ne, %rem3A_21, %ne3A_22 : i32
    %lt3A = arith.constant 0 : i32
    %lt3A_24 = arith.cmpi slt, %rem3A_21, %lt3A : i32
    %lt3A_25 = arith.constant 0 : i32
    %lt3A_26 = arith.cmpi slt, %select_n3A_20, %lt3A_25 : i32
    %ne3A_27 = arith.xori %lt3A_24, %lt3A_26 : i1
    %and3A_28 = arith.andi %ne3A_27, %ne3A_23 : i1
    %add3A_29 = arith.addi %rem3A_21, %select_n3A_20 : i32
    %select_n3A_30 = arith.select %and3A_28, %add3A_29, %rem3A_21 : i32
    %mul3A_31 = arith.constant 256 : i32
    %mul3A_32 = arith.muli %select_n3A_30, %mul3A_31 : i32
    "tpu.region"() ({
      %run_scoped3A = tpu.sem_alloc : memref<!tpu.dma_semaphore, #tpu.memory_space<semaphore_mem>>
      %dma_start3A_276 = tpu.memref_slice %arg2[%select_n3A, %mul3A_32] : memref<4x2048xi32, #tpu.memory_space<hbm>> -> memref<1x256xi32, #tpu.memory_space<hbm>>
      %dma_start3A_277 = tpu.memref_squeeze %dma_start3A_276 : memref<1x256xi32, #tpu.memory_space<hbm>> -> memref<256xi32, #tpu.memory_space<hbm>>
      %dma_start3A_278 = tpu.memref_slice %arg2[%select_n3A, %mul3A_32] : memref<4x2048xi32, #tpu.memory_space<hbm>> -> memref<1x256xi32, #tpu.memory_space<hbm>>
      %dma_start3A_279 = tpu.memref_squeeze %dma_start3A_278 : memref<1x256xi32, #tpu.memory_space<hbm>> -> memref<256xi32, #tpu.memory_space<hbm>>
      tpu.enqueue_dma source(%dma_start3A_279 : memref<256xi32, #tpu.memory_space<hbm>>) target(%arg6 : memref<256xi32, #tpu.memory_space<vmem>>) target_semaphore(%run_scoped3A : memref<!tpu.dma_semaphore, #tpu.memory_space<semaphore_mem>>)
      %dma_wait3A_280 = tpu.memref_slice %arg2[%select_n3A, %mul3A_32] : memref<4x2048xi32, #tpu.memory_space<hbm>> -> memref<1x256xi32, #tpu.memory_space<hbm>>
      %dma_wait3A_281 = tpu.memref_squeeze %dma_wait3A_280 : memref<1x256xi32, #tpu.memory_space<hbm>> -> memref<256xi32, #tpu.memory_space<hbm>>
      %dma_wait3A_282 = tpu.memref_slice %arg2[%select_n3A, %mul3A_32] : memref<4x2048xi32, #tpu.memory_space<hbm>> -> memref<1x256xi32, #tpu.memory_space<hbm>>
      %dma_wait3A_283 = tpu.memref_squeeze %dma_wait3A_282 : memref<1x256xi32, #tpu.memory_space<hbm>> -> memref<256xi32, #tpu.memory_space<hbm>>
      tpu.wait_dma2 semaphore(%run_scoped3A : memref<!tpu.dma_semaphore, #tpu.memory_space<semaphore_mem>>) src(%dma_wait3A_283 : memref<256xi32, #tpu.memory_space<hbm>>) dst(%arg6 : memref<256xi32, #tpu.memory_space<vmem>>)
      tpu.yield
    }) : () -> ()
    %dma_start3A = arith.constant 0 : i32
    %dma_start3A_33 = tpu.memref_slice %arg4[%dma_start3A, %mul3A_32] : memref<64x2048xf32, #tpu.memory_space<hbm>> -> memref<64x256xf32, #tpu.memory_space<hbm>>
    %dma_start3A_34 = arith.constant 0 : i32
    %dma_start3A_35 = tpu.memref_slice %arg4[%dma_start3A_34, %mul3A_32] : memref<64x2048xf32, #tpu.memory_space<hbm>> -> memref<64x256xf32, #tpu.memory_space<hbm>>
    tpu.enqueue_dma source(%dma_start3A_35 : memref<64x256xf32, #tpu.memory_space<hbm>>) target(%arg9 : memref<64x256xf32, #tpu.memory_space<vmem>>) target_semaphore(%arg12 : memref<!tpu.dma_semaphore, #tpu.memory_space<semaphore_mem>>)
    %iota3A = tpu.iota {dimensions = array<i32: 0>} : vector<16xi32>
    %multiple_of3A = arith.constant 0 : i32
    %multiple_of3A_36 = tpu.assume_multiple %multiple_of3A, 16 : i32
    %get3A = arith.index_cast %multiple_of3A_36 : i32 to index
    %get3A_37 = tpu.vector_load %arg6[%get3A] {strides = array<i32>} : memref<256xi32, #tpu.memory_space<vmem>>, vector<16xi32>,
    %broadcast_in_dim3A = arith.constant 0 : i32
    %broadcast_in_dim3A_38 = vector.broadcast %broadcast_in_dim3A : i32 to vector<16xi32>
    %eq3A_39 = arith.cmpi eq, %iota3A, %broadcast_in_dim3A_38 : vector<16xi32>
    %jit3A_40 = arith.constant 0 : i32
    %broadcast_in_dim3A_41 = vector.broadcast %jit3A_40 : i32 to vector<16xi32>
    %select_n3A_42 = arith.select %eq3A_39, %get3A_37, %broadcast_in_dim3A_41 : vector<16xi1>, vector<16xi32>
    %reduce_max3A = arith.constant true
    %reduce_max3A_43 = vector.broadcast %reduce_max3A : i1 to vector<16xi1>
    %reduce_max3A_44 = arith.constant -2147483648 : i32
    %reduce_max3A_45 = vector.broadcast %reduce_max3A_44 : i32 to vector<16xi32>
    %reduce_max3A_46 = arith.xori %select_n3A_42, %reduce_max3A_45 : vector<16xi32>
    %reduce_max3A_47 = tpu.scan <max>, %reduce_max3A_46 masked %reduce_max3A_43 : vector<16xi32>, vector<16xi1> -> vector<16xi32>
    %reduce_max3A_48 = arith.xori %reduce_max3A_47, %reduce_max3A_45 : vector<16xi32>
    %reduce_max3A_49 = vector.extract %reduce_max3A_48[15] : i32 from vector<16xi32>
    %jit3A_50 = arith.constant 128 : i32
    %div3A_51 = arith.divsi %reduce_max3A_49, %jit3A_50 : i32
    %sign3A_52 = arith.constant 0 : i32
    %sign3A_53 = arith.cmpi sgt, %reduce_max3A_49, %sign3A_52 : i32
    %sign3A_54 = arith.extui %sign3A_53 : i1 to i32
    %sign3A_55 = arith.constant 0 : i32
    %sign3A_56 = arith.cmpi slt, %reduce_max3A_49, %sign3A_55 : i32
    %sign3A_57 = arith.extui %sign3A_56 : i1 to i32
    %sign3A_58 = arith.subi %sign3A_54, %sign3A_57 : i32
    %sign3A_59 = arith.constant 0 : i32
    %sign3A_60 = arith.cmpi sgt, %jit3A_50, %sign3A_59 : i32
    %sign3A_61 = arith.extui %sign3A_60 : i1 to i32
    %sign3A_62 = arith.constant 0 : i32
    %sign3A_63 = arith.cmpi slt, %jit3A_50, %sign3A_62 : i32
    %sign3A_64 = arith.extui %sign3A_63 : i1 to i32
    %sign3A_65 = arith.subi %sign3A_61, %sign3A_64 : i32
    %ne3A_66 = arith.cmpi ne, %sign3A_58, %sign3A_65 : i32
    %rem3A_67 = arith.remsi %reduce_max3A_49, %jit3A_50 : i32
    %ne3A_68 = arith.constant 0 : i32
    %ne3A_69 = arith.cmpi ne, %rem3A_67, %ne3A_68 : i32
    %and3A_70 = arith.andi %ne3A_66, %ne3A_69 : i1
    %sub3A_71 = arith.constant 1 : i32
    %sub3A_72 = arith.subi %div3A_51, %sub3A_71 : i32
    %select_n3A_73 = arith.select %and3A_70, %sub3A_72, %div3A_51 : i32
    %mul3A_74 = arith.constant 128 : i32
    %mul3A_75 = arith.muli %select_n3A_73, %mul3A_74 : i32
    %multiple_of3A_76 = tpu.assume_multiple %mul3A_75, 128 : i32
    %dma_start3A_77 = arith.constant 0 : i32
    %dma_start3A_78 = arith.constant 0 : i32
    %dma_start3A_79 = arith.constant 0 : i32
    %dma_start3A_80 = tpu.memref_slice %arg7[%dma_start3A_77, %dma_start3A_78, %dma_start3A_79] : memref<8x64x128xf32, #tpu.memory_space<vmem>> -> memref<1x64x128xf32, #tpu.memory_space<vmem>>
    %dma_start3A_81 = tpu.memref_squeeze %dma_start3A_80 : memref<1x64x128xf32, #tpu.memory_space<vmem>> -> memref<64x128xf32, #tpu.memory_space<vmem>>
    %dma_start3A_82 = arith.constant 0 : i32
    %dma_start3A_83 = tpu.memref_slice %arg3[%dma_start3A_82, %multiple_of3A_76] : memref<64x1000000xf32, #tpu.memory_space<hbm>> -> memref<64x128xf32, #tpu.memory_space<hbm>>
    %dma_start3A_84 = arith.constant 0 : i32
    %dma_start3A_85 = arith.constant 0 : i32
    %dma_start3A_86 = tpu.memref_slice %arg7[%dma_start3A_77, %dma_start3A_84, %dma_start3A_85] : memref<8x64x128xf32, #tpu.memory_space<vmem>> -> memref<1x64x128xf32, #tpu.memory_space<vmem>>
    %dma_start3A_87 = tpu.memref_squeeze %dma_start3A_86 : memref<1x64x128xf32, #tpu.memory_space<vmem>> -> memref<64x128xf32, #tpu.memory_space<vmem>>
    %dma_start3A_88 = arith.constant 0 : i32
    %dma_start3A_89 = tpu.memref_slice %arg3[%dma_start3A_88, %multiple_of3A_76] : memref<64x1000000xf32, #tpu.memory_space<hbm>> -> memref<64x128xf32, #tpu.memory_space<hbm>>
    tpu.enqueue_dma source(%dma_start3A_89 : memref<64x128xf32, #tpu.memory_space<hbm>>) target(%dma_start3A_87 : memref<64x128xf32, #tpu.memory_space<vmem>>) target_semaphore(%arg10 : memref<!tpu.dma_semaphore, #tpu.memory_space<semaphore_mem>>)
    %multiple_of3A_90 = arith.constant 0 : i32
    %multiple_of3A_91 = tpu.assume_multiple %multiple_of3A_90, 16 : i32
    %get3A_92 = arith.index_cast %multiple_of3A_91 : i32 to index
    %get3A_93 = tpu.vector_load %arg6[%get3A_92] {strides = array<i32>} : memref<256xi32, #tpu.memory_space<vmem>>, vector<16xi32>,
    %broadcast_in_dim3A_94 = arith.constant 1 : i32
    %broadcast_in_dim3A_95 = vector.broadcast %broadcast_in_dim3A_94 : i32 to vector<16xi32>
    %eq3A_96 = arith.cmpi eq, %iota3A, %broadcast_in_dim3A_95 : vector<16xi32>
    %jit3A_97 = arith.constant 0 : i32
    %broadcast_in_dim3A_98 = vector.broadcast %jit3A_97 : i32 to vector<16xi32>
    %select_n3A_99 = arith.select %eq3A_96, %get3A_93, %broadcast_in_dim3A_98 : vector<16xi1>, vector<16xi32>
    %reduce_max3A_100 = arith.constant true
    %reduce_max3A_101 = vector.broadcast %reduce_max3A_100 : i1 to vector<16xi1>
    %reduce_max3A_102 = arith.constant -2147483648 : i32
    %reduce_max3A_103 = vector.broadcast %reduce_max3A_102 : i32 to vector<16xi32>
    %reduce_max3A_104 = arith.xori %select_n3A_99, %reduce_max3A_103 : vector<16xi32>
    %reduce_max3A_105 = tpu.scan <max>, %reduce_max3A_104 masked %reduce_max3A_101 : vector<16xi32>, vector<16xi1> -> vector<16xi32>
    %reduce_max3A_106 = arith.xori %reduce_max3A_105, %reduce_max3A_103 : vector<16xi32>
    %reduce_max3A_107 = vector.extract %reduce_max3A_106[15] : i32 from vector<16xi32>
    %jit3A_108 = arith.constant 128 : i32
    %div3A_109 = arith.divsi %reduce_max3A_107, %jit3A_108 : i32
    %sign3A_110 = arith.constant 0 : i32
    %sign3A_111 = arith.cmpi sgt, %reduce_max3A_107, %sign3A_110 : i32
    %sign3A_112 = arith.extui %sign3A_111 : i1 to i32
    %sign3A_113 = arith.constant 0 : i32
    %sign3A_114 = arith.cmpi slt, %reduce_max3A_107, %sign3A_113 : i32
    %sign3A_115 = arith.extui %sign3A_114 : i1 to i32
    %sign3A_116 = arith.subi %sign3A_112, %sign3A_115 : i32
    %sign3A_117 = arith.constant 0 : i32
    %sign3A_118 = arith.cmpi sgt, %jit3A_108, %sign3A_117 : i32
    %sign3A_119 = arith.extui %sign3A_118 : i1 to i32
    %sign3A_120 = arith.constant 0 : i32
    %sign3A_121 = arith.cmpi slt, %jit3A_108, %sign3A_120 : i32
    %sign3A_122 = arith.extui %sign3A_121 : i1 to i32
    %sign3A_123 = arith.subi %sign3A_119, %sign3A_122 : i32
    %ne3A_124 = arith.cmpi ne, %sign3A_116, %sign3A_123 : i32
    %rem3A_125 = arith.remsi %reduce_max3A_107, %jit3A_108 : i32
    %ne3A_126 = arith.constant 0 : i32
    %ne3A_127 = arith.cmpi ne, %rem3A_125, %ne3A_126 : i32
    %and3A_128 = arith.andi %ne3A_124, %ne3A_127 : i1
    %sub3A_129 = arith.constant 1 : i32
    %sub3A_130 = arith.subi %div3A_109, %sub3A_129 : i32
    %select_n3A_131 = arith.select %and3A_128, %sub3A_130, %div3A_109 : i32
    %mul3A_132 = arith.constant 128 : i32
    %mul3A_133 = arith.muli %select_n3A_131, %mul3A_132 : i32
    %multiple_of3A_134 = tpu.assume_multiple %mul3A_133, 128 : i32
    %dma_start3A_135 = arith.constant 1 : i32
    %dma_start3A_136 = arith.constant 0 : i32
    %dma_start3A_137 = arith.constant 0 : i32
    %dma_start3A_138 = tpu.memref_slice %arg7[%dma_start3A_135, %dma_start3A_136, %dma_start3A_137] : memref<8x64x128xf32, #tpu.memory_space<vmem>> -> memref<1x64x128xf32, #tpu.memory_space<vmem>>
    %dma_start3A_139 = tpu.memref_squeeze %dma_start3A_138 : memref<1x64x128xf32, #tpu.memory_space<vmem>> -> memref<64x128xf32, #tpu.memory_space<vmem>>
    %dma_start3A_140 = arith.constant 0 : i32
    %dma_start3A_141 = tpu.memref_slice %arg3[%dma_start3A_140, %multiple_of3A_134] : memref<64x1000000xf32, #tpu.memory_space<hbm>> -> memref<64x128xf32, #tpu.memory_space<hbm>>
    %dma_start3A_142 = arith.constant 0 : i32
    %dma_start3A_143 = arith.constant 0 : i32
    %dma_start3A_144 = tpu.memref_slice %arg7[%dma_start3A_135, %dma_start3A_142, %dma_start3A_143] : memref<8x64x128xf32, #tpu.memory_space<vmem>> -> memref<1x64x128xf32, #tpu.memory_space<vmem>>
    %dma_start3A_145 = tpu.memref_squeeze %dma_start3A_144 : memref<1x64x128xf32, #tpu.memory_space<vmem>> -> memref<64x128xf32, #tpu.memory_space<vmem>>
    %dma_start3A_146 = arith.constant 0 : i32
    %dma_start3A_147 = tpu.memref_slice %arg3[%dma_start3A_146, %multiple_of3A_134] : memref<64x1000000xf32, #tpu.memory_space<hbm>> -> memref<64x128xf32, #tpu.memory_space<hbm>>
    tpu.enqueue_dma source(%dma_start3A_147 : memref<64x128xf32, #tpu.memory_space<hbm>>) target(%dma_start3A_145 : memref<64x128xf32, #tpu.memory_space<vmem>>) target_semaphore(%arg10 : memref<!tpu.dma_semaphore, #tpu.memory_space<semaphore_mem>>)
    %multiple_of3A_148 = arith.constant 0 : i32
    %multiple_of3A_149 = tpu.assume_multiple %multiple_of3A_148, 16 : i32
    %get3A_150 = arith.index_cast %multiple_of3A_149 : i32 to index
    %get3A_151 = tpu.vector_load %arg6[%get3A_150] {strides = array<i32>} : memref<256xi32, #tpu.memory_space<vmem>>, vector<16xi32>,
    %broadcast_in_dim3A_152 = arith.constant 2 : i32
    %broadcast_in_dim3A_153 = vector.broadcast %broadcast_in_dim3A_152 : i32 to vector<16xi32>
    %eq3A_154 = arith.cmpi eq, %iota3A, %broadcast_in_dim3A_153 : vector<16xi32>
    %jit3A_155 = arith.constant 0 : i32
    %broadcast_in_dim3A_156 = vector.broadcast %jit3A_155 : i32 to vector<16xi32>
    %select_n3A_157 = arith.select %eq3A_154, %get3A_151, %broadcast_in_dim3A_156 : vector<16xi1>, vector<16xi32>
    %reduce_max3A_158 = arith.constant true
    %reduce_max3A_159 = vector.broadcast %reduce_max3A_158 : i1 to vector<16xi1>
    %reduce_max3A_160 = arith.constant -2147483648 : i32
    %reduce_max3A_161 = vector.broadcast %reduce_max3A_160 : i32 to vector<16xi32>
    %reduce_max3A_162 = arith.xori %select_n3A_157, %reduce_max3A_161 : vector<16xi32>
    %reduce_max3A_163 = tpu.scan <max>, %reduce_max3A_162 masked %reduce_max3A_159 : vector<16xi32>, vector<16xi1> -> vector<16xi32>
    %reduce_max3A_164 = arith.xori %reduce_max3A_163, %reduce_max3A_161 : vector<16xi32>
    %reduce_max3A_165 = vector.extract %reduce_max3A_164[15] : i32 from vector<16xi32>
    %jit3A_166 = arith.constant 128 : i32
    %div3A_167 = arith.divsi %reduce_max3A_165, %jit3A_166 : i32
    %sign3A_168 = arith.constant 0 : i32
    %sign3A_169 = arith.cmpi sgt, %reduce_max3A_165, %sign3A_168 : i32
    %sign3A_170 = arith.extui %sign3A_169 : i1 to i32
    %sign3A_171 = arith.constant 0 : i32
    %sign3A_172 = arith.cmpi slt, %reduce_max3A_165, %sign3A_171 : i32
    %sign3A_173 = arith.extui %sign3A_172 : i1 to i32
    %sign3A_174 = arith.subi %sign3A_170, %sign3A_173 : i32
    %sign3A_175 = arith.constant 0 : i32
    %sign3A_176 = arith.cmpi sgt, %jit3A_166, %sign3A_175 : i32
    %sign3A_177 = arith.extui %sign3A_176 : i1 to i32
    %sign3A_178 = arith.constant 0 : i32
    %sign3A_179 = arith.cmpi slt, %jit3A_166, %sign3A_178 : i32
    %sign3A_180 = arith.extui %sign3A_179 : i1 to i32
    %sign3A_181 = arith.subi %sign3A_177, %sign3A_180 : i32
    %ne3A_182 = arith.cmpi ne, %sign3A_174, %sign3A_181 : i32
    %rem3A_183 = arith.remsi %reduce_max3A_165, %jit3A_166 : i32
    %ne3A_184 = arith.constant 0 : i32
    %ne3A_185 = arith.cmpi ne, %rem3A_183, %ne3A_184 : i32
    %and3A_186 = arith.andi %ne3A_182, %ne3A_185 : i1
    %sub3A_187 = arith.constant 1 : i32
    %sub3A_188 = arith.subi %div3A_167, %sub3A_187 : i32
    %select_n3A_189 = arith.select %and3A_186, %sub3A_188, %div3A_167 : i32
    %mul3A_190 = arith.constant 128 : i32
    %mul3A_191 = arith.muli %select_n3A_189, %mul3A_190 : i32
    %multiple_of3A_192 = tpu.assume_multiple %mul3A_191, 128 : i32
    %dma_start3A_193 = arith.constant 2 : i32
    %dma_start3A_194 = arith.constant 0 : i32
    %dma_start3A_195 = arith.constant 0 : i32
    %dma_start3A_196 = tpu.memref_slice %arg7[%dma_start3A_193, %dma_start3A_194, %dma_start3A_195] : memref<8x64x128xf32, #tpu.memory_space<vmem>> -> memref<1x64x128xf32, #tpu.memory_space<vmem>>
    %dma_start3A_197 = tpu.memref_squeeze %dma_start3A_196 : memref<1x64x128xf32, #tpu.memory_space<vmem>> -> memref<64x128xf32, #tpu.memory_space<vmem>>
    %dma_start3A_198 = arith.constant 0 : i32
    %dma_start3A_199 = tpu.memref_slice %arg3[%dma_start3A_198, %multiple_of3A_192] : memref<64x1000000xf32, #tpu.memory_space<hbm>> -> memref<64x128xf32, #tpu.memory_space<hbm>>
    %dma_start3A_200 = arith.constant 0 : i32
    %dma_start3A_201 = arith.constant 0 : i32
    %dma_start3A_202 = tpu.memref_slice %arg7[%dma_start3A_193, %dma_start3A_200, %dma_start3A_201] : memref<8x64x128xf32, #tpu.memory_space<vmem>> -> memref<1x64x128xf32, #tpu.memory_space<vmem>>
    %dma_start3A_203 = tpu.memref_squeeze %dma_start3A_202 : memref<1x64x128xf32, #tpu.memory_space<vmem>> -> memref<64x128xf32, #tpu.memory_space<vmem>>
    %dma_start3A_204 = arith.constant 0 : i32
    %dma_start3A_205 = tpu.memref_slice %arg3[%dma_start3A_204, %multiple_of3A_192] : memref<64x1000000xf32, #tpu.memory_space<hbm>> -> memref<64x128xf32, #tpu.memory_space<hbm>>
    tpu.enqueue_dma source(%dma_start3A_205 : memref<64x128xf32, #tpu.memory_space<hbm>>) target(%dma_start3A_203 : memref<64x128xf32, #tpu.memory_space<vmem>>) target_semaphore(%arg10 : memref<!tpu.dma_semaphore, #tpu.memory_space<semaphore_mem>>)
    %multiple_of3A_206 = arith.constant 0 : i32
    %multiple_of3A_207 = tpu.assume_multiple %multiple_of3A_206, 16 : i32
    %get3A_208 = arith.index_cast %multiple_of3A_207 : i32 to index
    %get3A_209 = tpu.vector_load %arg6[%get3A_208] {strides = array<i32>} : memref<256xi32, #tpu.memory_space<vmem>>, vector<16xi32>,
    %broadcast_in_dim3A_210 = arith.constant 3 : i32
    %broadcast_in_dim3A_211 = vector.broadcast %broadcast_in_dim3A_210 : i32 to vector<16xi32>
    %eq3A_212 = arith.cmpi eq, %iota3A, %broadcast_in_dim3A_211 : vector<16xi32>
    %jit3A_213 = arith.constant 0 : i32
    %broadcast_in_dim3A_214 = vector.broadcast %jit3A_213 : i32 to vector<16xi32>
    %select_n3A_215 = arith.select %eq3A_212, %get3A_209, %broadcast_in_dim3A_214 : vector<16xi1>, vector<16xi32>
    %reduce_max3A_216 = arith.constant true
    %reduce_max3A_217 = vector.broadcast %reduce_max3A_216 : i1 to vector<16xi1>
    %reduce_max3A_218 = arith.constant -2147483648 : i32
    %reduce_max3A_219 = vector.broadcast %reduce_max3A_218 : i32 to vector<16xi32>
    %reduce_max3A_220 = arith.xori %select_n3A_215, %reduce_max3A_219 : vector<16xi32>
    %reduce_max3A_221 = tpu.scan <max>, %reduce_max3A_220 masked %reduce_max3A_217 : vector<16xi32>, vector<16xi1> -> vector<16xi32>
    %reduce_max3A_222 = arith.xori %reduce_max3A_221, %reduce_max3A_219 : vector<16xi32>
    %reduce_max3A_223 = vector.extract %reduce_max3A_222[15] : i32 from vector<16xi32>
    %jit3A_224 = arith.constant 128 : i32
    %div3A_225 = arith.divsi %reduce_max3A_223, %jit3A_224 : i32
    %sign3A_226 = arith.constant 0 : i32
    %sign3A_227 = arith.cmpi sgt, %reduce_max3A_223, %sign3A_226 : i32
    %sign3A_228 = arith.extui %sign3A_227 : i1 to i32
    %sign3A_229 = arith.constant 0 : i32
    %sign3A_230 = arith.cmpi slt, %reduce_max3A_223, %sign3A_229 : i32
    %sign3A_231 = arith.extui %sign3A_230 : i1 to i32
    %sign3A_232 = arith.subi %sign3A_228, %sign3A_231 : i32
    %sign3A_233 = arith.constant 0 : i32
    %sign3A_234 = arith.cmpi sgt, %jit3A_224, %sign3A_233 : i32
    %sign3A_235 = arith.extui %sign3A_234 : i1 to i32
    %sign3A_236 = arith.constant 0 : i32
    %sign3A_237 = arith.cmpi slt, %jit3A_224, %sign3A_236 : i32
    %sign3A_238 = arith.extui %sign3A_237 : i1 to i32
    %sign3A_239 = arith.subi %sign3A_235, %sign3A_238 : i32
    %ne3A_240 = arith.cmpi ne, %sign3A_232, %sign3A_239 : i32
    %rem3A_241 = arith.remsi %reduce_max3A_223, %jit3A_224 : i32
    %ne3A_242 = arith.constant 0 : i32
    %ne3A_243 = arith.cmpi ne, %rem3A_241, %ne3A_242 : i32
    %and3A_244 = arith.andi %ne3A_240, %ne3A_243 : i1
    %sub3A_245 = arith.constant 1 : i32
    %sub3A_246 = arith.subi %div3A_225, %sub3A_245 : i32
    %select_n3A_247 = arith.select %and3A_244, %sub3A_246, %div3A_225 : i32
    %mul3A_248 = arith.constant 128 : i32
    %mul3A_249 = arith.muli %select_n3A_247, %mul3A_248 : i32
    %multiple_of3A_250 = tpu.assume_multiple %mul3A_249, 128 : i32
    %dma_start3A_251 = arith.constant 3 : i32
    %dma_start3A_252 = arith.constant 0 : i32
    %dma_start3A_253 = arith.constant 0 : i32
    %dma_start3A_254 = tpu.memref_slice %arg7[%dma_start3A_251, %dma_start3A_252, %dma_start3A_253] : memref<8x64x128xf32, #tpu.memory_space<vmem>> -> memref<1x64x128xf32, #tpu.memory_space<vmem>>
    %dma_start3A_255 = tpu.memref_squeeze %dma_start3A_254 : memref<1x64x128xf32, #tpu.memory_space<vmem>> -> memref<64x128xf32, #tpu.memory_space<vmem>>
    %dma_start3A_256 = arith.constant 0 : i32
    %dma_start3A_257 = tpu.memref_slice %arg3[%dma_start3A_256, %multiple_of3A_250] : memref<64x1000000xf32, #tpu.memory_space<hbm>> -> memref<64x128xf32, #tpu.memory_space<hbm>>
    %dma_start3A_258 = arith.constant 0 : i32
    %dma_start3A_259 = arith.constant 0 : i32
    %dma_start3A_260 = tpu.memref_slice %arg7[%dma_start3A_251, %dma_start3A_258, %dma_start3A_259] : memref<8x64x128xf32, #tpu.memory_space<vmem>> -> memref<1x64x128xf32, #tpu.memory_space<vmem>>
    %dma_start3A_261 = tpu.memref_squeeze %dma_start3A_260 : memref<1x64x128xf32, #tpu.memory_space<vmem>> -> memref<64x128xf32, #tpu.memory_space<vmem>>
    %dma_start3A_262 = arith.constant 0 : i32
    %dma_start3A_263 = tpu.memref_slice %arg3[%dma_start3A_262, %multiple_of3A_250] : memref<64x1000000xf32, #tpu.memory_space<hbm>> -> memref<64x128xf32, #tpu.memory_space<hbm>>
    tpu.enqueue_dma source(%dma_start3A_263 : memref<64x128xf32, #tpu.memory_space<hbm>>) target(%dma_start3A_261 : memref<64x128xf32, #tpu.memory_space<vmem>>) target_semaphore(%arg10 : memref<!tpu.dma_semaphore, #tpu.memory_space<semaphore_mem>>)
    %scan3A = arith.constant 0 : i32
    %scan3A_264 = arith.constant 32 : i32
    %scan3A_265 = arith.addi %scan3A, %scan3A_264 : i32
    %scan3A_266 = arith.constant 1 : i32
    scf.for %scan3A_276 = %scan3A to %scan3A_265 step %scan3A_266  : i32 {
      %mul3A_277 = arith.constant 2 : i32
      %mul3A_278 = arith.muli %mul3A_277, %scan3A_276 : i32
      %add3A_279 = arith.constant 1 : i32
      %add3A_280 = arith.addi %mul3A_278, %add3A_279 : i32
      %mul3A_281 = arith.constant 4 : i32
      %mul3A_282 = arith.muli %add3A_280, %mul3A_281 : i32
      %add3A_283 = arith.constant 0 : i32
      %add3A_284 = arith.addi %mul3A_282, %add3A_283 : i32
      %jit3A_285 = arith.constant 16 : i32
      %div3A_286 = arith.divsi %add3A_284, %jit3A_285 : i32
      %sign3A_287 = arith.constant 0 : i32
      %sign3A_288 = arith.cmpi sgt, %add3A_284, %sign3A_287 : i32
      %sign3A_289 = arith.extui %sign3A_288 : i1 to i32
      %sign3A_290 = arith.constant 0 : i32
      %sign3A_291 = arith.cmpi slt, %add3A_284, %sign3A_290 : i32
      %sign3A_292 = arith.extui %sign3A_291 : i1 to i32
      %sign3A_293 = arith.subi %sign3A_289, %sign3A_292 : i32
      %sign3A_294 = arith.constant 0 : i32
      %sign3A_295 = arith.cmpi sgt, %jit3A_285, %sign3A_294 : i32
      %sign3A_296 = arith.extui %sign3A_295 : i1 to i32
      %sign3A_297 = arith.constant 0 : i32
      %sign3A_298 = arith.cmpi slt, %jit3A_285, %sign3A_297 : i32
      %sign3A_299 = arith.extui %sign3A_298 : i1 to i32
      %sign3A_300 = arith.subi %sign3A_296, %sign3A_299 : i32
      %ne3A_301 = arith.cmpi ne, %sign3A_293, %sign3A_300 : i32
      %rem3A_302 = arith.remsi %add3A_284, %jit3A_285 : i32
      %ne3A_303 = arith.constant 0 : i32
      %ne3A_304 = arith.cmpi ne, %rem3A_302, %ne3A_303 : i32
      %and3A_305 = arith.andi %ne3A_301, %ne3A_304 : i1
      %sub3A_306 = arith.constant 1 : i32
      %sub3A_307 = arith.subi %div3A_286, %sub3A_306 : i32
      %select_n3A_308 = arith.select %and3A_305, %sub3A_307, %div3A_286 : i32
      %mul3A_309 = arith.constant 16 : i32
      %mul3A_310 = arith.muli %select_n3A_308, %mul3A_309 : i32
      %multiple_of3A_311 = tpu.assume_multiple %mul3A_310, 16 : i32
      %get3A_312 = arith.index_cast %multiple_of3A_311 : i32 to index
      %get3A_313 = tpu.vector_load %arg6[%get3A_312] {strides = array<i32>} : memref<256xi32, #tpu.memory_space<vmem>>, vector<16xi32>,
      %jit3A_314 = arith.constant 16 : i32
      %eq3A_315 = arith.constant 0 : i32
      %eq3A_316 = arith.cmpi eq, %jit3A_314, %eq3A_315 : i32
      %jit3A_317 = arith.constant 1 : i32
      %select_n3A_318 = arith.select %eq3A_316, %jit3A_317, %jit3A_314 : i32
      %rem3A_319 = arith.remsi %add3A_284, %select_n3A_318 : i32
      %ne3A_320 = arith.constant 0 : i32
      %ne3A_321 = arith.cmpi ne, %rem3A_319, %ne3A_320 : i32
      %lt3A_322 = arith.constant 0 : i32
      %lt3A_323 = arith.cmpi slt, %rem3A_319, %lt3A_322 : i32
      %lt3A_324 = arith.constant 0 : i32
      %lt3A_325 = arith.cmpi slt, %select_n3A_318, %lt3A_324 : i32
      %ne3A_326 = arith.xori %lt3A_323, %lt3A_325 : i1
      %and3A_327 = arith.andi %ne3A_326, %ne3A_321 : i1
      %add3A_328 = arith.addi %rem3A_319, %select_n3A_318 : i32
      %select_n3A_329 = arith.select %and3A_327, %add3A_328, %rem3A_319 : i32
      %broadcast_in_dim3A_330 = vector.broadcast %select_n3A_329 : i32 to vector<16xi32>
      %eq3A_331 = arith.cmpi eq, %iota3A, %broadcast_in_dim3A_330 : vector<16xi32>
      %jit3A_332 = arith.constant 0 : i32
      %broadcast_in_dim3A_333 = vector.broadcast %jit3A_332 : i32 to vector<16xi32>
      %select_n3A_334 = arith.select %eq3A_331, %get3A_313, %broadcast_in_dim3A_333 : vector<16xi1>, vector<16xi32>
      %reduce_max3A_335 = arith.constant true
      %reduce_max3A_336 = vector.broadcast %reduce_max3A_335 : i1 to vector<16xi1>
      %reduce_max3A_337 = arith.constant -2147483648 : i32
      %reduce_max3A_338 = vector.broadcast %reduce_max3A_337 : i32 to vector<16xi32>
      %reduce_max3A_339 = arith.xori %select_n3A_334, %reduce_max3A_338 : vector<16xi32>
      %reduce_max3A_340 = tpu.scan <max>, %reduce_max3A_339 masked %reduce_max3A_336 : vector<16xi32>, vector<16xi1> -> vector<16xi32>
      %reduce_max3A_341 = arith.xori %reduce_max3A_340, %reduce_max3A_338 : vector<16xi32>
      %reduce_max3A_342 = vector.extract %reduce_max3A_341[15] : i32 from vector<16xi32>
      %jit3A_343 = arith.constant 128 : i32
      %div3A_344 = arith.divsi %reduce_max3A_342, %jit3A_343 : i32
      %sign3A_345 = arith.constant 0 : i32
      %sign3A_346 = arith.cmpi sgt, %reduce_max3A_342, %sign3A_345 : i32
      %sign3A_347 = arith.extui %sign3A_346 : i1 to i32
      %sign3A_348 = arith.constant 0 : i32
      %sign3A_349 = arith.cmpi slt, %reduce_max3A_342, %sign3A_348 : i32
      %sign3A_350 = arith.extui %sign3A_349 : i1 to i32
      %sign3A_351 = arith.subi %sign3A_347, %sign3A_350 : i32
      %sign3A_352 = arith.constant 0 : i32
      %sign3A_353 = arith.cmpi sgt, %jit3A_343, %sign3A_352 : i32
      %sign3A_354 = arith.extui %sign3A_353 : i1 to i32
      %sign3A_355 = arith.constant 0 : i32
      %sign3A_356 = arith.cmpi slt, %jit3A_343, %sign3A_355 : i32
      %sign3A_357 = arith.extui %sign3A_356 : i1 to i32
      %sign3A_358 = arith.subi %sign3A_354, %sign3A_357 : i32
      %ne3A_359 = arith.cmpi ne, %sign3A_351, %sign3A_358 : i32
      %rem3A_360 = arith.remsi %reduce_max3A_342, %jit3A_343 : i32
      %ne3A_361 = arith.constant 0 : i32
      %ne3A_362 = arith.cmpi ne, %rem3A_360, %ne3A_361 : i32
      %and3A_363 = arith.andi %ne3A_359, %ne3A_362 : i1
      %sub3A_364 = arith.constant 1 : i32
      %sub3A_365 = arith.subi %div3A_344, %sub3A_364 : i32
      %select_n3A_366 = arith.select %and3A_363, %sub3A_365, %div3A_344 : i32
      %mul3A_367 = arith.constant 128 : i32
      %mul3A_368 = arith.muli %select_n3A_366, %mul3A_367 : i32
      %multiple_of3A_369 = tpu.assume_multiple %mul3A_368, 128 : i32
      %dma_start3A_370 = arith.constant 4 : i32
      %dma_start3A_371 = arith.constant 0 : i32
      %dma_start3A_372 = arith.constant 0 : i32
      %dma_start3A_373 = tpu.memref_slice %arg7[%dma_start3A_370, %dma_start3A_371, %dma_start3A_372] : memref<8x64x128xf32, #tpu.memory_space<vmem>> -> memref<1x64x128xf32, #tpu.memory_space<vmem>>
      %dma_start3A_374 = tpu.memref_squeeze %dma_start3A_373 : memref<1x64x128xf32, #tpu.memory_space<vmem>> -> memref<64x128xf32, #tpu.memory_space<vmem>>
      %dma_start3A_375 = arith.constant 0 : i32
      %dma_start3A_376 = tpu.memref_slice %arg3[%dma_start3A_375, %multiple_of3A_369] : memref<64x1000000xf32, #tpu.memory_space<hbm>> -> memref<64x128xf32, #tpu.memory_space<hbm>>
      %dma_start3A_377 = arith.constant 0 : i32
      %dma_start3A_378 = arith.constant 0 : i32
      %dma_start3A_379 = tpu.memref_slice %arg7[%dma_start3A_370, %dma_start3A_377, %dma_start3A_378] : memref<8x64x128xf32, #tpu.memory_space<vmem>> -> memref<1x64x128xf32, #tpu.memory_space<vmem>>
      %dma_start3A_380 = tpu.memref_squeeze %dma_start3A_379 : memref<1x64x128xf32, #tpu.memory_space<vmem>> -> memref<64x128xf32, #tpu.memory_space<vmem>>
      %dma_start3A_381 = arith.constant 0 : i32
      %dma_start3A_382 = tpu.memref_slice %arg3[%dma_start3A_381, %multiple_of3A_369] : memref<64x1000000xf32, #tpu.memory_space<hbm>> -> memref<64x128xf32, #tpu.memory_space<hbm>>
      tpu.enqueue_dma source(%dma_start3A_382 : memref<64x128xf32, #tpu.memory_space<hbm>>) target(%dma_start3A_380 : memref<64x128xf32, #tpu.memory_space<vmem>>) target_semaphore(%arg11 : memref<!tpu.dma_semaphore, #tpu.memory_space<semaphore_mem>>)
      %mul3A_383 = arith.constant 4 : i32
      %mul3A_384 = arith.muli %add3A_280, %mul3A_383 : i32
      %add3A_385 = arith.constant 1 : i32
      %add3A_386 = arith.addi %mul3A_384, %add3A_385 : i32
      %jit3A_387 = arith.constant 16 : i32
      %div3A_388 = arith.divsi %add3A_386, %jit3A_387 : i32
      %sign3A_389 = arith.constant 0 : i32
      %sign3A_390 = arith.cmpi sgt, %add3A_386, %sign3A_389 : i32
      %sign3A_391 = arith.extui %sign3A_390 : i1 to i32
      %sign3A_392 = arith.constant 0 : i32
      %sign3A_393 = arith.cmpi slt, %add3A_386, %sign3A_392 : i32
      %sign3A_394 = arith.extui %sign3A_393 : i1 to i32
      %sign3A_395 = arith.subi %sign3A_391, %sign3A_394 : i32
      %sign3A_396 = arith.constant 0 : i32
      %sign3A_397 = arith.cmpi sgt, %jit3A_387, %sign3A_396 : i32
      %sign3A_398 = arith.extui %sign3A_397 : i1 to i32
      %sign3A_399 = arith.constant 0 : i32
      %sign3A_400 = arith.cmpi slt, %jit3A_387, %sign3A_399 : i32
      %sign3A_401 = arith.extui %sign3A_400 : i1 to i32
      %sign3A_402 = arith.subi %sign3A_398, %sign3A_401 : i32
      %ne3A_403 = arith.cmpi ne, %sign3A_395, %sign3A_402 : i32
      %rem3A_404 = arith.remsi %add3A_386, %jit3A_387 : i32
      %ne3A_405 = arith.constant 0 : i32
      %ne3A_406 = arith.cmpi ne, %rem3A_404, %ne3A_405 : i32
      %and3A_407 = arith.andi %ne3A_403, %ne3A_406 : i1
      %sub3A_408 = arith.constant 1 : i32
      %sub3A_409 = arith.subi %div3A_388, %sub3A_408 : i32
      %select_n3A_410 = arith.select %and3A_407, %sub3A_409, %div3A_388 : i32
      %mul3A_411 = arith.constant 16 : i32
      %mul3A_412 = arith.muli %select_n3A_410, %mul3A_411 : i32
      %multiple_of3A_413 = tpu.assume_multiple %mul3A_412, 16 : i32
      %get3A_414 = arith.index_cast %multiple_of3A_413 : i32 to index
      %get3A_415 = tpu.vector_load %arg6[%get3A_414] {strides = array<i32>} : memref<256xi32, #tpu.memory_space<vmem>>, vector<16xi32>,
      %jit3A_416 = arith.constant 16 : i32
      %eq3A_417 = arith.constant 0 : i32
      %eq3A_418 = arith.cmpi eq, %jit3A_416, %eq3A_417 : i32
      %jit3A_419 = arith.constant 1 : i32
      %select_n3A_420 = arith.select %eq3A_418, %jit3A_419, %jit3A_416 : i32
      %rem3A_421 = arith.remsi %add3A_386, %select_n3A_420 : i32
      %ne3A_422 = arith.constant 0 : i32
      %ne3A_423 = arith.cmpi ne, %rem3A_421, %ne3A_422 : i32
      %lt3A_424 = arith.constant 0 : i32
      %lt3A_425 = arith.cmpi slt, %rem3A_421, %lt3A_424 : i32
      %lt3A_426 = arith.constant 0 : i32
      %lt3A_427 = arith.cmpi slt, %select_n3A_420, %lt3A_426 : i32
      %ne3A_428 = arith.xori %lt3A_425, %lt3A_427 : i1
      %and3A_429 = arith.andi %ne3A_428, %ne3A_423 : i1
      %add3A_430 = arith.addi %rem3A_421, %select_n3A_420 : i32
      %select_n3A_431 = arith.select %and3A_429, %add3A_430, %rem3A_421 : i32
      %broadcast_in_dim3A_432 = vector.broadcast %select_n3A_431 : i32 to vector<16xi32>
      %eq3A_433 = arith.cmpi eq, %iota3A, %broadcast_in_dim3A_432 : vector<16xi32>
      %jit3A_434 = arith.constant 0 : i32
      %broadcast_in_dim3A_435 = vector.broadcast %jit3A_434 : i32 to vector<16xi32>
      %select_n3A_436 = arith.select %eq3A_433, %get3A_415, %broadcast_in_dim3A_435 : vector<16xi1>, vector<16xi32>
      %reduce_max3A_437 = arith.constant true
      %reduce_max3A_438 = vector.broadcast %reduce_max3A_437 : i1 to vector<16xi1>
      %reduce_max3A_439 = arith.constant -2147483648 : i32
      %reduce_max3A_440 = vector.broadcast %reduce_max3A_439 : i32 to vector<16xi32>
      %reduce_max3A_441 = arith.xori %select_n3A_436, %reduce_max3A_440 : vector<16xi32>
      %reduce_max3A_442 = tpu.scan <max>, %reduce_max3A_441 masked %reduce_max3A_438 : vector<16xi32>, vector<16xi1> -> vector<16xi32>
      %reduce_max3A_443 = arith.xori %reduce_max3A_442, %reduce_max3A_440 : vector<16xi32>
      %reduce_max3A_444 = vector.extract %reduce_max3A_443[15] : i32 from vector<16xi32>
      %jit3A_445 = arith.constant 128 : i32
      %div3A_446 = arith.divsi %reduce_max3A_444, %jit3A_445 : i32
      %sign3A_447 = arith.constant 0 : i32
      %sign3A_448 = arith.cmpi sgt, %reduce_max3A_444, %sign3A_447 : i32
      %sign3A_449 = arith.extui %sign3A_448 : i1 to i32
      %sign3A_450 = arith.constant 0 : i32
      %sign3A_451 = arith.cmpi slt, %reduce_max3A_444, %sign3A_450 : i32
      %sign3A_452 = arith.extui %sign3A_451 : i1 to i32
      %sign3A_453 = arith.subi %sign3A_449, %sign3A_452 : i32
      %sign3A_454 = arith.constant 0 : i32
      %sign3A_455 = arith.cmpi sgt, %jit3A_445, %sign3A_454 : i32
      %sign3A_456 = arith.extui %sign3A_455 : i1 to i32
      %sign3A_457 = arith.constant 0 : i32
      %sign3A_458 = arith.cmpi slt, %jit3A_445, %sign3A_457 : i32
      %sign3A_459 = arith.extui %sign3A_458 : i1 to i32
      %sign3A_460 = arith.subi %sign3A_456, %sign3A_459 : i32
      %ne3A_461 = arith.cmpi ne, %sign3A_453, %sign3A_460 : i32
      %rem3A_462 = arith.remsi %reduce_max3A_444, %jit3A_445 : i32
      %ne3A_463 = arith.constant 0 : i32
      %ne3A_464 = arith.cmpi ne, %rem3A_462, %ne3A_463 : i32
      %and3A_465 = arith.andi %ne3A_461, %ne3A_464 : i1
      %sub3A_466 = arith.constant 1 : i32
      %sub3A_467 = arith.subi %div3A_446, %sub3A_466 : i32
      %select_n3A_468 = arith.select %and3A_465, %sub3A_467, %div3A_446 : i32
      %mul3A_469 = arith.constant 128 : i32
      %mul3A_470 = arith.muli %select_n3A_468, %mul3A_469 : i32
      %multiple_of3A_471 = tpu.assume_multiple %mul3A_470, 128 : i32
      %dma_start3A_472 = arith.constant 5 : i32
      %dma_start3A_473 = arith.constant 0 : i32
      %dma_start3A_474 = arith.constant 0 : i32
      %dma_start3A_475 = tpu.memref_slice %arg7[%dma_start3A_472, %dma_start3A_473, %dma_start3A_474] : memref<8x64x128xf32, #tpu.memory_space<vmem>> -> memref<1x64x128xf32, #tpu.memory_space<vmem>>
      %dma_start3A_476 = tpu.memref_squeeze %dma_start3A_475 : memref<1x64x128xf32, #tpu.memory_space<vmem>> -> memref<64x128xf32, #tpu.memory_space<vmem>>
      %dma_start3A_477 = arith.constant 0 : i32
      %dma_start3A_478 = tpu.memref_slice %arg3[%dma_start3A_477, %multiple_of3A_471] : memref<64x1000000xf32, #tpu.memory_space<hbm>> -> memref<64x128xf32, #tpu.memory_space<hbm>>
      %dma_start3A_479 = arith.constant 0 : i32
      %dma_start3A_480 = arith.constant 0 : i32
      %dma_start3A_481 = tpu.memref_slice %arg7[%dma_start3A_472, %dma_start3A_479, %dma_start3A_480] : memref<8x64x128xf32, #tpu.memory_space<vmem>> -> memref<1x64x128xf32, #tpu.memory_space<vmem>>
      %dma_start3A_482 = tpu.memref_squeeze %dma_start3A_481 : memref<1x64x128xf32, #tpu.memory_space<vmem>> -> memref<64x128xf32, #tpu.memory_space<vmem>>
      %dma_start3A_483 = arith.constant 0 : i32
      %dma_start3A_484 = tpu.memref_slice %arg3[%dma_start3A_483, %multiple_of3A_471] : memref<64x1000000xf32, #tpu.memory_space<hbm>> -> memref<64x128xf32, #tpu.memory_space<hbm>>
      tpu.enqueue_dma source(%dma_start3A_484 : memref<64x128xf32, #tpu.memory_space<hbm>>) target(%dma_start3A_482 : memref<64x128xf32, #tpu.memory_space<vmem>>) target_semaphore(%arg11 : memref<!tpu.dma_semaphore, #tpu.memory_space<semaphore_mem>>)
      %mul3A_485 = arith.constant 4 : i32
      %mul3A_486 = arith.muli %add3A_280, %mul3A_485 : i32
      %add3A_487 = arith.constant 2 : i32
      %add3A_488 = arith.addi %mul3A_486, %add3A_487 : i32
      %jit3A_489 = arith.constant 16 : i32
      %div3A_490 = arith.divsi %add3A_488, %jit3A_489 : i32
      %sign3A_491 = arith.constant 0 : i32
      %sign3A_492 = arith.cmpi sgt, %add3A_488, %sign3A_491 : i32
      %sign3A_493 = arith.extui %sign3A_492 : i1 to i32
      %sign3A_494 = arith.constant 0 : i32
      %sign3A_495 = arith.cmpi slt, %add3A_488, %sign3A_494 : i32
      %sign3A_496 = arith.extui %sign3A_495 : i1 to i32
      %sign3A_497 = arith.subi %sign3A_493, %sign3A_496 : i32
      %sign3A_498 = arith.constant 0 : i32
      %sign3A_499 = arith.cmpi sgt, %jit3A_489, %sign3A_498 : i32
      %sign3A_500 = arith.extui %sign3A_499 : i1 to i32
      %sign3A_501 = arith.constant 0 : i32
      %sign3A_502 = arith.cmpi slt, %jit3A_489, %sign3A_501 : i32
      %sign3A_503 = arith.extui %sign3A_502 : i1 to i32
      %sign3A_504 = arith.subi %sign3A_500, %sign3A_503 : i32
      %ne3A_505 = arith.cmpi ne, %sign3A_497, %sign3A_504 : i32
      %rem3A_506 = arith.remsi %add3A_488, %jit3A_489 : i32
      %ne3A_507 = arith.constant 0 : i32
      %ne3A_508 = arith.cmpi ne, %rem3A_506, %ne3A_507 : i32
      %and3A_509 = arith.andi %ne3A_505, %ne3A_508 : i1
      %sub3A_510 = arith.constant 1 : i32
      %sub3A_511 = arith.subi %div3A_490, %sub3A_510 : i32
      %select_n3A_512 = arith.select %and3A_509, %sub3A_511, %div3A_490 : i32
      %mul3A_513 = arith.constant 16 : i32
      %mul3A_514 = arith.muli %select_n3A_512, %mul3A_513 : i32
      %multiple_of3A_515 = tpu.assume_multiple %mul3A_514, 16 : i32
      %get3A_516 = arith.index_cast %multiple_of3A_515 : i32 to index
      %get3A_517 = tpu.vector_load %arg6[%get3A_516] {strides = array<i32>} : memref<256xi32, #tpu.memory_space<vmem>>, vector<16xi32>,
      %jit3A_518 = arith.constant 16 : i32
      %eq3A_519 = arith.constant 0 : i32
      %eq3A_520 = arith.cmpi eq, %jit3A_518, %eq3A_519 : i32
      %jit3A_521 = arith.constant 1 : i32
      %select_n3A_522 = arith.select %eq3A_520, %jit3A_521, %jit3A_518 : i32
      %rem3A_523 = arith.remsi %add3A_488, %select_n3A_522 : i32
      %ne3A_524 = arith.constant 0 : i32
      %ne3A_525 = arith.cmpi ne, %rem3A_523, %ne3A_524 : i32
      %lt3A_526 = arith.constant 0 : i32
      %lt3A_527 = arith.cmpi slt, %rem3A_523, %lt3A_526 : i32
      %lt3A_528 = arith.constant 0 : i32
      %lt3A_529 = arith.cmpi slt, %select_n3A_522, %lt3A_528 : i32
      %ne3A_530 = arith.xori %lt3A_527, %lt3A_529 : i1
      %and3A_531 = arith.andi %ne3A_530, %ne3A_525 : i1
      %add3A_532 = arith.addi %rem3A_523, %select_n3A_522 : i32
      %select_n3A_533 = arith.select %and3A_531, %add3A_532, %rem3A_523 : i32
      %broadcast_in_dim3A_534 = vector.broadcast %select_n3A_533 : i32 to vector<16xi32>
      %eq3A_535 = arith.cmpi eq, %iota3A, %broadcast_in_dim3A_534 : vector<16xi32>
      %jit3A_536 = arith.constant 0 : i32
      %broadcast_in_dim3A_537 = vector.broadcast %jit3A_536 : i32 to vector<16xi32>
      %select_n3A_538 = arith.select %eq3A_535, %get3A_517, %broadcast_in_dim3A_537 : vector<16xi1>, vector<16xi32>
      %reduce_max3A_539 = arith.constant true
      %reduce_max3A_540 = vector.broadcast %reduce_max3A_539 : i1 to vector<16xi1>
      %reduce_max3A_541 = arith.constant -2147483648 : i32
      %reduce_max3A_542 = vector.broadcast %reduce_max3A_541 : i32 to vector<16xi32>
      %reduce_max3A_543 = arith.xori %select_n3A_538, %reduce_max3A_542 : vector<16xi32>
      %reduce_max3A_544 = tpu.scan <max>, %reduce_max3A_543 masked %reduce_max3A_540 : vector<16xi32>, vector<16xi1> -> vector<16xi32>
      %reduce_max3A_545 = arith.xori %reduce_max3A_544, %reduce_max3A_542 : vector<16xi32>
      %reduce_max3A_546 = vector.extract %reduce_max3A_545[15] : i32 from vector<16xi32>
      %jit3A_547 = arith.constant 128 : i32
      %div3A_548 = arith.divsi %reduce_max3A_546, %jit3A_547 : i32
      %sign3A_549 = arith.constant 0 : i32
      %sign3A_550 = arith.cmpi sgt, %reduce_max3A_546, %sign3A_549 : i32
      %sign3A_551 = arith.extui %sign3A_550 : i1 to i32
      %sign3A_552 = arith.constant 0 : i32
      %sign3A_553 = arith.cmpi slt, %reduce_max3A_546, %sign3A_552 : i32
      %sign3A_554 = arith.extui %sign3A_553 : i1 to i32
      %sign3A_555 = arith.subi %sign3A_551, %sign3A_554 : i32
      %sign3A_556 = arith.constant 0 : i32
      %sign3A_557 = arith.cmpi sgt, %jit3A_547, %sign3A_556 : i32
      %sign3A_558 = arith.extui %sign3A_557 : i1 to i32
      %sign3A_559 = arith.constant 0 : i32
      %sign3A_560 = arith.cmpi slt, %jit3A_547, %sign3A_559 : i32
      %sign3A_561 = arith.extui %sign3A_560 : i1 to i32
      %sign3A_562 = arith.subi %sign3A_558, %sign3A_561 : i32
      %ne3A_563 = arith.cmpi ne, %sign3A_555, %sign3A_562 : i32
      %rem3A_564 = arith.remsi %reduce_max3A_546, %jit3A_547 : i32
      %ne3A_565 = arith.constant 0 : i32
      %ne3A_566 = arith.cmpi ne, %rem3A_564, %ne3A_565 : i32
      %and3A_567 = arith.andi %ne3A_563, %ne3A_566 : i1
      %sub3A_568 = arith.constant 1 : i32
      %sub3A_569 = arith.subi %div3A_548, %sub3A_568 : i32
      %select_n3A_570 = arith.select %and3A_567, %sub3A_569, %div3A_548 : i32
      %mul3A_571 = arith.constant 128 : i32
      %mul3A_572 = arith.muli %select_n3A_570, %mul3A_571 : i32
      %multiple_of3A_573 = tpu.assume_multiple %mul3A_572, 128 : i32
      %dma_start3A_574 = arith.constant 6 : i32
      %dma_start3A_575 = arith.constant 0 : i32
      %dma_start3A_576 = arith.constant 0 : i32
      %dma_start3A_577 = tpu.memref_slice %arg7[%dma_start3A_574, %dma_start3A_575, %dma_start3A_576] : memref<8x64x128xf32, #tpu.memory_space<vmem>> -> memref<1x64x128xf32, #tpu.memory_space<vmem>>
      %dma_start3A_578 = tpu.memref_squeeze %dma_start3A_577 : memref<1x64x128xf32, #tpu.memory_space<vmem>> -> memref<64x128xf32, #tpu.memory_space<vmem>>
      %dma_start3A_579 = arith.constant 0 : i32
      %dma_start3A_580 = tpu.memref_slice %arg3[%dma_start3A_579, %multiple_of3A_573] : memref<64x1000000xf32, #tpu.memory_space<hbm>> -> memref<64x128xf32, #tpu.memory_space<hbm>>
      %dma_start3A_581 = arith.constant 0 : i32
      %dma_start3A_582 = arith.constant 0 : i32
      %dma_start3A_583 = tpu.memref_slice %arg7[%dma_start3A_574, %dma_start3A_581, %dma_start3A_582] : memref<8x64x128xf32, #tpu.memory_space<vmem>> -> memref<1x64x128xf32, #tpu.memory_space<vmem>>
      %dma_start3A_584 = tpu.memref_squeeze %dma_start3A_583 : memref<1x64x128xf32, #tpu.memory_space<vmem>> -> memref<64x128xf32, #tpu.memory_space<vmem>>
      %dma_start3A_585 = arith.constant 0 : i32
      %dma_start3A_586 = tpu.memref_slice %arg3[%dma_start3A_585, %multiple_of3A_573] : memref<64x1000000xf32, #tpu.memory_space<hbm>> -> memref<64x128xf32, #tpu.memory_space<hbm>>
      tpu.enqueue_dma source(%dma_start3A_586 : memref<64x128xf32, #tpu.memory_space<hbm>>) target(%dma_start3A_584 : memref<64x128xf32, #tpu.memory_space<vmem>>) target_semaphore(%arg11 : memref<!tpu.dma_semaphore, #tpu.memory_space<semaphore_mem>>)
      %mul3A_587 = arith.constant 4 : i32
      %mul3A_588 = arith.muli %add3A_280, %mul3A_587 : i32
      %add3A_589 = arith.constant 3 : i32
      %add3A_590 = arith.addi %mul3A_588, %add3A_589 : i32
      %jit3A_591 = arith.constant 16 : i32
      %div3A_592 = arith.divsi %add3A_590, %jit3A_591 : i32
      %sign3A_593 = arith.constant 0 : i32
      %sign3A_594 = arith.cmpi sgt, %add3A_590, %sign3A_593 : i32
      %sign3A_595 = arith.extui %sign3A_594 : i1 to i32
      %sign3A_596 = arith.constant 0 : i32
      %sign3A_597 = arith.cmpi slt, %add3A_590, %sign3A_596 : i32
      %sign3A_598 = arith.extui %sign3A_597 : i1 to i32
      %sign3A_599 = arith.subi %sign3A_595, %sign3A_598 : i32
      %sign3A_600 = arith.constant 0 : i32
      %sign3A_601 = arith.cmpi sgt, %jit3A_591, %sign3A_600 : i32
      %sign3A_602 = arith.extui %sign3A_601 : i1 to i32
      %sign3A_603 = arith.constant 0 : i32
      %sign3A_604 = arith.cmpi slt, %jit3A_591, %sign3A_603 : i32
      %sign3A_605 = arith.extui %sign3A_604 : i1 to i32
      %sign3A_606 = arith.subi %sign3A_602, %sign3A_605 : i32
      %ne3A_607 = arith.cmpi ne, %sign3A_599, %sign3A_606 : i32
      %rem3A_608 = arith.remsi %add3A_590, %jit3A_591 : i32
      %ne3A_609 = arith.constant 0 : i32
      %ne3A_610 = arith.cmpi ne, %rem3A_608, %ne3A_609 : i32
      %and3A_611 = arith.andi %ne3A_607, %ne3A_610 : i1
      %sub3A_612 = arith.constant 1 : i32
      %sub3A_613 = arith.subi %div3A_592, %sub3A_612 : i32
      %select_n3A_614 = arith.select %and3A_611, %sub3A_613, %div3A_592 : i32
      %mul3A_615 = arith.constant 16 : i32
      %mul3A_616 = arith.muli %select_n3A_614, %mul3A_615 : i32
      %multiple_of3A_617 = tpu.assume_multiple %mul3A_616, 16 : i32
      %get3A_618 = arith.index_cast %multiple_of3A_617 : i32 to index
      %get3A_619 = tpu.vector_load %arg6[%get3A_618] {strides = array<i32>} : memref<256xi32, #tpu.memory_space<vmem>>, vector<16xi32>,
      %jit3A_620 = arith.constant 16 : i32
      %eq3A_621 = arith.constant 0 : i32
      %eq3A_622 = arith.cmpi eq, %jit3A_620, %eq3A_621 : i32
      %jit3A_623 = arith.constant 1 : i32
      %select_n3A_624 = arith.select %eq3A_622, %jit3A_623, %jit3A_620 : i32
      %rem3A_625 = arith.remsi %add3A_590, %select_n3A_624 : i32
      %ne3A_626 = arith.constant 0 : i32
      %ne3A_627 = arith.cmpi ne, %rem3A_625, %ne3A_626 : i32
      %lt3A_628 = arith.constant 0 : i32
      %lt3A_629 = arith.cmpi slt, %rem3A_625, %lt3A_628 : i32
      %lt3A_630 = arith.constant 0 : i32
      %lt3A_631 = arith.cmpi slt, %select_n3A_624, %lt3A_630 : i32
      %ne3A_632 = arith.xori %lt3A_629, %lt3A_631 : i1
      %and3A_633 = arith.andi %ne3A_632, %ne3A_627 : i1
      %add3A_634 = arith.addi %rem3A_625, %select_n3A_624 : i32
      %select_n3A_635 = arith.select %and3A_633, %add3A_634, %rem3A_625 : i32
      %broadcast_in_dim3A_636 = vector.broadcast %select_n3A_635 : i32 to vector<16xi32>
      %eq3A_637 = arith.cmpi eq, %iota3A, %broadcast_in_dim3A_636 : vector<16xi32>
      %jit3A_638 = arith.constant 0 : i32
      %broadcast_in_dim3A_639 = vector.broadcast %jit3A_638 : i32 to vector<16xi32>
      %select_n3A_640 = arith.select %eq3A_637, %get3A_619, %broadcast_in_dim3A_639 : vector<16xi1>, vector<16xi32>
      %reduce_max3A_641 = arith.constant true
      %reduce_max3A_642 = vector.broadcast %reduce_max3A_641 : i1 to vector<16xi1>
      %reduce_max3A_643 = arith.constant -2147483648 : i32
      %reduce_max3A_644 = vector.broadcast %reduce_max3A_643 : i32 to vector<16xi32>
      %reduce_max3A_645 = arith.xori %select_n3A_640, %reduce_max3A_644 : vector<16xi32>
      %reduce_max3A_646 = tpu.scan <max>, %reduce_max3A_645 masked %reduce_max3A_642 : vector<16xi32>, vector<16xi1> -> vector<16xi32>
      %reduce_max3A_647 = arith.xori %reduce_max3A_646, %reduce_max3A_644 : vector<16xi32>
      %reduce_max3A_648 = vector.extract %reduce_max3A_647[15] : i32 from vector<16xi32>
      %jit3A_649 = arith.constant 128 : i32
      %div3A_650 = arith.divsi %reduce_max3A_648, %jit3A_649 : i32
      %sign3A_651 = arith.constant 0 : i32
      %sign3A_652 = arith.cmpi sgt, %reduce_max3A_648, %sign3A_651 : i32
      %sign3A_653 = arith.extui %sign3A_652 : i1 to i32
      %sign3A_654 = arith.constant 0 : i32
      %sign3A_655 = arith.cmpi slt, %reduce_max3A_648, %sign3A_654 : i32
      %sign3A_656 = arith.extui %sign3A_655 : i1 to i32
      %sign3A_657 = arith.subi %sign3A_653, %sign3A_656 : i32
      %sign3A_658 = arith.constant 0 : i32
      %sign3A_659 = arith.cmpi sgt, %jit3A_649, %sign3A_658 : i32
      %sign3A_660 = arith.extui %sign3A_659 : i1 to i32
      %sign3A_661 = arith.constant 0 : i32
      %sign3A_662 = arith.cmpi slt, %jit3A_649, %sign3A_661 : i32
      %sign3A_663 = arith.extui %sign3A_662 : i1 to i32
      %sign3A_664 = arith.subi %sign3A_660, %sign3A_663 : i32
      %ne3A_665 = arith.cmpi ne, %sign3A_657, %sign3A_664 : i32
      %rem3A_666 = arith.remsi %reduce_max3A_648, %jit3A_649 : i32
      %ne3A_667 = arith.constant 0 : i32
      %ne3A_668 = arith.cmpi ne, %rem3A_666, %ne3A_667 : i32
      %and3A_669 = arith.andi %ne3A_665, %ne3A_668 : i1
      %sub3A_670 = arith.constant 1 : i32
      %sub3A_671 = arith.subi %div3A_650, %sub3A_670 : i32
      %select_n3A_672 = arith.select %and3A_669, %sub3A_671, %div3A_650 : i32
      %mul3A_673 = arith.constant 128 : i32
      %mul3A_674 = arith.muli %select_n3A_672, %mul3A_673 : i32
      %multiple_of3A_675 = tpu.assume_multiple %mul3A_674, 128 : i32
      %dma_start3A_676 = arith.constant 7 : i32
      %dma_start3A_677 = arith.constant 0 : i32
      %dma_start3A_678 = arith.constant 0 : i32
      %dma_start3A_679 = tpu.memref_slice %arg7[%dma_start3A_676, %dma_start3A_677, %dma_start3A_678] : memref<8x64x128xf32, #tpu.memory_space<vmem>> -> memref<1x64x128xf32, #tpu.memory_space<vmem>>
      %dma_start3A_680 = tpu.memref_squeeze %dma_start3A_679 : memref<1x64x128xf32, #tpu.memory_space<vmem>> -> memref<64x128xf32, #tpu.memory_space<vmem>>
      %dma_start3A_681 = arith.constant 0 : i32
      %dma_start3A_682 = tpu.memref_slice %arg3[%dma_start3A_681, %multiple_of3A_675] : memref<64x1000000xf32, #tpu.memory_space<hbm>> -> memref<64x128xf32, #tpu.memory_space<hbm>>
      %dma_start3A_683 = arith.constant 0 : i32
      %dma_start3A_684 = arith.constant 0 : i32
      %dma_start3A_685 = tpu.memref_slice %arg7[%dma_start3A_676, %dma_start3A_683, %dma_start3A_684] : memref<8x64x128xf32, #tpu.memory_space<vmem>> -> memref<1x64x128xf32, #tpu.memory_space<vmem>>
      %dma_start3A_686 = tpu.memref_squeeze %dma_start3A_685 : memref<1x64x128xf32, #tpu.memory_space<vmem>> -> memref<64x128xf32, #tpu.memory_space<vmem>>
      %dma_start3A_687 = arith.constant 0 : i32
      %dma_start3A_688 = tpu.memref_slice %arg3[%dma_start3A_687, %multiple_of3A_675] : memref<64x1000000xf32, #tpu.memory_space<hbm>> -> memref<64x128xf32, #tpu.memory_space<hbm>>
      tpu.enqueue_dma source(%dma_start3A_688 : memref<64x128xf32, #tpu.memory_space<hbm>>) target(%dma_start3A_686 : memref<64x128xf32, #tpu.memory_space<vmem>>) target_semaphore(%arg11 : memref<!tpu.dma_semaphore, #tpu.memory_space<semaphore_mem>>)
      %dma_wait3A_689 = arith.constant 0 : i32
      %dma_wait3A_690 = arith.constant 0 : i32
      %dma_wait3A_691 = arith.constant 0 : i32
      %dma_wait3A_692 = tpu.memref_slice %arg7[%dma_wait3A_689, %dma_wait3A_690, %dma_wait3A_691] : memref<8x64x128xf32, #tpu.memory_space<vmem>> -> memref<4x64x128xf32, #tpu.memory_space<vmem>>
      %dma_wait3A_693 = arith.constant 0 : i32
      %dma_wait3A_694 = arith.constant 0 : i32
      %dma_wait3A_695 = tpu.memref_slice %arg3[%dma_wait3A_693, %dma_wait3A_694] : memref<64x1000000xf32, #tpu.memory_space<hbm>> -> memref<64x512xf32, #tpu.memory_space<hbm>>
      %dma_wait3A_696 = arith.constant 0 : i32
      %dma_wait3A_697 = arith.constant 0 : i32
      %dma_wait3A_698 = arith.constant 0 : i32
      %dma_wait3A_699 = tpu.memref_slice %arg7[%dma_wait3A_696, %dma_wait3A_697, %dma_wait3A_698] : memref<8x64x128xf32, #tpu.memory_space<vmem>> -> memref<4x64x128xf32, #tpu.memory_space<vmem>>
      %dma_wait3A_700 = arith.constant 0 : i32
      %dma_wait3A_701 = arith.constant 0 : i32
      %dma_wait3A_702 = tpu.memref_slice %arg3[%dma_wait3A_700, %dma_wait3A_701] : memref<64x1000000xf32, #tpu.memory_space<hbm>> -> memref<64x512xf32, #tpu.memory_space<hbm>>
      tpu.wait_dma2 semaphore(%arg10 : memref<!tpu.dma_semaphore, #tpu.memory_space<semaphore_mem>>) src(%dma_wait3A_702 : memref<64x512xf32, #tpu.memory_space<hbm>>) dst(%dma_wait3A_699 : memref<4x64x128xf32, #tpu.memory_space<vmem>>)
      %mul3A_703 = arith.constant 4 : i32
      %mul3A_704 = arith.muli %mul3A_278, %mul3A_703 : i32
      %add3A_705 = arith.constant 0 : i32
      %add3A_706 = arith.addi %mul3A_704, %add3A_705 : i32
      %jit3A_707 = arith.constant 16 : i32
      %div3A_708 = arith.divsi %add3A_706, %jit3A_707 : i32
      %sign3A_709 = arith.constant 0 : i32
      %sign3A_710 = arith.cmpi sgt, %add3A_706, %sign3A_709 : i32
      %sign3A_711 = arith.extui %sign3A_710 : i1 to i32
      %sign3A_712 = arith.constant 0 : i32
      %sign3A_713 = arith.cmpi slt, %add3A_706, %sign3A_712 : i32
      %sign3A_714 = arith.extui %sign3A_713 : i1 to i32
      %sign3A_715 = arith.subi %sign3A_711, %sign3A_714 : i32
      %sign3A_716 = arith.constant 0 : i32
      %sign3A_717 = arith.cmpi sgt, %jit3A_707, %sign3A_716 : i32
      %sign3A_718 = arith.extui %sign3A_717 : i1 to i32
      %sign3A_719 = arith.constant 0 : i32
      %sign3A_720 = arith.cmpi slt, %jit3A_707, %sign3A_719 : i32
      %sign3A_721 = arith.extui %sign3A_720 : i1 to i32
      %sign3A_722 = arith.subi %sign3A_718, %sign3A_721 : i32
      %ne3A_723 = arith.cmpi ne, %sign3A_715, %sign3A_722 : i32
      %rem3A_724 = arith.remsi %add3A_706, %jit3A_707 : i32
      %ne3A_725 = arith.constant 0 : i32
      %ne3A_726 = arith.cmpi ne, %rem3A_724, %ne3A_725 : i32
      %and3A_727 = arith.andi %ne3A_723, %ne3A_726 : i1
      %sub3A_728 = arith.constant 1 : i32
      %sub3A_729 = arith.subi %div3A_708, %sub3A_728 : i32
      %select_n3A_730 = arith.select %and3A_727, %sub3A_729, %div3A_708 : i32
      %mul3A_731 = arith.constant 16 : i32
      %mul3A_732 = arith.muli %select_n3A_730, %mul3A_731 : i32
      %multiple_of3A_733 = tpu.assume_multiple %mul3A_732, 16 : i32
      %get3A_734 = arith.index_cast %multiple_of3A_733 : i32 to index
      %get3A_735 = tpu.vector_load %arg6[%get3A_734] {strides = array<i32>} : memref<256xi32, #tpu.memory_space<vmem>>, vector<16xi32>,
      %jit3A_736 = arith.constant 16 : i32
      %eq3A_737 = arith.constant 0 : i32
      %eq3A_738 = arith.cmpi eq, %jit3A_736, %eq3A_737 : i32
      %jit3A_739 = arith.constant 1 : i32
      %select_n3A_740 = arith.select %eq3A_738, %jit3A_739, %jit3A_736 : i32
      %rem3A_741 = arith.remsi %add3A_706, %select_n3A_740 : i32
      %ne3A_742 = arith.constant 0 : i32
      %ne3A_743 = arith.cmpi ne, %rem3A_741, %ne3A_742 : i32
      %lt3A_744 = arith.constant 0 : i32
      %lt3A_745 = arith.cmpi slt, %rem3A_741, %lt3A_744 : i32
      %lt3A_746 = arith.constant 0 : i32
      %lt3A_747 = arith.cmpi slt, %select_n3A_740, %lt3A_746 : i32
      %ne3A_748 = arith.xori %lt3A_745, %lt3A_747 : i1
      %and3A_749 = arith.andi %ne3A_748, %ne3A_743 : i1
      %add3A_750 = arith.addi %rem3A_741, %select_n3A_740 : i32
      %select_n3A_751 = arith.select %and3A_749, %add3A_750, %rem3A_741 : i32
      %broadcast_in_dim3A_752 = vector.broadcast %select_n3A_751 : i32 to vector<16xi32>
      %eq3A_753 = arith.cmpi eq, %iota3A, %broadcast_in_dim3A_752 : vector<16xi32>
      %jit3A_754 = arith.constant 0 : i32
      %broadcast_in_dim3A_755 = vector.broadcast %jit3A_754 : i32 to vector<16xi32>
      %select_n3A_756 = arith.select %eq3A_753, %get3A_735, %broadcast_in_dim3A_755 : vector<16xi1>, vector<16xi32>
      %reduce_max3A_757 = arith.constant true
      %reduce_max3A_758 = vector.broadcast %reduce_max3A_757 : i1 to vector<16xi1>
      %reduce_max3A_759 = arith.constant -2147483648 : i32
      %reduce_max3A_760 = vector.broadcast %reduce_max3A_759 : i32 to vector<16xi32>
      %reduce_max3A_761 = arith.xori %select_n3A_756, %reduce_max3A_760 : vector<16xi32>
      %reduce_max3A_762 = tpu.scan <max>, %reduce_max3A_761 masked %reduce_max3A_758 : vector<16xi32>, vector<16xi1> -> vector<16xi32>
      %reduce_max3A_763 = arith.xori %reduce_max3A_762, %reduce_max3A_760 : vector<16xi32>
      %reduce_max3A_764 = vector.extract %reduce_max3A_763[15] : i32 from vector<16xi32>
      %jit3A_765 = arith.constant 128 : i32
      %eq3A_766 = arith.constant 0 : i32
      %eq3A_767 = arith.cmpi eq, %jit3A_765, %eq3A_766 : i32
      %jit3A_768 = arith.constant 1 : i32
      %select_n3A_769 = arith.select %eq3A_767, %jit3A_768, %jit3A_765 : i32
      %rem3A_770 = arith.remsi %reduce_max3A_764, %select_n3A_769 : i32
      %ne3A_771 = arith.constant 0 : i32
      %ne3A_772 = arith.cmpi ne, %rem3A_770, %ne3A_771 : i32
      %lt3A_773 = arith.constant 0 : i32
      %lt3A_774 = arith.cmpi slt, %rem3A_770, %lt3A_773 : i32
      %lt3A_775 = arith.constant 0 : i32
      %lt3A_776 = arith.cmpi slt, %select_n3A_769, %lt3A_775 : i32
      %ne3A_777 = arith.xori %lt3A_774, %lt3A_776 : i1
      %and3A_778 = arith.andi %ne3A_777, %ne3A_772 : i1
      %add3A_779 = arith.addi %rem3A_770, %select_n3A_769 : i32
      %select_n3A_780 = arith.select %and3A_778, %add3A_779, %rem3A_770 : i32
      %broadcast_in_dim3A_781 = vector.broadcast %select_n3A_780 : i32 to vector<16xi32>
      %broadcast_in_dim3A_782 = vector.broadcast %add3A_706 : i32 to vector<16xi32>
      %add3A_783 = arith.constant 0 : i32
      %add3A_784 = vector.broadcast %add3A_783 : i32 to vector<16xi32>
      %add3A_785 = arith.addi %add3A_784, %iota3A : vector<16xi32>
      %gather3A = arith.constant 0 : i32
      %gather3A_786 = arith.constant 0 : i32
      %gather3A_787 = arith.constant 0 : i32
      %gather3A_788 = tpu.memref_slice %arg7[%gather3A, %gather3A_786, %gather3A_787] : memref<8x64x128xf32, #tpu.memory_space<vmem>> -> memref<1x64x128xf32, #tpu.memory_space<vmem>>
      %gather3A_789 = tpu.memref_squeeze %gather3A_788 : memref<1x64x128xf32, #tpu.memory_space<vmem>> -> memref<64x128xf32, #tpu.memory_space<vmem>>
      %gather3A_790 = tpu.vector_load_idx %gather3A_789[%add3A_785, %broadcast_in_dim3A_781] : memref<64x128xf32, #tpu.memory_space<vmem>>[vector<16xi32>, vector<16xi32>], vector<16xf32>,
      tpu.vector_store_idx %arg8[%add3A_785, %broadcast_in_dim3A_782], %gather3A_790 : memref<64x256xf32, #tpu.memory_space<vmem>>[vector<16xi32>, vector<16xi32>], vector<16xf32>,
      %add3A_791 = arith.constant 16 : i32
      %add3A_792 = vector.broadcast %add3A_791 : i32 to vector<16xi32>
      %add3A_793 = arith.addi %add3A_792, %iota3A : vector<16xi32>
      %gather3A_794 = arith.constant 0 : i32
      %gather3A_795 = arith.constant 0 : i32
      %gather3A_796 = arith.constant 0 : i32
      %gather3A_797 = tpu.memref_slice %arg7[%gather3A_794, %gather3A_795, %gather3A_796] : memref<8x64x128xf32, #tpu.memory_space<vmem>> -> memref<1x64x128xf32, #tpu.memory_space<vmem>>
      %gather3A_798 = tpu.memref_squeeze %gather3A_797 : memref<1x64x128xf32, #tpu.memory_space<vmem>> -> memref<64x128xf32, #tpu.memory_space<vmem>>
      %gather3A_799 = tpu.vector_load_idx %gather3A_798[%add3A_793, %broadcast_in_dim3A_781] : memref<64x128xf32, #tpu.memory_space<vmem>>[vector<16xi32>, vector<16xi32>], vector<16xf32>,
      tpu.vector_store_idx %arg8[%add3A_793, %broadcast_in_dim3A_782], %gather3A_799 : memref<64x256xf32, #tpu.memory_space<vmem>>[vector<16xi32>, vector<16xi32>], vector<16xf32>,
      %add3A_800 = arith.constant 32 : i32
      %add3A_801 = vector.broadcast %add3A_800 : i32 to vector<16xi32>
      %add3A_802 = arith.addi %add3A_801, %iota3A : vector<16xi32>
      %gather3A_803 = arith.constant 0 : i32
      %gather3A_804 = arith.constant 0 : i32
      %gather3A_805 = arith.constant 0 : i32
      %gather3A_806 = tpu.memref_slice %arg7[%gather3A_803, %gather3A_804, %gather3A_805] : memref<8x64x128xf32, #tpu.memory_space<vmem>> -> memref<1x64x128xf32, #tpu.memory_space<vmem>>
      %gather3A_807 = tpu.memref_squeeze %gather3A_806 : memref<1x64x128xf32, #tpu.memory_space<vmem>> -> memref<64x128xf32, #tpu.memory_space<vmem>>
      %gather3A_808 = tpu.vector_load_idx %gather3A_807[%add3A_802, %broadcast_in_dim3A_781] : memref<64x128xf32, #tpu.memory_space<vmem>>[vector<16xi32>, vector<16xi32>], vector<16xf32>,
      tpu.vector_store_idx %arg8[%add3A_802, %broadcast_in_dim3A_782], %gather3A_808 : memref<64x256xf32, #tpu.memory_space<vmem>>[vector<16xi32>, vector<16xi32>], vector<16xf32>,
      %add3A_809 = arith.constant 48 : i32
      %add3A_810 = vector.broadcast %add3A_809 : i32 to vector<16xi32>
      %add3A_811 = arith.addi %add3A_810, %iota3A : vector<16xi32>
      %gather3A_812 = arith.constant 0 : i32
      %gather3A_813 = arith.constant 0 : i32
      %gather3A_814 = arith.constant 0 : i32
      %gather3A_815 = tpu.memref_slice %arg7[%gather3A_812, %gather3A_813, %gather3A_814] : memref<8x64x128xf32, #tpu.memory_space<vmem>> -> memref<1x64x128xf32, #tpu.memory_space<vmem>>
      %gather3A_816 = tpu.memref_squeeze %gather3A_815 : memref<1x64x128xf32, #tpu.memory_space<vmem>> -> memref<64x128xf32, #tpu.memory_space<vmem>>
      %gather3A_817 = tpu.vector_load_idx %gather3A_816[%add3A_811, %broadcast_in_dim3A_781] : memref<64x128xf32, #tpu.memory_space<vmem>>[vector<16xi32>, vector<16xi32>], vector<16xf32>,
      tpu.vector_store_idx %arg8[%add3A_811, %broadcast_in_dim3A_782], %gather3A_817 : memref<64x256xf32, #tpu.memory_space<vmem>>[vector<16xi32>, vector<16xi32>], vector<16xf32>,
      %mul3A_818 = arith.constant 4 : i32
      %mul3A_819 = arith.muli %mul3A_278, %mul3A_818 : i32
      %add3A_820 = arith.constant 1 : i32
      %add3A_821 = arith.addi %mul3A_819, %add3A_820 : i32
      %jit3A_822 = arith.constant 16 : i32
      %div3A_823 = arith.divsi %add3A_821, %jit3A_822 : i32
      %sign3A_824 = arith.constant 0 : i32
      %sign3A_825 = arith.cmpi sgt, %add3A_821, %sign3A_824 : i32
      %sign3A_826 = arith.extui %sign3A_825 : i1 to i32
      %sign3A_827 = arith.constant 0 : i32
      %sign3A_828 = arith.cmpi slt, %add3A_821, %sign3A_827 : i32
      %sign3A_829 = arith.extui %sign3A_828 : i1 to i32
      %sign3A_830 = arith.subi %sign3A_826, %sign3A_829 : i32
      %sign3A_831 = arith.constant 0 : i32
      %sign3A_832 = arith.cmpi sgt, %jit3A_822, %sign3A_831 : i32
      %sign3A_833 = arith.extui %sign3A_832 : i1 to i32
      %sign3A_834 = arith.constant 0 : i32
      %sign3A_835 = arith.cmpi slt, %jit3A_822, %sign3A_834 : i32
      %sign3A_836 = arith.extui %sign3A_835 : i1 to i32
      %sign3A_837 = arith.subi %sign3A_833, %sign3A_836 : i32
      %ne3A_838 = arith.cmpi ne, %sign3A_830, %sign3A_837 : i32
      %rem3A_839 = arith.remsi %add3A_821, %jit3A_822 : i32
      %ne3A_840 = arith.constant 0 : i32
      %ne3A_841 = arith.cmpi ne, %rem3A_839, %ne3A_840 : i32
      %and3A_842 = arith.andi %ne3A_838, %ne3A_841 : i1
      %sub3A_843 = arith.constant 1 : i32
      %sub3A_844 = arith.subi %div3A_823, %sub3A_843 : i32
      %select_n3A_845 = arith.select %and3A_842, %sub3A_844, %div3A_823 : i32
      %mul3A_846 = arith.constant 16 : i32
      %mul3A_847 = arith.muli %select_n3A_845, %mul3A_846 : i32
      %multiple_of3A_848 = tpu.assume_multiple %mul3A_847, 16 : i32
      %get3A_849 = arith.index_cast %multiple_of3A_848 : i32 to index
      %get3A_850 = tpu.vector_load %arg6[%get3A_849] {strides = array<i32>} : memref<256xi32, #tpu.memory_space<vmem>>, vector<16xi32>,
      %jit3A_851 = arith.constant 16 : i32
      %eq3A_852 = arith.constant 0 : i32
      %eq3A_853 = arith.cmpi eq, %jit3A_851, %eq3A_852 : i32
      %jit3A_854 = arith.constant 1 : i32
      %select_n3A_855 = arith.select %eq3A_853, %jit3A_854, %jit3A_851 : i32
      %rem3A_856 = arith.remsi %add3A_821, %select_n3A_855 : i32
      %ne3A_857 = arith.constant 0 : i32
      %ne3A_858 = arith.cmpi ne, %rem3A_856, %ne3A_857 : i32
      %lt3A_859 = arith.constant 0 : i32
      %lt3A_860 = arith.cmpi slt, %rem3A_856, %lt3A_859 : i32
      %lt3A_861 = arith.constant 0 : i32
      %lt3A_862 = arith.cmpi slt, %select_n3A_855, %lt3A_861 : i32
      %ne3A_863 = arith.xori %lt3A_860, %lt3A_862 : i1
      %and3A_864 = arith.andi %ne3A_863, %ne3A_858 : i1
      %add3A_865 = arith.addi %rem3A_856, %select_n3A_855 : i32
      %select_n3A_866 = arith.select %and3A_864, %add3A_865, %rem3A_856 : i32
      %broadcast_in_dim3A_867 = vector.broadcast %select_n3A_866 : i32 to vector<16xi32>
      %eq3A_868 = arith.cmpi eq, %iota3A, %broadcast_in_dim3A_867 : vector<16xi32>
      %jit3A_869 = arith.constant 0 : i32
      %broadcast_in_dim3A_870 = vector.broadcast %jit3A_869 : i32 to vector<16xi32>
      %select_n3A_871 = arith.select %eq3A_868, %get3A_850, %broadcast_in_dim3A_870 : vector<16xi1>, vector<16xi32>
      %reduce_max3A_872 = arith.constant true
      %reduce_max3A_873 = vector.broadcast %reduce_max3A_872 : i1 to vector<16xi1>
      %reduce_max3A_874 = arith.constant -2147483648 : i32
      %reduce_max3A_875 = vector.broadcast %reduce_max3A_874 : i32 to vector<16xi32>
      %reduce_max3A_876 = arith.xori %select_n3A_871, %reduce_max3A_875 : vector<16xi32>
      %reduce_max3A_877 = tpu.scan <max>, %reduce_max3A_876 masked %reduce_max3A_873 : vector<16xi32>, vector<16xi1> -> vector<16xi32>
      %reduce_max3A_878 = arith.xori %reduce_max3A_877, %reduce_max3A_875 : vector<16xi32>
      %reduce_max3A_879 = vector.extract %reduce_max3A_878[15] : i32 from vector<16xi32>
      %jit3A_880 = arith.constant 128 : i32
      %eq3A_881 = arith.constant 0 : i32
      %eq3A_882 = arith.cmpi eq, %jit3A_880, %eq3A_881 : i32
      %jit3A_883 = arith.constant 1 : i32
      %select_n3A_884 = arith.select %eq3A_882, %jit3A_883, %jit3A_880 : i32
      %rem3A_885 = arith.remsi %reduce_max3A_879, %select_n3A_884 : i32
      %ne3A_886 = arith.constant 0 : i32
      %ne3A_887 = arith.cmpi ne, %rem3A_885, %ne3A_886 : i32
      %lt3A_888 = arith.constant 0 : i32
      %lt3A_889 = arith.cmpi slt, %rem3A_885, %lt3A_888 : i32
      %lt3A_890 = arith.constant 0 : i32
      %lt3A_891 = arith.cmpi slt, %select_n3A_884, %lt3A_890 : i32
      %ne3A_892 = arith.xori %lt3A_889, %lt3A_891 : i1
      %and3A_893 = arith.andi %ne3A_892, %ne3A_887 : i1
      %add3A_894 = arith.addi %rem3A_885, %select_n3A_884 : i32
      %select_n3A_895 = arith.select %and3A_893, %add3A_894, %rem3A_885 : i32
      %broadcast_in_dim3A_896 = vector.broadcast %select_n3A_895 : i32 to vector<16xi32>
      %broadcast_in_dim3A_897 = vector.broadcast %add3A_821 : i32 to vector<16xi32>
      %add3A_898 = arith.constant 0 : i32
      %add3A_899 = vector.broadcast %add3A_898 : i32 to vector<16xi32>
      %add3A_900 = arith.addi %add3A_899, %iota3A : vector<16xi32>
      %gather3A_901 = arith.constant 1 : i32
      %gather3A_902 = arith.constant 0 : i32
      %gather3A_903 = arith.constant 0 : i32
      %gather3A_904 = tpu.memref_slice %arg7[%gather3A_901, %gather3A_902, %gather3A_903] : memref<8x64x128xf32, #tpu.memory_space<vmem>> -> memref<1x64x128xf32, #tpu.memory_space<vmem>>
      %gather3A_905 = tpu.memref_squeeze %gather3A_904 : memref<1x64x128xf32, #tpu.memory_space<vmem>> -> memref<64x128xf32, #tpu.memory_space<vmem>>
      %gather3A_906 = tpu.vector_load_idx %gather3A_905[%add3A_900, %broadcast_in_dim3A_896] : memref<64x128xf32, #tpu.memory_space<vmem>>[vector<16xi32>, vector<16xi32>], vector<16xf32>,
      tpu.vector_store_idx %arg8[%add3A_900, %broadcast_in_dim3A_897], %gather3A_906 : memref<64x256xf32, #tpu.memory_space<vmem>>[vector<16xi32>, vector<16xi32>], vector<16xf32>,
      %add3A_907 = arith.constant 16 : i32
      %add3A_908 = vector.broadcast %add3A_907 : i32 to vector<16xi32>
      %add3A_909 = arith.addi %add3A_908, %iota3A : vector<16xi32>
      %gather3A_910 = arith.constant 1 : i32
      %gather3A_911 = arith.constant 0 : i32
      %gather3A_912 = arith.constant 0 : i32
      %gather3A_913 = tpu.memref_slice %arg7[%gather3A_910, %gather3A_911, %gather3A_912] : memref<8x64x128xf32, #tpu.memory_space<vmem>> -> memref<1x64x128xf32, #tpu.memory_space<vmem>>
      %gather3A_914 = tpu.memref_squeeze %gather3A_913 : memref<1x64x128xf32, #tpu.memory_space<vmem>> -> memref<64x128xf32, #tpu.memory_space<vmem>>
      %gather3A_915 = tpu.vector_load_idx %gather3A_914[%add3A_909, %broadcast_in_dim3A_896] : memref<64x128xf32, #tpu.memory_space<vmem>>[vector<16xi32>, vector<16xi32>], vector<16xf32>,
      tpu.vector_store_idx %arg8[%add3A_909, %broadcast_in_dim3A_897], %gather3A_915 : memref<64x256xf32, #tpu.memory_space<vmem>>[vector<16xi32>, vector<16xi32>], vector<16xf32>,
      %add3A_916 = arith.constant 32 : i32
      %add3A_917 = vector.broadcast %add3A_916 : i32 to vector<16xi32>
      %add3A_918 = arith.addi %add3A_917, %iota3A : vector<16xi32>
      %gather3A_919 = arith.constant 1 : i32
      %gather3A_920 = arith.constant 0 : i32
      %gather3A_921 = arith.constant 0 : i32
      %gather3A_922 = tpu.memref_slice %arg7[%gather3A_919, %gather3A_920, %gather3A_921] : memref<8x64x128xf32, #tpu.memory_space<vmem>> -> memref<1x64x128xf32, #tpu.memory_space<vmem>>
      %gather3A_923 = tpu.memref_squeeze %gather3A_922 : memref<1x64x128xf32, #tpu.memory_space<vmem>> -> memref<64x128xf32, #tpu.memory_space<vmem>>
      %gather3A_924 = tpu.vector_load_idx %gather3A_923[%add3A_918, %broadcast_in_dim3A_896] : memref<64x128xf32, #tpu.memory_space<vmem>>[vector<16xi32>, vector<16xi32>], vector<16xf32>,
      tpu.vector_store_idx %arg8[%add3A_918, %broadcast_in_dim3A_897], %gather3A_924 : memref<64x256xf32, #tpu.memory_space<vmem>>[vector<16xi32>, vector<16xi32>], vector<16xf32>,
      %add3A_925 = arith.constant 48 : i32
      %add3A_926 = vector.broadcast %add3A_925 : i32 to vector<16xi32>
      %add3A_927 = arith.addi %add3A_926, %iota3A : vector<16xi32>
      %gather3A_928 = arith.constant 1 : i32
      %gather3A_929 = arith.constant 0 : i32
      %gather3A_930 = arith.constant 0 : i32
      %gather3A_931 = tpu.memref_slice %arg7[%gather3A_928, %gather3A_929, %gather3A_930] : memref<8x64x128xf32, #tpu.memory_space<vmem>> -> memref<1x64x128xf32, #tpu.memory_space<vmem>>
      %gather3A_932 = tpu.memref_squeeze %gather3A_931 : memref<1x64x128xf32, #tpu.memory_space<vmem>> -> memref<64x128xf32, #tpu.memory_space<vmem>>
      %gather3A_933 = tpu.vector_load_idx %gather3A_932[%add3A_927, %broadcast_in_dim3A_896] : memref<64x128xf32, #tpu.memory_space<vmem>>[vector<16xi32>, vector<16xi32>], vector<16xf32>,
      tpu.vector_store_idx %arg8[%add3A_927, %broadcast_in_dim3A_897], %gather3A_933 : memref<64x256xf32, #tpu.memory_space<vmem>>[vector<16xi32>, vector<16xi32>], vector<16xf32>,
      %mul3A_934 = arith.constant 4 : i32
      %mul3A_935 = arith.muli %mul3A_278, %mul3A_934 : i32
      %add3A_936 = arith.constant 2 : i32
      %add3A_937 = arith.addi %mul3A_935, %add3A_936 : i32
      %jit3A_938 = arith.constant 16 : i32
      %div3A_939 = arith.divsi %add3A_937, %jit3A_938 : i32
      %sign3A_940 = arith.constant 0 : i32
      %sign3A_941 = arith.cmpi sgt, %add3A_937, %sign3A_940 : i32
      %sign3A_942 = arith.extui %sign3A_941 : i1 to i32
      %sign3A_943 = arith.constant 0 : i32
      %sign3A_944 = arith.cmpi slt, %add3A_937, %sign3A_943 : i32
      %sign3A_945 = arith.extui %sign3A_944 : i1 to i32
      %sign3A_946 = arith.subi %sign3A_942, %sign3A_945 : i32
      %sign3A_947 = arith.constant 0 : i32
      %sign3A_948 = arith.cmpi sgt, %jit3A_938, %sign3A_947 : i32
      %sign3A_949 = arith.extui %sign3A_948 : i1 to i32
      %sign3A_950 = arith.constant 0 : i32
      %sign3A_951 = arith.cmpi slt, %jit3A_938, %sign3A_950 : i32
      %sign3A_952 = arith.extui %sign3A_951 : i1 to i32
      %sign3A_953 = arith.subi %sign3A_949, %sign3A_952 : i32
      %ne3A_954 = arith.cmpi ne, %sign3A_946, %sign3A_953 : i32
      %rem3A_955 = arith.remsi %add3A_937, %jit3A_938 : i32
      %ne3A_956 = arith.constant 0 : i32
      %ne3A_957 = arith.cmpi ne, %rem3A_955, %ne3A_956 : i32
      %and3A_958 = arith.andi %ne3A_954, %ne3A_957 : i1
      %sub3A_959 = arith.constant 1 : i32
      %sub3A_960 = arith.subi %div3A_939, %sub3A_959 : i32
      %select_n3A_961 = arith.select %and3A_958, %sub3A_960, %div3A_939 : i32
      %mul3A_962 = arith.constant 16 : i32
      %mul3A_963 = arith.muli %select_n3A_961, %mul3A_962 : i32
      %multiple_of3A_964 = tpu.assume_multiple %mul3A_963, 16 : i32
      %get3A_965 = arith.index_cast %multiple_of3A_964 : i32 to index
      %get3A_966 = tpu.vector_load %arg6[%get3A_965] {strides = array<i32>} : memref<256xi32, #tpu.memory_space<vmem>>, vector<16xi32>,
      %jit3A_967 = arith.constant 16 : i32
      %eq3A_968 = arith.constant 0 : i32
      %eq3A_969 = arith.cmpi eq, %jit3A_967, %eq3A_968 : i32
      %jit3A_970 = arith.constant 1 : i32
      %select_n3A_971 = arith.select %eq3A_969, %jit3A_970, %jit3A_967 : i32
      %rem3A_972 = arith.remsi %add3A_937, %select_n3A_971 : i32
      %ne3A_973 = arith.constant 0 : i32
      %ne3A_974 = arith.cmpi ne, %rem3A_972, %ne3A_973 : i32
      %lt3A_975 = arith.constant 0 : i32
      %lt3A_976 = arith.cmpi slt, %rem3A_972, %lt3A_975 : i32
      %lt3A_977 = arith.constant 0 : i32
      %lt3A_978 = arith.cmpi slt, %select_n3A_971, %lt3A_977 : i32
      %ne3A_979 = arith.xori %lt3A_976, %lt3A_978 : i1
      %and3A_980 = arith.andi %ne3A_979, %ne3A_974 : i1
      %add3A_981 = arith.addi %rem3A_972, %select_n3A_971 : i32
      %select_n3A_982 = arith.select %and3A_980, %add3A_981, %rem3A_972 : i32
      %broadcast_in_dim3A_983 = vector.broadcast %select_n3A_982 : i32 to vector<16xi32>
      %eq3A_984 = arith.cmpi eq, %iota3A, %broadcast_in_dim3A_983 : vector<16xi32>
      %jit3A_985 = arith.constant 0 : i32
      %broadcast_in_dim3A_986 = vector.broadcast %jit3A_985 : i32 to vector<16xi32>
      %select_n3A_987 = arith.select %eq3A_984, %get3A_966, %broadcast_in_dim3A_986 : vector<16xi1>, vector<16xi32>
      %reduce_max3A_988 = arith.constant true
      %reduce_max3A_989 = vector.broadcast %reduce_max3A_988 : i1 to vector<16xi1>
      %reduce_max3A_990 = arith.constant -2147483648 : i32
      %reduce_max3A_991 = vector.broadcast %reduce_max3A_990 : i32 to vector<16xi32>
      %reduce_max3A_992 = arith.xori %select_n3A_987, %reduce_max3A_991 : vector<16xi32>
      %reduce_max3A_993 = tpu.scan <max>, %reduce_max3A_992 masked %reduce_max3A_989 : vector<16xi32>, vector<16xi1> -> vector<16xi32>
      %reduce_max3A_994 = arith.xori %reduce_max3A_993, %reduce_max3A_991 : vector<16xi32>
      %reduce_max3A_995 = vector.extract %reduce_max3A_994[15] : i32 from vector<16xi32>
      %jit3A_996 = arith.constant 128 : i32
      %eq3A_997 = arith.constant 0 : i32
      %eq3A_998 = arith.cmpi eq, %jit3A_996, %eq3A_997 : i32
      %jit3A_999 = arith.constant 1 : i32
      %select_n3A_1000 = arith.select %eq3A_998, %jit3A_999, %jit3A_996 : i32
      %rem3A_1001 = arith.remsi %reduce_max3A_995, %select_n3A_1000 : i32
      %ne3A_1002 = arith.constant 0 : i32
      %ne3A_1003 = arith.cmpi ne, %rem3A_1001, %ne3A_1002 : i32
      %lt3A_1004 = arith.constant 0 : i32
      %lt3A_1005 = arith.cmpi slt, %rem3A_1001, %lt3A_1004 : i32
      %lt3A_1006 = arith.constant 0 : i32
      %lt3A_1007 = arith.cmpi slt, %select_n3A_1000, %lt3A_1006 : i32
      %ne3A_1008 = arith.xori %lt3A_1005, %lt3A_1007 : i1
      %and3A_1009 = arith.andi %ne3A_1008, %ne3A_1003 : i1
      %add3A_1010 = arith.addi %rem3A_1001, %select_n3A_1000 : i32
      %select_n3A_1011 = arith.select %and3A_1009, %add3A_1010, %rem3A_1001 : i32
      %broadcast_in_dim3A_1012 = vector.broadcast %select_n3A_1011 : i32 to vector<16xi32>
      %broadcast_in_dim3A_1013 = vector.broadcast %add3A_937 : i32 to vector<16xi32>
      %add3A_1014 = arith.constant 0 : i32
      %add3A_1015 = vector.broadcast %add3A_1014 : i32 to vector<16xi32>
      %add3A_1016 = arith.addi %add3A_1015, %iota3A : vector<16xi32>
      %gather3A_1017 = arith.constant 2 : i32
      %gather3A_1018 = arith.constant 0 : i32
      %gather3A_1019 = arith.constant 0 : i32
      %gather3A_1020 = tpu.memref_slice %arg7[%gather3A_1017, %gather3A_1018, %gather3A_1019] : memref<8x64x128xf32, #tpu.memory_space<vmem>> -> memref<1x64x128xf32, #tpu.memory_space<vmem>>
      %gather3A_1021 = tpu.memref_squeeze %gather3A_1020 : memref<1x64x128xf32, #tpu.memory_space<vmem>> -> memref<64x128xf32, #tpu.memory_space<vmem>>
      %gather3A_1022 = tpu.vector_load_idx %gather3A_1021[%add3A_1016, %broadcast_in_dim3A_1012] : memref<64x128xf32, #tpu.memory_space<vmem>>[vector<16xi32>, vector<16xi32>], vector<16xf32>,
      tpu.vector_store_idx %arg8[%add3A_1016, %broadcast_in_dim3A_1013], %gather3A_1022 : memref<64x256xf32, #tpu.memory_space<vmem>>[vector<16xi32>, vector<16xi32>], vector<16xf32>,
      %add3A_1023 = arith.constant 16 : i32
      %add3A_1024 = vector.broadcast %add3A_1023 : i32 to vector<16xi32>
      %add3A_1025 = arith.addi %add3A_1024, %iota3A : vector<16xi32>
      %gather3A_1026 = arith.constant 2 : i32
      %gather3A_1027 = arith.constant 0 : i32
      %gather3A_1028 = arith.constant 0 : i32
      %gather3A_1029 = tpu.memref_slice %arg7[%gather3A_1026, %gather3A_1027, %gather3A_1028] : memref<8x64x128xf32, #tpu.memory_space<vmem>> -> memref<1x64x128xf32, #tpu.memory_space<vmem>>
      %gather3A_1030 = tpu.memref_squeeze %gather3A_1029 : memref<1x64x128xf32, #tpu.memory_space<vmem>> -> memref<64x128xf32, #tpu.memory_space<vmem>>
      %gather3A_1031 = tpu.vector_load_idx %gather3A_1030[%add3A_1025, %broadcast_in_dim3A_1012] : memref<64x128xf32, #tpu.memory_space<vmem>>[vector<16xi32>, vector<16xi32>], vector<16xf32>,
      tpu.vector_store_idx %arg8[%add3A_1025, %broadcast_in_dim3A_1013], %gather3A_1031 : memref<64x256xf32, #tpu.memory_space<vmem>>[vector<16xi32>, vector<16xi32>], vector<16xf32>,
      %add3A_1032 = arith.constant 32 : i32
      %add3A_1033 = vector.broadcast %add3A_1032 : i32 to vector<16xi32>
      %add3A_1034 = arith.addi %add3A_1033, %iota3A : vector<16xi32>
      %gather3A_1035 = arith.constant 2 : i32
      %gather3A_1036 = arith.constant 0 : i32
      %gather3A_1037 = arith.constant 0 : i32
      %gather3A_1038 = tpu.memref_slice %arg7[%gather3A_1035, %gather3A_1036, %gather3A_1037] : memref<8x64x128xf32, #tpu.memory_space<vmem>> -> memref<1x64x128xf32, #tpu.memory_space<vmem>>
      %gather3A_1039 = tpu.memref_squeeze %gather3A_1038 : memref<1x64x128xf32, #tpu.memory_space<vmem>> -> memref<64x128xf32, #tpu.memory_space<vmem>>
      %gather3A_1040 = tpu.vector_load_idx %gather3A_1039[%add3A_1034, %broadcast_in_dim3A_1012] : memref<64x128xf32, #tpu.memory_space<vmem>>[vector<16xi32>, vector<16xi32>], vector<16xf32>,
      tpu.vector_store_idx %arg8[%add3A_1034, %broadcast_in_dim3A_1013], %gather3A_1040 : memref<64x256xf32, #tpu.memory_space<vmem>>[vector<16xi32>, vector<16xi32>], vector<16xf32>,
      %add3A_1041 = arith.constant 48 : i32
      %add3A_1042 = vector.broadcast %add3A_1041 : i32 to vector<16xi32>
      %add3A_1043 = arith.addi %add3A_1042, %iota3A : vector<16xi32>
      %gather3A_1044 = arith.constant 2 : i32
      %gather3A_1045 = arith.constant 0 : i32
      %gather3A_1046 = arith.constant 0 : i32
      %gather3A_1047 = tpu.memref_slice %arg7[%gather3A_1044, %gather3A_1045, %gather3A_1046] : memref<8x64x128xf32, #tpu.memory_space<vmem>> -> memref<1x64x128xf32, #tpu.memory_space<vmem>>
      %gather3A_1048 = tpu.memref_squeeze %gather3A_1047 : memref<1x64x128xf32, #tpu.memory_space<vmem>> -> memref<64x128xf32, #tpu.memory_space<vmem>>
      %gather3A_1049 = tpu.vector_load_idx %gather3A_1048[%add3A_1043, %broadcast_in_dim3A_1012] : memref<64x128xf32, #tpu.memory_space<vmem>>[vector<16xi32>, vector<16xi32>], vector<16xf32>,
      tpu.vector_store_idx %arg8[%add3A_1043, %broadcast_in_dim3A_1013], %gather3A_1049 : memref<64x256xf32, #tpu.memory_space<vmem>>[vector<16xi32>, vector<16xi32>], vector<16xf32>,
      %mul3A_1050 = arith.constant 4 : i32
      %mul3A_1051 = arith.muli %mul3A_278, %mul3A_1050 : i32
      %add3A_1052 = arith.constant 3 : i32
      %add3A_1053 = arith.addi %mul3A_1051, %add3A_1052 : i32
      %jit3A_1054 = arith.constant 16 : i32
      %div3A_1055 = arith.divsi %add3A_1053, %jit3A_1054 : i32
      %sign3A_1056 = arith.constant 0 : i32
      %sign3A_1057 = arith.cmpi sgt, %add3A_1053, %sign3A_1056 : i32
      %sign3A_1058 = arith.extui %sign3A_1057 : i1 to i32
      %sign3A_1059 = arith.constant 0 : i32
      %sign3A_1060 = arith.cmpi slt, %add3A_1053, %sign3A_1059 : i32
      %sign3A_1061 = arith.extui %sign3A_1060 : i1 to i32
      %sign3A_1062 = arith.subi %sign3A_1058, %sign3A_1061 : i32
      %sign3A_1063 = arith.constant 0 : i32
      %sign3A_1064 = arith.cmpi sgt, %jit3A_1054, %sign3A_1063 : i32
      %sign3A_1065 = arith.extui %sign3A_1064 : i1 to i32
      %sign3A_1066 = arith.constant 0 : i32
      %sign3A_1067 = arith.cmpi slt, %jit3A_1054, %sign3A_1066 : i32
      %sign3A_1068 = arith.extui %sign3A_1067 : i1 to i32
      %sign3A_1069 = arith.subi %sign3A_1065, %sign3A_1068 : i32
      %ne3A_1070 = arith.cmpi ne, %sign3A_1062, %sign3A_1069 : i32
      %rem3A_1071 = arith.remsi %add3A_1053, %jit3A_1054 : i32
      %ne3A_1072 = arith.constant 0 : i32
      %ne3A_1073 = arith.cmpi ne, %rem3A_1071, %ne3A_1072 : i32
      %and3A_1074 = arith.andi %ne3A_1070, %ne3A_1073 : i1
      %sub3A_1075 = arith.constant 1 : i32
      %sub3A_1076 = arith.subi %div3A_1055, %sub3A_1075 : i32
      %select_n3A_1077 = arith.select %and3A_1074, %sub3A_1076, %div3A_1055 : i32
      %mul3A_1078 = arith.constant 16 : i32
      %mul3A_1079 = arith.muli %select_n3A_1077, %mul3A_1078 : i32
      %multiple_of3A_1080 = tpu.assume_multiple %mul3A_1079, 16 : i32
      %get3A_1081 = arith.index_cast %multiple_of3A_1080 : i32 to index
      %get3A_1082 = tpu.vector_load %arg6[%get3A_1081] {strides = array<i32>} : memref<256xi32, #tpu.memory_space<vmem>>, vector<16xi32>,
      %jit3A_1083 = arith.constant 16 : i32
      %eq3A_1084 = arith.constant 0 : i32
      %eq3A_1085 = arith.cmpi eq, %jit3A_1083, %eq3A_1084 : i32
      %jit3A_1086 = arith.constant 1 : i32
      %select_n3A_1087 = arith.select %eq3A_1085, %jit3A_1086, %jit3A_1083 : i32
      %rem3A_1088 = arith.remsi %add3A_1053, %select_n3A_1087 : i32
      %ne3A_1089 = arith.constant 0 : i32
      %ne3A_1090 = arith.cmpi ne, %rem3A_1088, %ne3A_1089 : i32
      %lt3A_1091 = arith.constant 0 : i32
      %lt3A_1092 = arith.cmpi slt, %rem3A_1088, %lt3A_1091 : i32
      %lt3A_1093 = arith.constant 0 : i32
      %lt3A_1094 = arith.cmpi slt, %select_n3A_1087, %lt3A_1093 : i32
      %ne3A_1095 = arith.xori %lt3A_1092, %lt3A_1094 : i1
      %and3A_1096 = arith.andi %ne3A_1095, %ne3A_1090 : i1
      %add3A_1097 = arith.addi %rem3A_1088, %select_n3A_1087 : i32
      %select_n3A_1098 = arith.select %and3A_1096, %add3A_1097, %rem3A_1088 : i32
      %broadcast_in_dim3A_1099 = vector.broadcast %select_n3A_1098 : i32 to vector<16xi32>
      %eq3A_1100 = arith.cmpi eq, %iota3A, %broadcast_in_dim3A_1099 : vector<16xi32>
      %jit3A_1101 = arith.constant 0 : i32
      %broadcast_in_dim3A_1102 = vector.broadcast %jit3A_1101 : i32 to vector<16xi32>
      %select_n3A_1103 = arith.select %eq3A_1100, %get3A_1082, %broadcast_in_dim3A_1102 : vector<16xi1>, vector<16xi32>
      %reduce_max3A_1104 = arith.constant true
      %reduce_max3A_1105 = vector.broadcast %reduce_max3A_1104 : i1 to vector<16xi1>
      %reduce_max3A_1106 = arith.constant -2147483648 : i32
      %reduce_max3A_1107 = vector.broadcast %reduce_max3A_1106 : i32 to vector<16xi32>
      %reduce_max3A_1108 = arith.xori %select_n3A_1103, %reduce_max3A_1107 : vector<16xi32>
      %reduce_max3A_1109 = tpu.scan <max>, %reduce_max3A_1108 masked %reduce_max3A_1105 : vector<16xi32>, vector<16xi1> -> vector<16xi32>
      %reduce_max3A_1110 = arith.xori %reduce_max3A_1109, %reduce_max3A_1107 : vector<16xi32>
      %reduce_max3A_1111 = vector.extract %reduce_max3A_1110[15] : i32 from vector<16xi32>
      %jit3A_1112 = arith.constant 128 : i32
      %eq3A_1113 = arith.constant 0 : i32
      %eq3A_1114 = arith.cmpi eq, %jit3A_1112, %eq3A_1113 : i32
      %jit3A_1115 = arith.constant 1 : i32
      %select_n3A_1116 = arith.select %eq3A_1114, %jit3A_1115, %jit3A_1112 : i32
      %rem3A_1117 = arith.remsi %reduce_max3A_1111, %select_n3A_1116 : i32
      %ne3A_1118 = arith.constant 0 : i32
      %ne3A_1119 = arith.cmpi ne, %rem3A_1117, %ne3A_1118 : i32
      %lt3A_1120 = arith.constant 0 : i32
      %lt3A_1121 = arith.cmpi slt, %rem3A_1117, %lt3A_1120 : i32
      %lt3A_1122 = arith.constant 0 : i32
      %lt3A_1123 = arith.cmpi slt, %select_n3A_1116, %lt3A_1122 : i32
      %ne3A_1124 = arith.xori %lt3A_1121, %lt3A_1123 : i1
      %and3A_1125 = arith.andi %ne3A_1124, %ne3A_1119 : i1
      %add3A_1126 = arith.addi %rem3A_1117, %select_n3A_1116 : i32
      %select_n3A_1127 = arith.select %and3A_1125, %add3A_1126, %rem3A_1117 : i32
      %broadcast_in_dim3A_1128 = vector.broadcast %select_n3A_1127 : i32 to vector<16xi32>
      %broadcast_in_dim3A_1129 = vector.broadcast %add3A_1053 : i32 to vector<16xi32>
      %add3A_1130 = arith.constant 0 : i32
      %add3A_1131 = vector.broadcast %add3A_1130 : i32 to vector<16xi32>
      %add3A_1132 = arith.addi %add3A_1131, %iota3A : vector<16xi32>
      %gather3A_1133 = arith.constant 3 : i32
      %gather3A_1134 = arith.constant 0 : i32
      %gather3A_1135 = arith.constant 0 : i32
      %gather3A_1136 = tpu.memref_slice %arg7[%gather3A_1133, %gather3A_1134, %gather3A_1135] : memref<8x64x128xf32, #tpu.memory_space<vmem>> -> memref<1x64x128xf32, #tpu.memory_space<vmem>>
      %gather3A_1137 = tpu.memref_squeeze %gather3A_1136 : memref<1x64x128xf32, #tpu.memory_space<vmem>> -> memref<64x128xf32, #tpu.memory_space<vmem>>
      %gather3A_1138 = tpu.vector_load_idx %gather3A_1137[%add3A_1132, %broadcast_in_dim3A_1128] : memref<64x128xf32, #tpu.memory_space<vmem>>[vector<16xi32>, vector<16xi32>], vector<16xf32>,
      tpu.vector_store_idx %arg8[%add3A_1132, %broadcast_in_dim3A_1129], %gather3A_1138 : memref<64x256xf32, #tpu.memory_space<vmem>>[vector<16xi32>, vector<16xi32>], vector<16xf32>,
      %add3A_1139 = arith.constant 16 : i32
      %add3A_1140 = vector.broadcast %add3A_1139 : i32 to vector<16xi32>
      %add3A_1141 = arith.addi %add3A_1140, %iota3A : vector<16xi32>
      %gather3A_1142 = arith.constant 3 : i32
      %gather3A_1143 = arith.constant 0 : i32
      %gather3A_1144 = arith.constant 0 : i32
      %gather3A_1145 = tpu.memref_slice %arg7[%gather3A_1142, %gather3A_1143, %gather3A_1144] : memref<8x64x128xf32, #tpu.memory_space<vmem>> -> memref<1x64x128xf32, #tpu.memory_space<vmem>>
      %gather3A_1146 = tpu.memref_squeeze %gather3A_1145 : memref<1x64x128xf32, #tpu.memory_space<vmem>> -> memref<64x128xf32, #tpu.memory_space<vmem>>
      %gather3A_1147 = tpu.vector_load_idx %gather3A_1146[%add3A_1141, %broadcast_in_dim3A_1128] : memref<64x128xf32, #tpu.memory_space<vmem>>[vector<16xi32>, vector<16xi32>], vector<16xf32>,
      tpu.vector_store_idx %arg8[%add3A_1141, %broadcast_in_dim3A_1129], %gather3A_1147 : memref<64x256xf32, #tpu.memory_space<vmem>>[vector<16xi32>, vector<16xi32>], vector<16xf32>,
      %add3A_1148 = arith.constant 32 : i32
      %add3A_1149 = vector.broadcast %add3A_1148 : i32 to vector<16xi32>
      %add3A_1150 = arith.addi %add3A_1149, %iota3A : vector<16xi32>
      %gather3A_1151 = arith.constant 3 : i32
      %gather3A_1152 = arith.constant 0 : i32
      %gather3A_1153 = arith.constant 0 : i32
      %gather3A_1154 = tpu.memref_slice %arg7[%gather3A_1151, %gather3A_1152, %gather3A_1153] : memref<8x64x128xf32, #tpu.memory_space<vmem>> -> memref<1x64x128xf32, #tpu.memory_space<vmem>>
      %gather3A_1155 = tpu.memref_squeeze %gather3A_1154 : memref<1x64x128xf32, #tpu.memory_space<vmem>> -> memref<64x128xf32, #tpu.memory_space<vmem>>
      %gather3A_1156 = tpu.vector_load_idx %gather3A_1155[%add3A_1150, %broadcast_in_dim3A_1128] : memref<64x128xf32, #tpu.memory_space<vmem>>[vector<16xi32>, vector<16xi32>], vector<16xf32>,
      tpu.vector_store_idx %arg8[%add3A_1150, %broadcast_in_dim3A_1129], %gather3A_1156 : memref<64x256xf32, #tpu.memory_space<vmem>>[vector<16xi32>, vector<16xi32>], vector<16xf32>,
      %add3A_1157 = arith.constant 48 : i32
      %add3A_1158 = vector.broadcast %add3A_1157 : i32 to vector<16xi32>
      %add3A_1159 = arith.addi %add3A_1158, %iota3A : vector<16xi32>
      %gather3A_1160 = arith.constant 3 : i32
      %gather3A_1161 = arith.constant 0 : i32
      %gather3A_1162 = arith.constant 0 : i32
      %gather3A_1163 = tpu.memref_slice %arg7[%gather3A_1160, %gather3A_1161, %gather3A_1162] : memref<8x64x128xf32, #tpu.memory_space<vmem>> -> memref<1x64x128xf32, #tpu.memory_space<vmem>>
      %gather3A_1164 = tpu.memref_squeeze %gather3A_1163 : memref<1x64x128xf32, #tpu.memory_space<vmem>> -> memref<64x128xf32, #tpu.memory_space<vmem>>
      %gather3A_1165 = tpu.vector_load_idx %gather3A_1164[%add3A_1159, %broadcast_in_dim3A_1128] : memref<64x128xf32, #tpu.memory_space<vmem>>[vector<16xi32>, vector<16xi32>], vector<16xf32>,
      tpu.vector_store_idx %arg8[%add3A_1159, %broadcast_in_dim3A_1129], %gather3A_1165 : memref<64x256xf32, #tpu.memory_space<vmem>>[vector<16xi32>, vector<16xi32>], vector<16xf32>,
      %lt3A_1166 = arith.constant 31 : i32
      %lt3A_1167 = arith.cmpi slt, %scan3A_276, %lt3A_1166 : i32
      %convert_element_type3A = arith.extui %lt3A_1167 : i1 to i32
      %cond3A = arith.constant 0 : i32
      %cond3A_1168 = arith.cmpi ne, %convert_element_type3A, %cond3A : i32
      scf.if %cond3A_1168 {
        %add3A_1651 = arith.constant 2 : i32
        %add3A_1652 = arith.addi %mul3A_278, %add3A_1651 : i32
        %mul3A_1653 = arith.constant 4 : i32
        %mul3A_1654 = arith.muli %add3A_1652, %mul3A_1653 : i32
        %add3A_1655 = arith.constant 0 : i32
        %add3A_1656 = arith.addi %mul3A_1654, %add3A_1655 : i32
        %jit3A_1657 = arith.constant 16 : i32
        %div3A_1658 = arith.divsi %add3A_1656, %jit3A_1657 : i32
        %sign3A_1659 = arith.constant 0 : i32
        %sign3A_1660 = arith.cmpi sgt, %add3A_1656, %sign3A_1659 : i32
        %sign3A_1661 = arith.extui %sign3A_1660 : i1 to i32
        %sign3A_1662 = arith.constant 0 : i32
        %sign3A_1663 = arith.cmpi slt, %add3A_1656, %sign3A_1662 : i32
        %sign3A_1664 = arith.extui %sign3A_1663 : i1 to i32
        %sign3A_1665 = arith.subi %sign3A_1661, %sign3A_1664 : i32
        %sign3A_1666 = arith.constant 0 : i32
        %sign3A_1667 = arith.cmpi sgt, %jit3A_1657, %sign3A_1666 : i32
        %sign3A_1668 = arith.extui %sign3A_1667 : i1 to i32
        %sign3A_1669 = arith.constant 0 : i32
        %sign3A_1670 = arith.cmpi slt, %jit3A_1657, %sign3A_1669 : i32
        %sign3A_1671 = arith.extui %sign3A_1670 : i1 to i32
        %sign3A_1672 = arith.subi %sign3A_1668, %sign3A_1671 : i32
        %ne3A_1673 = arith.cmpi ne, %sign3A_1665, %sign3A_1672 : i32
        %rem3A_1674 = arith.remsi %add3A_1656, %jit3A_1657 : i32
        %ne3A_1675 = arith.constant 0 : i32
        %ne3A_1676 = arith.cmpi ne, %rem3A_1674, %ne3A_1675 : i32
        %and3A_1677 = arith.andi %ne3A_1673, %ne3A_1676 : i1
        %sub3A_1678 = arith.constant 1 : i32
        %sub3A_1679 = arith.subi %div3A_1658, %sub3A_1678 : i32
        %select_n3A_1680 = arith.select %and3A_1677, %sub3A_1679, %div3A_1658 : i32
        %mul3A_1681 = arith.constant 16 : i32
        %mul3A_1682 = arith.muli %select_n3A_1680, %mul3A_1681 : i32
        %multiple_of3A_1683 = tpu.assume_multiple %mul3A_1682, 16 : i32
        %get3A_1684 = arith.index_cast %multiple_of3A_1683 : i32 to index
        %get3A_1685 = tpu.vector_load %arg6[%get3A_1684] {strides = array<i32>} : memref<256xi32, #tpu.memory_space<vmem>>, vector<16xi32>,
        %jit3A_1686 = arith.constant 16 : i32
        %eq3A_1687 = arith.constant 0 : i32
        %eq3A_1688 = arith.cmpi eq, %jit3A_1686, %eq3A_1687 : i32
        %jit3A_1689 = arith.constant 1 : i32
        %select_n3A_1690 = arith.select %eq3A_1688, %jit3A_1689, %jit3A_1686 : i32
        %rem3A_1691 = arith.remsi %add3A_1656, %select_n3A_1690 : i32
        %ne3A_1692 = arith.constant 0 : i32
        %ne3A_1693 = arith.cmpi ne, %rem3A_1691, %ne3A_1692 : i32
        %lt3A_1694 = arith.constant 0 : i32
        %lt3A_1695 = arith.cmpi slt, %rem3A_1691, %lt3A_1694 : i32
        %lt3A_1696 = arith.constant 0 : i32
        %lt3A_1697 = arith.cmpi slt, %select_n3A_1690, %lt3A_1696 : i32
        %ne3A_1698 = arith.xori %lt3A_1695, %lt3A_1697 : i1
        %and3A_1699 = arith.andi %ne3A_1698, %ne3A_1693 : i1
        %add3A_1700 = arith.addi %rem3A_1691, %select_n3A_1690 : i32
        %select_n3A_1701 = arith.select %and3A_1699, %add3A_1700, %rem3A_1691 : i32
        %broadcast_in_dim3A_1702 = vector.broadcast %select_n3A_1701 : i32 to vector<16xi32>
        %eq3A_1703 = arith.cmpi eq, %iota3A, %broadcast_in_dim3A_1702 : vector<16xi32>
        %jit3A_1704 = arith.constant 0 : i32
        %broadcast_in_dim3A_1705 = vector.broadcast %jit3A_1704 : i32 to vector<16xi32>
        %select_n3A_1706 = arith.select %eq3A_1703, %get3A_1685, %broadcast_in_dim3A_1705 : vector<16xi1>, vector<16xi32>
        %reduce_max3A_1707 = arith.constant true
        %reduce_max3A_1708 = vector.broadcast %reduce_max3A_1707 : i1 to vector<16xi1>
        %reduce_max3A_1709 = arith.constant -2147483648 : i32
        %reduce_max3A_1710 = vector.broadcast %reduce_max3A_1709 : i32 to vector<16xi32>
        %reduce_max3A_1711 = arith.xori %select_n3A_1706, %reduce_max3A_1710 : vector<16xi32>
        %reduce_max3A_1712 = tpu.scan <max>, %reduce_max3A_1711 masked %reduce_max3A_1708 : vector<16xi32>, vector<16xi1> -> vector<16xi32>
        %reduce_max3A_1713 = arith.xori %reduce_max3A_1712, %reduce_max3A_1710 : vector<16xi32>
        %reduce_max3A_1714 = vector.extract %reduce_max3A_1713[15] : i32 from vector<16xi32>
        %jit3A_1715 = arith.constant 128 : i32
        %div3A_1716 = arith.divsi %reduce_max3A_1714, %jit3A_1715 : i32
        %sign3A_1717 = arith.constant 0 : i32
        %sign3A_1718 = arith.cmpi sgt, %reduce_max3A_1714, %sign3A_1717 : i32
        %sign3A_1719 = arith.extui %sign3A_1718 : i1 to i32
        %sign3A_1720 = arith.constant 0 : i32
        %sign3A_1721 = arith.cmpi slt, %reduce_max3A_1714, %sign3A_1720 : i32
        %sign3A_1722 = arith.extui %sign3A_1721 : i1 to i32
        %sign3A_1723 = arith.subi %sign3A_1719, %sign3A_1722 : i32
        %sign3A_1724 = arith.constant 0 : i32
        %sign3A_1725 = arith.cmpi sgt, %jit3A_1715, %sign3A_1724 : i32
        %sign3A_1726 = arith.extui %sign3A_1725 : i1 to i32
        %sign3A_1727 = arith.constant 0 : i32
        %sign3A_1728 = arith.cmpi slt, %jit3A_1715, %sign3A_1727 : i32
        %sign3A_1729 = arith.extui %sign3A_1728 : i1 to i32
        %sign3A_1730 = arith.subi %sign3A_1726, %sign3A_1729 : i32
        %ne3A_1731 = arith.cmpi ne, %sign3A_1723, %sign3A_1730 : i32
        %rem3A_1732 = arith.remsi %reduce_max3A_1714, %jit3A_1715 : i32
        %ne3A_1733 = arith.constant 0 : i32
        %ne3A_1734 = arith.cmpi ne, %rem3A_1732, %ne3A_1733 : i32
        %and3A_1735 = arith.andi %ne3A_1731, %ne3A_1734 : i1
        %sub3A_1736 = arith.constant 1 : i32
        %sub3A_1737 = arith.subi %div3A_1716, %sub3A_1736 : i32
        %select_n3A_1738 = arith.select %and3A_1735, %sub3A_1737, %div3A_1716 : i32
        %mul3A_1739 = arith.constant 128 : i32
        %mul3A_1740 = arith.muli %select_n3A_1738, %mul3A_1739 : i32
        %multiple_of3A_1741 = tpu.assume_multiple %mul3A_1740, 128 : i32
        %dma_start3A_1742 = arith.constant 0 : i32
        %dma_start3A_1743 = arith.constant 0 : i32
        %dma_start3A_1744 = arith.constant 0 : i32
        %dma_start3A_1745 = tpu.memref_slice %arg7[%dma_start3A_1742, %dma_start3A_1743, %dma_start3A_1744] : memref<8x64x128xf32, #tpu.memory_space<vmem>> -> memref<1x64x128xf32, #tpu.memory_space<vmem>>
        %dma_start3A_1746 = tpu.memref_squeeze %dma_start3A_1745 : memref<1x64x128xf32, #tpu.memory_space<vmem>> -> memref<64x128xf32, #tpu.memory_space<vmem>>
        %dma_start3A_1747 = arith.constant 0 : i32
        %dma_start3A_1748 = tpu.memref_slice %arg3[%dma_start3A_1747, %multiple_of3A_1741] : memref<64x1000000xf32, #tpu.memory_space<hbm>> -> memref<64x128xf32, #tpu.memory_space<hbm>>
        %dma_start3A_1749 = arith.constant 0 : i32
        %dma_start3A_1750 = arith.constant 0 : i32
        %dma_start3A_1751 = tpu.memref_slice %arg7[%dma_start3A_1742, %dma_start3A_1749, %dma_start3A_1750] : memref<8x64x128xf32, #tpu.memory_space<vmem>> -> memref<1x64x128xf32, #tpu.memory_space<vmem>>
        %dma_start3A_1752 = tpu.memref_squeeze %dma_start3A_1751 : memref<1x64x128xf32, #tpu.memory_space<vmem>> -> memref<64x128xf32, #tpu.memory_space<vmem>>
        %dma_start3A_1753 = arith.constant 0 : i32
        %dma_start3A_1754 = tpu.memref_slice %arg3[%dma_start3A_1753, %multiple_of3A_1741] : memref<64x1000000xf32, #tpu.memory_space<hbm>> -> memref<64x128xf32, #tpu.memory_space<hbm>>
        tpu.enqueue_dma source(%dma_start3A_1754 : memref<64x128xf32, #tpu.memory_space<hbm>>) target(%dma_start3A_1752 : memref<64x128xf32, #tpu.memory_space<vmem>>) target_semaphore(%arg10 : memref<!tpu.dma_semaphore, #tpu.memory_space<semaphore_mem>>)
        %mul3A_1755 = arith.constant 4 : i32
        %mul3A_1756 = arith.muli %add3A_1652, %mul3A_1755 : i32
        %add3A_1757 = arith.constant 1 : i32
        %add3A_1758 = arith.addi %mul3A_1756, %add3A_1757 : i32
        %jit3A_1759 = arith.constant 16 : i32
        %div3A_1760 = arith.divsi %add3A_1758, %jit3A_1759 : i32
        %sign3A_1761 = arith.constant 0 : i32
        %sign3A_1762 = arith.cmpi sgt, %add3A_1758, %sign3A_1761 : i32
        %sign3A_1763 = arith.extui %sign3A_1762 : i1 to i32
        %sign3A_1764 = arith.constant 0 : i32
        %sign3A_1765 = arith.cmpi slt, %add3A_1758, %sign3A_1764 : i32
        %sign3A_1766 = arith.extui %sign3A_1765 : i1 to i32
        %sign3A_1767 = arith.subi %sign3A_1763, %sign3A_1766 : i32
        %sign3A_1768 = arith.constant 0 : i32
        %sign3A_1769 = arith.cmpi sgt, %jit3A_1759, %sign3A_1768 : i32
        %sign3A_1770 = arith.extui %sign3A_1769 : i1 to i32
        %sign3A_1771 = arith.constant 0 : i32
        %sign3A_1772 = arith.cmpi slt, %jit3A_1759, %sign3A_1771 : i32
        %sign3A_1773 = arith.extui %sign3A_1772 : i1 to i32
        %sign3A_1774 = arith.subi %sign3A_1770, %sign3A_1773 : i32
        %ne3A_1775 = arith.cmpi ne, %sign3A_1767, %sign3A_1774 : i32
        %rem3A_1776 = arith.remsi %add3A_1758, %jit3A_1759 : i32
        %ne3A_1777 = arith.constant 0 : i32
        %ne3A_1778 = arith.cmpi ne, %rem3A_1776, %ne3A_1777 : i32
        %and3A_1779 = arith.andi %ne3A_1775, %ne3A_1778 : i1
        %sub3A_1780 = arith.constant 1 : i32
        %sub3A_1781 = arith.subi %div3A_1760, %sub3A_1780 : i32
        %select_n3A_1782 = arith.select %and3A_1779, %sub3A_1781, %div3A_1760 : i32
        %mul3A_1783 = arith.constant 16 : i32
        %mul3A_1784 = arith.muli %select_n3A_1782, %mul3A_1783 : i32
        %multiple_of3A_1785 = tpu.assume_multiple %mul3A_1784, 16 : i32
        %get3A_1786 = arith.index_cast %multiple_of3A_1785 : i32 to index
        %get3A_1787 = tpu.vector_load %arg6[%get3A_1786] {strides = array<i32>} : memref<256xi32, #tpu.memory_space<vmem>>, vector<16xi32>,
        %jit3A_1788 = arith.constant 16 : i32
        %eq3A_1789 = arith.constant 0 : i32
        %eq3A_1790 = arith.cmpi eq, %jit3A_1788, %eq3A_1789 : i32
        %jit3A_1791 = arith.constant 1 : i32
        %select_n3A_1792 = arith.select %eq3A_1790, %jit3A_1791, %jit3A_1788 : i32
        %rem3A_1793 = arith.remsi %add3A_1758, %select_n3A_1792 : i32
        %ne3A_1794 = arith.constant 0 : i32
        %ne3A_1795 = arith.cmpi ne, %rem3A_1793, %ne3A_1794 : i32
        %lt3A_1796 = arith.constant 0 : i32
        %lt3A_1797 = arith.cmpi slt, %rem3A_1793, %lt3A_1796 : i32
        %lt3A_1798 = arith.constant 0 : i32
        %lt3A_1799 = arith.cmpi slt, %select_n3A_1792, %lt3A_1798 : i32
        %ne3A_1800 = arith.xori %lt3A_1797, %lt3A_1799 : i1
        %and3A_1801 = arith.andi %ne3A_1800, %ne3A_1795 : i1
        %add3A_1802 = arith.addi %rem3A_1793, %select_n3A_1792 : i32
        %select_n3A_1803 = arith.select %and3A_1801, %add3A_1802, %rem3A_1793 : i32
        %broadcast_in_dim3A_1804 = vector.broadcast %select_n3A_1803 : i32 to vector<16xi32>
        %eq3A_1805 = arith.cmpi eq, %iota3A, %broadcast_in_dim3A_1804 : vector<16xi32>
        %jit3A_1806 = arith.constant 0 : i32
        %broadcast_in_dim3A_1807 = vector.broadcast %jit3A_1806 : i32 to vector<16xi32>
        %select_n3A_1808 = arith.select %eq3A_1805, %get3A_1787, %broadcast_in_dim3A_1807 : vector<16xi1>, vector<16xi32>
        %reduce_max3A_1809 = arith.constant true
        %reduce_max3A_1810 = vector.broadcast %reduce_max3A_1809 : i1 to vector<16xi1>
        %reduce_max3A_1811 = arith.constant -2147483648 : i32
        %reduce_max3A_1812 = vector.broadcast %reduce_max3A_1811 : i32 to vector<16xi32>
        %reduce_max3A_1813 = arith.xori %select_n3A_1808, %reduce_max3A_1812 : vector<16xi32>
        %reduce_max3A_1814 = tpu.scan <max>, %reduce_max3A_1813 masked %reduce_max3A_1810 : vector<16xi32>, vector<16xi1> -> vector<16xi32>
        %reduce_max3A_1815 = arith.xori %reduce_max3A_1814, %reduce_max3A_1812 : vector<16xi32>
        %reduce_max3A_1816 = vector.extract %reduce_max3A_1815[15] : i32 from vector<16xi32>
        %jit3A_1817 = arith.constant 128 : i32
        %div3A_1818 = arith.divsi %reduce_max3A_1816, %jit3A_1817 : i32
        %sign3A_1819 = arith.constant 0 : i32
        %sign3A_1820 = arith.cmpi sgt, %reduce_max3A_1816, %sign3A_1819 : i32
        %sign3A_1821 = arith.extui %sign3A_1820 : i1 to i32
        %sign3A_1822 = arith.constant 0 : i32
        %sign3A_1823 = arith.cmpi slt, %reduce_max3A_1816, %sign3A_1822 : i32
        %sign3A_1824 = arith.extui %sign3A_1823 : i1 to i32
        %sign3A_1825 = arith.subi %sign3A_1821, %sign3A_1824 : i32
        %sign3A_1826 = arith.constant 0 : i32
        %sign3A_1827 = arith.cmpi sgt, %jit3A_1817, %sign3A_1826 : i32
        %sign3A_1828 = arith.extui %sign3A_1827 : i1 to i32
        %sign3A_1829 = arith.constant 0 : i32
        %sign3A_1830 = arith.cmpi slt, %jit3A_1817, %sign3A_1829 : i32
        %sign3A_1831 = arith.extui %sign3A_1830 : i1 to i32
        %sign3A_1832 = arith.subi %sign3A_1828, %sign3A_1831 : i32
        %ne3A_1833 = arith.cmpi ne, %sign3A_1825, %sign3A_1832 : i32
        %rem3A_1834 = arith.remsi %reduce_max3A_1816, %jit3A_1817 : i32
        %ne3A_1835 = arith.constant 0 : i32
        %ne3A_1836 = arith.cmpi ne, %rem3A_1834, %ne3A_1835 : i32
        %and3A_1837 = arith.andi %ne3A_1833, %ne3A_1836 : i1
        %sub3A_1838 = arith.constant 1 : i32
        %sub3A_1839 = arith.subi %div3A_1818, %sub3A_1838 : i32
        %select_n3A_1840 = arith.select %and3A_1837, %sub3A_1839, %div3A_1818 : i32
        %mul3A_1841 = arith.constant 128 : i32
        %mul3A_1842 = arith.muli %select_n3A_1840, %mul3A_1841 : i32
        %multiple_of3A_1843 = tpu.assume_multiple %mul3A_1842, 128 : i32
        %dma_start3A_1844 = arith.constant 1 : i32
        %dma_start3A_1845 = arith.constant 0 : i32
        %dma_start3A_1846 = arith.constant 0 : i32
        %dma_start3A_1847 = tpu.memref_slice %arg7[%dma_start3A_1844, %dma_start3A_1845, %dma_start3A_1846] : memref<8x64x128xf32, #tpu.memory_space<vmem>> -> memref<1x64x128xf32, #tpu.memory_space<vmem>>
        %dma_start3A_1848 = tpu.memref_squeeze %dma_start3A_1847 : memref<1x64x128xf32, #tpu.memory_space<vmem>> -> memref<64x128xf32, #tpu.memory_space<vmem>>
        %dma_start3A_1849 = arith.constant 0 : i32
        %dma_start3A_1850 = tpu.memref_slice %arg3[%dma_start3A_1849, %multiple_of3A_1843] : memref<64x1000000xf32, #tpu.memory_space<hbm>> -> memref<64x128xf32, #tpu.memory_space<hbm>>
        %dma_start3A_1851 = arith.constant 0 : i32
        %dma_start3A_1852 = arith.constant 0 : i32
        %dma_start3A_1853 = tpu.memref_slice %arg7[%dma_start3A_1844, %dma_start3A_1851, %dma_start3A_1852] : memref<8x64x128xf32, #tpu.memory_space<vmem>> -> memref<1x64x128xf32, #tpu.memory_space<vmem>>
        %dma_start3A_1854 = tpu.memref_squeeze %dma_start3A_1853 : memref<1x64x128xf32, #tpu.memory_space<vmem>> -> memref<64x128xf32, #tpu.memory_space<vmem>>
        %dma_start3A_1855 = arith.constant 0 : i32
        %dma_start3A_1856 = tpu.memref_slice %arg3[%dma_start3A_1855, %multiple_of3A_1843] : memref<64x1000000xf32, #tpu.memory_space<hbm>> -> memref<64x128xf32, #tpu.memory_space<hbm>>
        tpu.enqueue_dma source(%dma_start3A_1856 : memref<64x128xf32, #tpu.memory_space<hbm>>) target(%dma_start3A_1854 : memref<64x128xf32, #tpu.memory_space<vmem>>) target_semaphore(%arg10 : memref<!tpu.dma_semaphore, #tpu.memory_space<semaphore_mem>>)
        %mul3A_1857 = arith.constant 4 : i32
        %mul3A_1858 = arith.muli %add3A_1652, %mul3A_1857 : i32
        %add3A_1859 = arith.constant 2 : i32
        %add3A_1860 = arith.addi %mul3A_1858, %add3A_1859 : i32
        %jit3A_1861 = arith.constant 16 : i32
        %div3A_1862 = arith.divsi %add3A_1860, %jit3A_1861 : i32
        %sign3A_1863 = arith.constant 0 : i32
        %sign3A_1864 = arith.cmpi sgt, %add3A_1860, %sign3A_1863 : i32
        %sign3A_1865 = arith.extui %sign3A_1864 : i1 to i32
        %sign3A_1866 = arith.constant 0 : i32
        %sign3A_1867 = arith.cmpi slt, %add3A_1860, %sign3A_1866 : i32
        %sign3A_1868 = arith.extui %sign3A_1867 : i1 to i32
        %sign3A_1869 = arith.subi %sign3A_1865, %sign3A_1868 : i32
        %sign3A_1870 = arith.constant 0 : i32
        %sign3A_1871 = arith.cmpi sgt, %jit3A_1861, %sign3A_1870 : i32
        %sign3A_1872 = arith.extui %sign3A_1871 : i1 to i32
        %sign3A_1873 = arith.constant 0 : i32
        %sign3A_1874 = arith.cmpi slt, %jit3A_1861, %sign3A_1873 : i32
        %sign3A_1875 = arith.extui %sign3A_1874 : i1 to i32
        %sign3A_1876 = arith.subi %sign3A_1872, %sign3A_1875 : i32
        %ne3A_1877 = arith.cmpi ne, %sign3A_1869, %sign3A_1876 : i32
        %rem3A_1878 = arith.remsi %add3A_1860, %jit3A_1861 : i32
        %ne3A_1879 = arith.constant 0 : i32
        %ne3A_1880 = arith.cmpi ne, %rem3A_1878, %ne3A_1879 : i32
        %and3A_1881 = arith.andi %ne3A_1877, %ne3A_1880 : i1
        %sub3A_1882 = arith.constant 1 : i32
        %sub3A_1883 = arith.subi %div3A_1862, %sub3A_1882 : i32
        %select_n3A_1884 = arith.select %and3A_1881, %sub3A_1883, %div3A_1862 : i32
        %mul3A_1885 = arith.constant 16 : i32
        %mul3A_1886 = arith.muli %select_n3A_1884, %mul3A_1885 : i32
        %multiple_of3A_1887 = tpu.assume_multiple %mul3A_1886, 16 : i32
        %get3A_1888 = arith.index_cast %multiple_of3A_1887 : i32 to index
        %get3A_1889 = tpu.vector_load %arg6[%get3A_1888] {strides = array<i32>} : memref<256xi32, #tpu.memory_space<vmem>>, vector<16xi32>,
        %jit3A_1890 = arith.constant 16 : i32
        %eq3A_1891 = arith.constant 0 : i32
        %eq3A_1892 = arith.cmpi eq, %jit3A_1890, %eq3A_1891 : i32
        %jit3A_1893 = arith.constant 1 : i32
        %select_n3A_1894 = arith.select %eq3A_1892, %jit3A_1893, %jit3A_1890 : i32
        %rem3A_1895 = arith.remsi %add3A_1860, %select_n3A_1894 : i32
        %ne3A_1896 = arith.constant 0 : i32
        %ne3A_1897 = arith.cmpi ne, %rem3A_1895, %ne3A_1896 : i32
        %lt3A_1898 = arith.constant 0 : i32
        %lt3A_1899 = arith.cmpi slt, %rem3A_1895, %lt3A_1898 : i32
        %lt3A_1900 = arith.constant 0 : i32
        %lt3A_1901 = arith.cmpi slt, %select_n3A_1894, %lt3A_1900 : i32
        %ne3A_1902 = arith.xori %lt3A_1899, %lt3A_1901 : i1
        %and3A_1903 = arith.andi %ne3A_1902, %ne3A_1897 : i1
        %add3A_1904 = arith.addi %rem3A_1895, %select_n3A_1894 : i32
        %select_n3A_1905 = arith.select %and3A_1903, %add3A_1904, %rem3A_1895 : i32
        %broadcast_in_dim3A_1906 = vector.broadcast %select_n3A_1905 : i32 to vector<16xi32>
        %eq3A_1907 = arith.cmpi eq, %iota3A, %broadcast_in_dim3A_1906 : vector<16xi32>
        %jit3A_1908 = arith.constant 0 : i32
        %broadcast_in_dim3A_1909 = vector.broadcast %jit3A_1908 : i32 to vector<16xi32>
        %select_n3A_1910 = arith.select %eq3A_1907, %get3A_1889, %broadcast_in_dim3A_1909 : vector<16xi1>, vector<16xi32>
        %reduce_max3A_1911 = arith.constant true
        %reduce_max3A_1912 = vector.broadcast %reduce_max3A_1911 : i1 to vector<16xi1>
        %reduce_max3A_1913 = arith.constant -2147483648 : i32
        %reduce_max3A_1914 = vector.broadcast %reduce_max3A_1913 : i32 to vector<16xi32>
        %reduce_max3A_1915 = arith.xori %select_n3A_1910, %reduce_max3A_1914 : vector<16xi32>
        %reduce_max3A_1916 = tpu.scan <max>, %reduce_max3A_1915 masked %reduce_max3A_1912 : vector<16xi32>, vector<16xi1> -> vector<16xi32>
        %reduce_max3A_1917 = arith.xori %reduce_max3A_1916, %reduce_max3A_1914 : vector<16xi32>
        %reduce_max3A_1918 = vector.extract %reduce_max3A_1917[15] : i32 from vector<16xi32>
        %jit3A_1919 = arith.constant 128 : i32
        %div3A_1920 = arith.divsi %reduce_max3A_1918, %jit3A_1919 : i32
        %sign3A_1921 = arith.constant 0 : i32
        %sign3A_1922 = arith.cmpi sgt, %reduce_max3A_1918, %sign3A_1921 : i32
        %sign3A_1923 = arith.extui %sign3A_1922 : i1 to i32
        %sign3A_1924 = arith.constant 0 : i32
        %sign3A_1925 = arith.cmpi slt, %reduce_max3A_1918, %sign3A_1924 : i32
        %sign3A_1926 = arith.extui %sign3A_1925 : i1 to i32
        %sign3A_1927 = arith.subi %sign3A_1923, %sign3A_1926 : i32
        %sign3A_1928 = arith.constant 0 : i32
        %sign3A_1929 = arith.cmpi sgt, %jit3A_1919, %sign3A_1928 : i32
        %sign3A_1930 = arith.extui %sign3A_1929 : i1 to i32
        %sign3A_1931 = arith.constant 0 : i32
        %sign3A_1932 = arith.cmpi slt, %jit3A_1919, %sign3A_1931 : i32
        %sign3A_1933 = arith.extui %sign3A_1932 : i1 to i32
        %sign3A_1934 = arith.subi %sign3A_1930, %sign3A_1933 : i32
        %ne3A_1935 = arith.cmpi ne, %sign3A_1927, %sign3A_1934 : i32
        %rem3A_1936 = arith.remsi %reduce_max3A_1918, %jit3A_1919 : i32
        %ne3A_1937 = arith.constant 0 : i32
        %ne3A_1938 = arith.cmpi ne, %rem3A_1936, %ne3A_1937 : i32
        %and3A_1939 = arith.andi %ne3A_1935, %ne3A_1938 : i1
        %sub3A_1940 = arith.constant 1 : i32
        %sub3A_1941 = arith.subi %div3A_1920, %sub3A_1940 : i32
        %select_n3A_1942 = arith.select %and3A_1939, %sub3A_1941, %div3A_1920 : i32
        %mul3A_1943 = arith.constant 128 : i32
        %mul3A_1944 = arith.muli %select_n3A_1942, %mul3A_1943 : i32
        %multiple_of3A_1945 = tpu.assume_multiple %mul3A_1944, 128 : i32
        %dma_start3A_1946 = arith.constant 2 : i32
        %dma_start3A_1947 = arith.constant 0 : i32
        %dma_start3A_1948 = arith.constant 0 : i32
        %dma_start3A_1949 = tpu.memref_slice %arg7[%dma_start3A_1946, %dma_start3A_1947, %dma_start3A_1948] : memref<8x64x128xf32, #tpu.memory_space<vmem>> -> memref<1x64x128xf32, #tpu.memory_space<vmem>>
        %dma_start3A_1950 = tpu.memref_squeeze %dma_start3A_1949 : memref<1x64x128xf32, #tpu.memory_space<vmem>> -> memref<64x128xf32, #tpu.memory_space<vmem>>
        %dma_start3A_1951 = arith.constant 0 : i32
        %dma_start3A_1952 = tpu.memref_slice %arg3[%dma_start3A_1951, %multiple_of3A_1945] : memref<64x1000000xf32, #tpu.memory_space<hbm>> -> memref<64x128xf32, #tpu.memory_space<hbm>>
        %dma_start3A_1953 = arith.constant 0 : i32
        %dma_start3A_1954 = arith.constant 0 : i32
        %dma_start3A_1955 = tpu.memref_slice %arg7[%dma_start3A_1946, %dma_start3A_1953, %dma_start3A_1954] : memref<8x64x128xf32, #tpu.memory_space<vmem>> -> memref<1x64x128xf32, #tpu.memory_space<vmem>>
        %dma_start3A_1956 = tpu.memref_squeeze %dma_start3A_1955 : memref<1x64x128xf32, #tpu.memory_space<vmem>> -> memref<64x128xf32, #tpu.memory_space<vmem>>
        %dma_start3A_1957 = arith.constant 0 : i32
        %dma_start3A_1958 = tpu.memref_slice %arg3[%dma_start3A_1957, %multiple_of3A_1945] : memref<64x1000000xf32, #tpu.memory_space<hbm>> -> memref<64x128xf32, #tpu.memory_space<hbm>>
        tpu.enqueue_dma source(%dma_start3A_1958 : memref<64x128xf32, #tpu.memory_space<hbm>>) target(%dma_start3A_1956 : memref<64x128xf32, #tpu.memory_space<vmem>>) target_semaphore(%arg10 : memref<!tpu.dma_semaphore, #tpu.memory_space<semaphore_mem>>)
        %mul3A_1959 = arith.constant 4 : i32
        %mul3A_1960 = arith.muli %add3A_1652, %mul3A_1959 : i32
        %add3A_1961 = arith.constant 3 : i32
        %add3A_1962 = arith.addi %mul3A_1960, %add3A_1961 : i32
        %jit3A_1963 = arith.constant 16 : i32
        %div3A_1964 = arith.divsi %add3A_1962, %jit3A_1963 : i32
        %sign3A_1965 = arith.constant 0 : i32
        %sign3A_1966 = arith.cmpi sgt, %add3A_1962, %sign3A_1965 : i32
        %sign3A_1967 = arith.extui %sign3A_1966 : i1 to i32
        %sign3A_1968 = arith.constant 0 : i32
        %sign3A_1969 = arith.cmpi slt, %add3A_1962, %sign3A_1968 : i32
        %sign3A_1970 = arith.extui %sign3A_1969 : i1 to i32
        %sign3A_1971 = arith.subi %sign3A_1967, %sign3A_1970 : i32
        %sign3A_1972 = arith.constant 0 : i32
        %sign3A_1973 = arith.cmpi sgt, %jit3A_1963, %sign3A_1972 : i32
        %sign3A_1974 = arith.extui %sign3A_1973 : i1 to i32
        %sign3A_1975 = arith.constant 0 : i32
        %sign3A_1976 = arith.cmpi slt, %jit3A_1963, %sign3A_1975 : i32
        %sign3A_1977 = arith.extui %sign3A_1976 : i1 to i32
        %sign3A_1978 = arith.subi %sign3A_1974, %sign3A_1977 : i32
        %ne3A_1979 = arith.cmpi ne, %sign3A_1971, %sign3A_1978 : i32
        %rem3A_1980 = arith.remsi %add3A_1962, %jit3A_1963 : i32
        %ne3A_1981 = arith.constant 0 : i32
        %ne3A_1982 = arith.cmpi ne, %rem3A_1980, %ne3A_1981 : i32
        %and3A_1983 = arith.andi %ne3A_1979, %ne3A_1982 : i1
        %sub3A_1984 = arith.constant 1 : i32
        %sub3A_1985 = arith.subi %div3A_1964, %sub3A_1984 : i32
        %select_n3A_1986 = arith.select %and3A_1983, %sub3A_1985, %div3A_1964 : i32
        %mul3A_1987 = arith.constant 16 : i32
        %mul3A_1988 = arith.muli %select_n3A_1986, %mul3A_1987 : i32
        %multiple_of3A_1989 = tpu.assume_multiple %mul3A_1988, 16 : i32
        %get3A_1990 = arith.index_cast %multiple_of3A_1989 : i32 to index
        %get3A_1991 = tpu.vector_load %arg6[%get3A_1990] {strides = array<i32>} : memref<256xi32, #tpu.memory_space<vmem>>, vector<16xi32>,
        %jit3A_1992 = arith.constant 16 : i32
        %eq3A_1993 = arith.constant 0 : i32
        %eq3A_1994 = arith.cmpi eq, %jit3A_1992, %eq3A_1993 : i32
        %jit3A_1995 = arith.constant 1 : i32
        %select_n3A_1996 = arith.select %eq3A_1994, %jit3A_1995, %jit3A_1992 : i32
        %rem3A_1997 = arith.remsi %add3A_1962, %select_n3A_1996 : i32
        %ne3A_1998 = arith.constant 0 : i32
        %ne3A_1999 = arith.cmpi ne, %rem3A_1997, %ne3A_1998 : i32
        %lt3A_2000 = arith.constant 0 : i32
        %lt3A_2001 = arith.cmpi slt, %rem3A_1997, %lt3A_2000 : i32
        %lt3A_2002 = arith.constant 0 : i32
        %lt3A_2003 = arith.cmpi slt, %select_n3A_1996, %lt3A_2002 : i32
        %ne3A_2004 = arith.xori %lt3A_2001, %lt3A_2003 : i1
        %and3A_2005 = arith.andi %ne3A_2004, %ne3A_1999 : i1
        %add3A_2006 = arith.addi %rem3A_1997, %select_n3A_1996 : i32
        %select_n3A_2007 = arith.select %and3A_2005, %add3A_2006, %rem3A_1997 : i32
        %broadcast_in_dim3A_2008 = vector.broadcast %select_n3A_2007 : i32 to vector<16xi32>
        %eq3A_2009 = arith.cmpi eq, %iota3A, %broadcast_in_dim3A_2008 : vector<16xi32>
        %jit3A_2010 = arith.constant 0 : i32
        %broadcast_in_dim3A_2011 = vector.broadcast %jit3A_2010 : i32 to vector<16xi32>
        %select_n3A_2012 = arith.select %eq3A_2009, %get3A_1991, %broadcast_in_dim3A_2011 : vector<16xi1>, vector<16xi32>
        %reduce_max3A_2013 = arith.constant true
        %reduce_max3A_2014 = vector.broadcast %reduce_max3A_2013 : i1 to vector<16xi1>
        %reduce_max3A_2015 = arith.constant -2147483648 : i32
        %reduce_max3A_2016 = vector.broadcast %reduce_max3A_2015 : i32 to vector<16xi32>
        %reduce_max3A_2017 = arith.xori %select_n3A_2012, %reduce_max3A_2016 : vector<16xi32>
        %reduce_max3A_2018 = tpu.scan <max>, %reduce_max3A_2017 masked %reduce_max3A_2014 : vector<16xi32>, vector<16xi1> -> vector<16xi32>
        %reduce_max3A_2019 = arith.xori %reduce_max3A_2018, %reduce_max3A_2016 : vector<16xi32>
        %reduce_max3A_2020 = vector.extract %reduce_max3A_2019[15] : i32 from vector<16xi32>
        %jit3A_2021 = arith.constant 128 : i32
        %div3A_2022 = arith.divsi %reduce_max3A_2020, %jit3A_2021 : i32
        %sign3A_2023 = arith.constant 0 : i32
        %sign3A_2024 = arith.cmpi sgt, %reduce_max3A_2020, %sign3A_2023 : i32
        %sign3A_2025 = arith.extui %sign3A_2024 : i1 to i32
        %sign3A_2026 = arith.constant 0 : i32
        %sign3A_2027 = arith.cmpi slt, %reduce_max3A_2020, %sign3A_2026 : i32
        %sign3A_2028 = arith.extui %sign3A_2027 : i1 to i32
        %sign3A_2029 = arith.subi %sign3A_2025, %sign3A_2028 : i32
        %sign3A_2030 = arith.constant 0 : i32
        %sign3A_2031 = arith.cmpi sgt, %jit3A_2021, %sign3A_2030 : i32
        %sign3A_2032 = arith.extui %sign3A_2031 : i1 to i32
        %sign3A_2033 = arith.constant 0 : i32
        %sign3A_2034 = arith.cmpi slt, %jit3A_2021, %sign3A_2033 : i32
        %sign3A_2035 = arith.extui %sign3A_2034 : i1 to i32
        %sign3A_2036 = arith.subi %sign3A_2032, %sign3A_2035 : i32
        %ne3A_2037 = arith.cmpi ne, %sign3A_2029, %sign3A_2036 : i32
        %rem3A_2038 = arith.remsi %reduce_max3A_2020, %jit3A_2021 : i32
        %ne3A_2039 = arith.constant 0 : i32
        %ne3A_2040 = arith.cmpi ne, %rem3A_2038, %ne3A_2039 : i32
        %and3A_2041 = arith.andi %ne3A_2037, %ne3A_2040 : i1
        %sub3A_2042 = arith.constant 1 : i32
        %sub3A_2043 = arith.subi %div3A_2022, %sub3A_2042 : i32
        %select_n3A_2044 = arith.select %and3A_2041, %sub3A_2043, %div3A_2022 : i32
        %mul3A_2045 = arith.constant 128 : i32
        %mul3A_2046 = arith.muli %select_n3A_2044, %mul3A_2045 : i32
        %multiple_of3A_2047 = tpu.assume_multiple %mul3A_2046, 128 : i32
        %dma_start3A_2048 = arith.constant 3 : i32
        %dma_start3A_2049 = arith.constant 0 : i32
        %dma_start3A_2050 = arith.constant 0 : i32
        %dma_start3A_2051 = tpu.memref_slice %arg7[%dma_start3A_2048, %dma_start3A_2049, %dma_start3A_2050] : memref<8x64x128xf32, #tpu.memory_space<vmem>> -> memref<1x64x128xf32, #tpu.memory_space<vmem>>
        %dma_start3A_2052 = tpu.memref_squeeze %dma_start3A_2051 : memref<1x64x128xf32, #tpu.memory_space<vmem>> -> memref<64x128xf32, #tpu.memory_space<vmem>>
        %dma_start3A_2053 = arith.constant 0 : i32
        %dma_start3A_2054 = tpu.memref_slice %arg3[%dma_start3A_2053, %multiple_of3A_2047] : memref<64x1000000xf32, #tpu.memory_space<hbm>> -> memref<64x128xf32, #tpu.memory_space<hbm>>
        %dma_start3A_2055 = arith.constant 0 : i32
        %dma_start3A_2056 = arith.constant 0 : i32
        %dma_start3A_2057 = tpu.memref_slice %arg7[%dma_start3A_2048, %dma_start3A_2055, %dma_start3A_2056] : memref<8x64x128xf32, #tpu.memory_space<vmem>> -> memref<1x64x128xf32, #tpu.memory_space<vmem>>
        %dma_start3A_2058 = tpu.memref_squeeze %dma_start3A_2057 : memref<1x64x128xf32, #tpu.memory_space<vmem>> -> memref<64x128xf32, #tpu.memory_space<vmem>>
        %dma_start3A_2059 = arith.constant 0 : i32
        %dma_start3A_2060 = tpu.memref_slice %arg3[%dma_start3A_2059, %multiple_of3A_2047] : memref<64x1000000xf32, #tpu.memory_space<hbm>> -> memref<64x128xf32, #tpu.memory_space<hbm>>
        tpu.enqueue_dma source(%dma_start3A_2060 : memref<64x128xf32, #tpu.memory_space<hbm>>) target(%dma_start3A_2058 : memref<64x128xf32, #tpu.memory_space<vmem>>) target_semaphore(%arg10 : memref<!tpu.dma_semaphore, #tpu.memory_space<semaphore_mem>>)
      } else {
      }
      %add3A_1169 = arith.constant 1 : i32
      %add3A_1170 = arith.addi %mul3A_278, %add3A_1169 : i32
      %dma_wait3A_1171 = arith.constant 4 : i32
      %dma_wait3A_1172 = arith.constant 0 : i32
      %dma_wait3A_1173 = arith.constant 0 : i32
      %dma_wait3A_1174 = tpu.memref_slice %arg7[%dma_wait3A_1171, %dma_wait3A_1172, %dma_wait3A_1173] : memref<8x64x128xf32, #tpu.memory_space<vmem>> -> memref<4x64x128xf32, #tpu.memory_space<vmem>>
      %dma_wait3A_1175 = arith.constant 0 : i32
      %dma_wait3A_1176 = arith.constant 0 : i32
      %dma_wait3A_1177 = tpu.memref_slice %arg3[%dma_wait3A_1175, %dma_wait3A_1176] : memref<64x1000000xf32, #tpu.memory_space<hbm>> -> memref<64x512xf32, #tpu.memory_space<hbm>>
      %dma_wait3A_1178 = arith.constant 4 : i32
      %dma_wait3A_1179 = arith.constant 0 : i32
      %dma_wait3A_1180 = arith.constant 0 : i32
      %dma_wait3A_1181 = tpu.memref_slice %arg7[%dma_wait3A_1178, %dma_wait3A_1179, %dma_wait3A_1180] : memref<8x64x128xf32, #tpu.memory_space<vmem>> -> memref<4x64x128xf32, #tpu.memory_space<vmem>>
      %dma_wait3A_1182 = arith.constant 0 : i32
      %dma_wait3A_1183 = arith.constant 0 : i32
      %dma_wait3A_1184 = tpu.memref_slice %arg3[%dma_wait3A_1182, %dma_wait3A_1183] : memref<64x1000000xf32, #tpu.memory_space<hbm>> -> memref<64x512xf32, #tpu.memory_space<hbm>>
      tpu.wait_dma2 semaphore(%arg11 : memref<!tpu.dma_semaphore, #tpu.memory_space<semaphore_mem>>) src(%dma_wait3A_1184 : memref<64x512xf32, #tpu.memory_space<hbm>>) dst(%dma_wait3A_1181 : memref<4x64x128xf32, #tpu.memory_space<vmem>>)
      %add3A_1185 = arith.constant 1 : i32
      %add3A_1186 = arith.addi %mul3A_278, %add3A_1185 : i32
      %mul3A_1187 = arith.constant 4 : i32
      %mul3A_1188 = arith.muli %add3A_1186, %mul3A_1187 : i32
      %add3A_1189 = arith.constant 0 : i32
      %add3A_1190 = arith.addi %mul3A_1188, %add3A_1189 : i32
      %jit3A_1191 = arith.constant 16 : i32
      %div3A_1192 = arith.divsi %add3A_1190, %jit3A_1191 : i32
      %sign3A_1193 = arith.constant 0 : i32
      %sign3A_1194 = arith.cmpi sgt, %add3A_1190, %sign3A_1193 : i32
      %sign3A_1195 = arith.extui %sign3A_1194 : i1 to i32
      %sign3A_1196 = arith.constant 0 : i32
      %sign3A_1197 = arith.cmpi slt, %add3A_1190, %sign3A_1196 : i32
      %sign3A_1198 = arith.extui %sign3A_1197 : i1 to i32
      %sign3A_1199 = arith.subi %sign3A_1195, %sign3A_1198 : i32
      %sign3A_1200 = arith.constant 0 : i32
      %sign3A_1201 = arith.cmpi sgt, %jit3A_1191, %sign3A_1200 : i32
      %sign3A_1202 = arith.extui %sign3A_1201 : i1 to i32
      %sign3A_1203 = arith.constant 0 : i32
      %sign3A_1204 = arith.cmpi slt, %jit3A_1191, %sign3A_1203 : i32
      %sign3A_1205 = arith.extui %sign3A_1204 : i1 to i32
      %sign3A_1206 = arith.subi %sign3A_1202, %sign3A_1205 : i32
      %ne3A_1207 = arith.cmpi ne, %sign3A_1199, %sign3A_1206 : i32
      %rem3A_1208 = arith.remsi %add3A_1190, %jit3A_1191 : i32
      %ne3A_1209 = arith.constant 0 : i32
      %ne3A_1210 = arith.cmpi ne, %rem3A_1208, %ne3A_1209 : i32
      %and3A_1211 = arith.andi %ne3A_1207, %ne3A_1210 : i1
      %sub3A_1212 = arith.constant 1 : i32
      %sub3A_1213 = arith.subi %div3A_1192, %sub3A_1212 : i32
      %select_n3A_1214 = arith.select %and3A_1211, %sub3A_1213, %div3A_1192 : i32
      %mul3A_1215 = arith.constant 16 : i32
      %mul3A_1216 = arith.muli %select_n3A_1214, %mul3A_1215 : i32
      %multiple_of3A_1217 = tpu.assume_multiple %mul3A_1216, 16 : i32
      %get3A_1218 = arith.index_cast %multiple_of3A_1217 : i32 to index
      %get3A_1219 = tpu.vector_load %arg6[%get3A_1218] {strides = array<i32>} : memref<256xi32, #tpu.memory_space<vmem>>, vector<16xi32>,
      %jit3A_1220 = arith.constant 16 : i32
      %eq3A_1221 = arith.constant 0 : i32
      %eq3A_1222 = arith.cmpi eq, %jit3A_1220, %eq3A_1221 : i32
      %jit3A_1223 = arith.constant 1 : i32
      %select_n3A_1224 = arith.select %eq3A_1222, %jit3A_1223, %jit3A_1220 : i32
      %rem3A_1225 = arith.remsi %add3A_1190, %select_n3A_1224 : i32
      %ne3A_1226 = arith.constant 0 : i32
      %ne3A_1227 = arith.cmpi ne, %rem3A_1225, %ne3A_1226 : i32
      %lt3A_1228 = arith.constant 0 : i32
      %lt3A_1229 = arith.cmpi slt, %rem3A_1225, %lt3A_1228 : i32
      %lt3A_1230 = arith.constant 0 : i32
      %lt3A_1231 = arith.cmpi slt, %select_n3A_1224, %lt3A_1230 : i32
      %ne3A_1232 = arith.xori %lt3A_1229, %lt3A_1231 : i1
      %and3A_1233 = arith.andi %ne3A_1232, %ne3A_1227 : i1
      %add3A_1234 = arith.addi %rem3A_1225, %select_n3A_1224 : i32
      %select_n3A_1235 = arith.select %and3A_1233, %add3A_1234, %rem3A_1225 : i32
      %broadcast_in_dim3A_1236 = vector.broadcast %select_n3A_1235 : i32 to vector<16xi32>
      %eq3A_1237 = arith.cmpi eq, %iota3A, %broadcast_in_dim3A_1236 : vector<16xi32>
      %jit3A_1238 = arith.constant 0 : i32
      %broadcast_in_dim3A_1239 = vector.broadcast %jit3A_1238 : i32 to vector<16xi32>
      %select_n3A_1240 = arith.select %eq3A_1237, %get3A_1219, %broadcast_in_dim3A_1239 : vector<16xi1>, vector<16xi32>
      %reduce_max3A_1241 = arith.constant true
      %reduce_max3A_1242 = vector.broadcast %reduce_max3A_1241 : i1 to vector<16xi1>
      %reduce_max3A_1243 = arith.constant -2147483648 : i32
      %reduce_max3A_1244 = vector.broadcast %reduce_max3A_1243 : i32 to vector<16xi32>
      %reduce_max3A_1245 = arith.xori %select_n3A_1240, %reduce_max3A_1244 : vector<16xi32>
      %reduce_max3A_1246 = tpu.scan <max>, %reduce_max3A_1245 masked %reduce_max3A_1242 : vector<16xi32>, vector<16xi1> -> vector<16xi32>
      %reduce_max3A_1247 = arith.xori %reduce_max3A_1246, %reduce_max3A_1244 : vector<16xi32>
      %reduce_max3A_1248 = vector.extract %reduce_max3A_1247[15] : i32 from vector<16xi32>
      %jit3A_1249 = arith.constant 128 : i32
      %eq3A_1250 = arith.constant 0 : i32
      %eq3A_1251 = arith.cmpi eq, %jit3A_1249, %eq3A_1250 : i32
      %jit3A_1252 = arith.constant 1 : i32
      %select_n3A_1253 = arith.select %eq3A_1251, %jit3A_1252, %jit3A_1249 : i32
      %rem3A_1254 = arith.remsi %reduce_max3A_1248, %select_n3A_1253 : i32
      %ne3A_1255 = arith.constant 0 : i32
      %ne3A_1256 = arith.cmpi ne, %rem3A_1254, %ne3A_1255 : i32
      %lt3A_1257 = arith.constant 0 : i32
      %lt3A_1258 = arith.cmpi slt, %rem3A_1254, %lt3A_1257 : i32
      %lt3A_1259 = arith.constant 0 : i32
      %lt3A_1260 = arith.cmpi slt, %select_n3A_1253, %lt3A_1259 : i32
      %ne3A_1261 = arith.xori %lt3A_1258, %lt3A_1260 : i1
      %and3A_1262 = arith.andi %ne3A_1261, %ne3A_1256 : i1
      %add3A_1263 = arith.addi %rem3A_1254, %select_n3A_1253 : i32
      %select_n3A_1264 = arith.select %and3A_1262, %add3A_1263, %rem3A_1254 : i32
      %broadcast_in_dim3A_1265 = vector.broadcast %select_n3A_1264 : i32 to vector<16xi32>
      %broadcast_in_dim3A_1266 = vector.broadcast %add3A_1190 : i32 to vector<16xi32>
      %add3A_1267 = arith.constant 0 : i32
      %add3A_1268 = vector.broadcast %add3A_1267 : i32 to vector<16xi32>
      %add3A_1269 = arith.addi %add3A_1268, %iota3A : vector<16xi32>
      %gather3A_1270 = arith.constant 4 : i32
      %gather3A_1271 = arith.constant 0 : i32
      %gather3A_1272 = arith.constant 0 : i32
      %gather3A_1273 = tpu.memref_slice %arg7[%gather3A_1270, %gather3A_1271, %gather3A_1272] : memref<8x64x128xf32, #tpu.memory_space<vmem>> -> memref<1x64x128xf32, #tpu.memory_space<vmem>>
      %gather3A_1274 = tpu.memref_squeeze %gather3A_1273 : memref<1x64x128xf32, #tpu.memory_space<vmem>> -> memref<64x128xf32, #tpu.memory_space<vmem>>
      %gather3A_1275 = tpu.vector_load_idx %gather3A_1274[%add3A_1269, %broadcast_in_dim3A_1265] : memref<64x128xf32, #tpu.memory_space<vmem>>[vector<16xi32>, vector<16xi32>], vector<16xf32>,
      tpu.vector_store_idx %arg8[%add3A_1269, %broadcast_in_dim3A_1266], %gather3A_1275 : memref<64x256xf32, #tpu.memory_space<vmem>>[vector<16xi32>, vector<16xi32>], vector<16xf32>,
      %add3A_1276 = arith.constant 16 : i32
      %add3A_1277 = vector.broadcast %add3A_1276 : i32 to vector<16xi32>
      %add3A_1278 = arith.addi %add3A_1277, %iota3A : vector<16xi32>
      %gather3A_1279 = arith.constant 4 : i32
      %gather3A_1280 = arith.constant 0 : i32
      %gather3A_1281 = arith.constant 0 : i32
      %gather3A_1282 = tpu.memref_slice %arg7[%gather3A_1279, %gather3A_1280, %gather3A_1281] : memref<8x64x128xf32, #tpu.memory_space<vmem>> -> memref<1x64x128xf32, #tpu.memory_space<vmem>>
      %gather3A_1283 = tpu.memref_squeeze %gather3A_1282 : memref<1x64x128xf32, #tpu.memory_space<vmem>> -> memref<64x128xf32, #tpu.memory_space<vmem>>
      %gather3A_1284 = tpu.vector_load_idx %gather3A_1283[%add3A_1278, %broadcast_in_dim3A_1265] : memref<64x128xf32, #tpu.memory_space<vmem>>[vector<16xi32>, vector<16xi32>], vector<16xf32>,
      tpu.vector_store_idx %arg8[%add3A_1278, %broadcast_in_dim3A_1266], %gather3A_1284 : memref<64x256xf32, #tpu.memory_space<vmem>>[vector<16xi32>, vector<16xi32>], vector<16xf32>,
      %add3A_1285 = arith.constant 32 : i32
      %add3A_1286 = vector.broadcast %add3A_1285 : i32 to vector<16xi32>
      %add3A_1287 = arith.addi %add3A_1286, %iota3A : vector<16xi32>
      %gather3A_1288 = arith.constant 4 : i32
      %gather3A_1289 = arith.constant 0 : i32
      %gather3A_1290 = arith.constant 0 : i32
      %gather3A_1291 = tpu.memref_slice %arg7[%gather3A_1288, %gather3A_1289, %gather3A_1290] : memref<8x64x128xf32, #tpu.memory_space<vmem>> -> memref<1x64x128xf32, #tpu.memory_space<vmem>>
      %gather3A_1292 = tpu.memref_squeeze %gather3A_1291 : memref<1x64x128xf32, #tpu.memory_space<vmem>> -> memref<64x128xf32, #tpu.memory_space<vmem>>
      %gather3A_1293 = tpu.vector_load_idx %gather3A_1292[%add3A_1287, %broadcast_in_dim3A_1265] : memref<64x128xf32, #tpu.memory_space<vmem>>[vector<16xi32>, vector<16xi32>], vector<16xf32>,
      tpu.vector_store_idx %arg8[%add3A_1287, %broadcast_in_dim3A_1266], %gather3A_1293 : memref<64x256xf32, #tpu.memory_space<vmem>>[vector<16xi32>, vector<16xi32>], vector<16xf32>,
      %add3A_1294 = arith.constant 48 : i32
      %add3A_1295 = vector.broadcast %add3A_1294 : i32 to vector<16xi32>
      %add3A_1296 = arith.addi %add3A_1295, %iota3A : vector<16xi32>
      %gather3A_1297 = arith.constant 4 : i32
      %gather3A_1298 = arith.constant 0 : i32
      %gather3A_1299 = arith.constant 0 : i32
      %gather3A_1300 = tpu.memref_slice %arg7[%gather3A_1297, %gather3A_1298, %gather3A_1299] : memref<8x64x128xf32, #tpu.memory_space<vmem>> -> memref<1x64x128xf32, #tpu.memory_space<vmem>>
      %gather3A_1301 = tpu.memref_squeeze %gather3A_1300 : memref<1x64x128xf32, #tpu.memory_space<vmem>> -> memref<64x128xf32, #tpu.memory_space<vmem>>
      %gather3A_1302 = tpu.vector_load_idx %gather3A_1301[%add3A_1296, %broadcast_in_dim3A_1265] : memref<64x128xf32, #tpu.memory_space<vmem>>[vector<16xi32>, vector<16xi32>], vector<16xf32>,
      tpu.vector_store_idx %arg8[%add3A_1296, %broadcast_in_dim3A_1266], %gather3A_1302 : memref<64x256xf32, #tpu.memory_space<vmem>>[vector<16xi32>, vector<16xi32>], vector<16xf32>,
      %mul3A_1303 = arith.constant 4 : i32
      %mul3A_1304 = arith.muli %add3A_1186, %mul3A_1303 : i32
      %add3A_1305 = arith.constant 1 : i32
      %add3A_1306 = arith.addi %mul3A_1304, %add3A_1305 : i32
      %jit3A_1307 = arith.constant 16 : i32
      %div3A_1308 = arith.divsi %add3A_1306, %jit3A_1307 : i32
      %sign3A_1309 = arith.constant 0 : i32
      %sign3A_1310 = arith.cmpi sgt, %add3A_1306, %sign3A_1309 : i32
      %sign3A_1311 = arith.extui %sign3A_1310 : i1 to i32
      %sign3A_1312 = arith.constant 0 : i32
      %sign3A_1313 = arith.cmpi slt, %add3A_1306, %sign3A_1312 : i32
      %sign3A_1314 = arith.extui %sign3A_1313 : i1 to i32
      %sign3A_1315 = arith.subi %sign3A_1311, %sign3A_1314 : i32
      %sign3A_1316 = arith.constant 0 : i32
      %sign3A_1317 = arith.cmpi sgt, %jit3A_1307, %sign3A_1316 : i32
      %sign3A_1318 = arith.extui %sign3A_1317 : i1 to i32
      %sign3A_1319 = arith.constant 0 : i32
      %sign3A_1320 = arith.cmpi slt, %jit3A_1307, %sign3A_1319 : i32
      %sign3A_1321 = arith.extui %sign3A_1320 : i1 to i32
      %sign3A_1322 = arith.subi %sign3A_1318, %sign3A_1321 : i32
      %ne3A_1323 = arith.cmpi ne, %sign3A_1315, %sign3A_1322 : i32
      %rem3A_1324 = arith.remsi %add3A_1306, %jit3A_1307 : i32
      %ne3A_1325 = arith.constant 0 : i32
      %ne3A_1326 = arith.cmpi ne, %rem3A_1324, %ne3A_1325 : i32
      %and3A_1327 = arith.andi %ne3A_1323, %ne3A_1326 : i1
      %sub3A_1328 = arith.constant 1 : i32
      %sub3A_1329 = arith.subi %div3A_1308, %sub3A_1328 : i32
      %select_n3A_1330 = arith.select %and3A_1327, %sub3A_1329, %div3A_1308 : i32
      %mul3A_1331 = arith.constant 16 : i32
      %mul3A_1332 = arith.muli %select_n3A_1330, %mul3A_1331 : i32
      %multiple_of3A_1333 = tpu.assume_multiple %mul3A_1332, 16 : i32
      %get3A_1334 = arith.index_cast %multiple_of3A_1333 : i32 to index
      %get3A_1335 = tpu.vector_load %arg6[%get3A_1334] {strides = array<i32>} : memref<256xi32, #tpu.memory_space<vmem>>, vector<16xi32>,
      %jit3A_1336 = arith.constant 16 : i32
      %eq3A_1337 = arith.constant 0 : i32
      %eq3A_1338 = arith.cmpi eq, %jit3A_1336, %eq3A_1337 : i32
      %jit3A_1339 = arith.constant 1 : i32
      %select_n3A_1340 = arith.select %eq3A_1338, %jit3A_1339, %jit3A_1336 : i32
      %rem3A_1341 = arith.remsi %add3A_1306, %select_n3A_1340 : i32
      %ne3A_1342 = arith.constant 0 : i32
      %ne3A_1343 = arith.cmpi ne, %rem3A_1341, %ne3A_1342 : i32
      %lt3A_1344 = arith.constant 0 : i32
      %lt3A_1345 = arith.cmpi slt, %rem3A_1341, %lt3A_1344 : i32
      %lt3A_1346 = arith.constant 0 : i32
      %lt3A_1347 = arith.cmpi slt, %select_n3A_1340, %lt3A_1346 : i32
      %ne3A_1348 = arith.xori %lt3A_1345, %lt3A_1347 : i1
      %and3A_1349 = arith.andi %ne3A_1348, %ne3A_1343 : i1
      %add3A_1350 = arith.addi %rem3A_1341, %select_n3A_1340 : i32
      %select_n3A_1351 = arith.select %and3A_1349, %add3A_1350, %rem3A_1341 : i32
      %broadcast_in_dim3A_1352 = vector.broadcast %select_n3A_1351 : i32 to vector<16xi32>
      %eq3A_1353 = arith.cmpi eq, %iota3A, %broadcast_in_dim3A_1352 : vector<16xi32>
      %jit3A_1354 = arith.constant 0 : i32
      %broadcast_in_dim3A_1355 = vector.broadcast %jit3A_1354 : i32 to vector<16xi32>
      %select_n3A_1356 = arith.select %eq3A_1353, %get3A_1335, %broadcast_in_dim3A_1355 : vector<16xi1>, vector<16xi32>
      %reduce_max3A_1357 = arith.constant true
      %reduce_max3A_1358 = vector.broadcast %reduce_max3A_1357 : i1 to vector<16xi1>
      %reduce_max3A_1359 = arith.constant -2147483648 : i32
      %reduce_max3A_1360 = vector.broadcast %reduce_max3A_1359 : i32 to vector<16xi32>
      %reduce_max3A_1361 = arith.xori %select_n3A_1356, %reduce_max3A_1360 : vector<16xi32>
      %reduce_max3A_1362 = tpu.scan <max>, %reduce_max3A_1361 masked %reduce_max3A_1358 : vector<16xi32>, vector<16xi1> -> vector<16xi32>
      %reduce_max3A_1363 = arith.xori %reduce_max3A_1362, %reduce_max3A_1360 : vector<16xi32>
      %reduce_max3A_1364 = vector.extract %reduce_max3A_1363[15] : i32 from vector<16xi32>
      %jit3A_1365 = arith.constant 128 : i32
      %eq3A_1366 = arith.constant 0 : i32
      %eq3A_1367 = arith.cmpi eq, %jit3A_1365, %eq3A_1366 : i32
      %jit3A_1368 = arith.constant 1 : i32
      %select_n3A_1369 = arith.select %eq3A_1367, %jit3A_1368, %jit3A_1365 : i32
      %rem3A_1370 = arith.remsi %reduce_max3A_1364, %select_n3A_1369 : i32
      %ne3A_1371 = arith.constant 0 : i32
      %ne3A_1372 = arith.cmpi ne, %rem3A_1370, %ne3A_1371 : i32
      %lt3A_1373 = arith.constant 0 : i32
      %lt3A_1374 = arith.cmpi slt, %rem3A_1370, %lt3A_1373 : i32
      %lt3A_1375 = arith.constant 0 : i32
      %lt3A_1376 = arith.cmpi slt, %select_n3A_1369, %lt3A_1375 : i32
      %ne3A_1377 = arith.xori %lt3A_1374, %lt3A_1376 : i1
      %and3A_1378 = arith.andi %ne3A_1377, %ne3A_1372 : i1
      %add3A_1379 = arith.addi %rem3A_1370, %select_n3A_1369 : i32
      %select_n3A_1380 = arith.select %and3A_1378, %add3A_1379, %rem3A_1370 : i32
      %broadcast_in_dim3A_1381 = vector.broadcast %select_n3A_1380 : i32 to vector<16xi32>
      %broadcast_in_dim3A_1382 = vector.broadcast %add3A_1306 : i32 to vector<16xi32>
      %add3A_1383 = arith.constant 0 : i32
      %add3A_1384 = vector.broadcast %add3A_1383 : i32 to vector<16xi32>
      %add3A_1385 = arith.addi %add3A_1384, %iota3A : vector<16xi32>
      %gather3A_1386 = arith.constant 5 : i32
      %gather3A_1387 = arith.constant 0 : i32
      %gather3A_1388 = arith.constant 0 : i32
      %gather3A_1389 = tpu.memref_slice %arg7[%gather3A_1386, %gather3A_1387, %gather3A_1388] : memref<8x64x128xf32, #tpu.memory_space<vmem>> -> memref<1x64x128xf32, #tpu.memory_space<vmem>>
      %gather3A_1390 = tpu.memref_squeeze %gather3A_1389 : memref<1x64x128xf32, #tpu.memory_space<vmem>> -> memref<64x128xf32, #tpu.memory_space<vmem>>
      %gather3A_1391 = tpu.vector_load_idx %gather3A_1390[%add3A_1385, %broadcast_in_dim3A_1381] : memref<64x128xf32, #tpu.memory_space<vmem>>[vector<16xi32>, vector<16xi32>], vector<16xf32>,
      tpu.vector_store_idx %arg8[%add3A_1385, %broadcast_in_dim3A_1382], %gather3A_1391 : memref<64x256xf32, #tpu.memory_space<vmem>>[vector<16xi32>, vector<16xi32>], vector<16xf32>,
      %add3A_1392 = arith.constant 16 : i32
      %add3A_1393 = vector.broadcast %add3A_1392 : i32 to vector<16xi32>
      %add3A_1394 = arith.addi %add3A_1393, %iota3A : vector<16xi32>
      %gather3A_1395 = arith.constant 5 : i32
      %gather3A_1396 = arith.constant 0 : i32
      %gather3A_1397 = arith.constant 0 : i32
      %gather3A_1398 = tpu.memref_slice %arg7[%gather3A_1395, %gather3A_1396, %gather3A_1397] : memref<8x64x128xf32, #tpu.memory_space<vmem>> -> memref<1x64x128xf32, #tpu.memory_space<vmem>>
      %gather3A_1399 = tpu.memref_squeeze %gather3A_1398 : memref<1x64x128xf32, #tpu.memory_space<vmem>> -> memref<64x128xf32, #tpu.memory_space<vmem>>
      %gather3A_1400 = tpu.vector_load_idx %gather3A_1399[%add3A_1394, %broadcast_in_dim3A_1381] : memref<64x128xf32, #tpu.memory_space<vmem>>[vector<16xi32>, vector<16xi32>], vector<16xf32>,
      tpu.vector_store_idx %arg8[%add3A_1394, %broadcast_in_dim3A_1382], %gather3A_1400 : memref<64x256xf32, #tpu.memory_space<vmem>>[vector<16xi32>, vector<16xi32>], vector<16xf32>,
      %add3A_1401 = arith.constant 32 : i32
      %add3A_1402 = vector.broadcast %add3A_1401 : i32 to vector<16xi32>
      %add3A_1403 = arith.addi %add3A_1402, %iota3A : vector<16xi32>
      %gather3A_1404 = arith.constant 5 : i32
      %gather3A_1405 = arith.constant 0 : i32
      %gather3A_1406 = arith.constant 0 : i32
      %gather3A_1407 = tpu.memref_slice %arg7[%gather3A_1404, %gather3A_1405, %gather3A_1406] : memref<8x64x128xf32, #tpu.memory_space<vmem>> -> memref<1x64x128xf32, #tpu.memory_space<vmem>>
      %gather3A_1408 = tpu.memref_squeeze %gather3A_1407 : memref<1x64x128xf32, #tpu.memory_space<vmem>> -> memref<64x128xf32, #tpu.memory_space<vmem>>
      %gather3A_1409 = tpu.vector_load_idx %gather3A_1408[%add3A_1403, %broadcast_in_dim3A_1381] : memref<64x128xf32, #tpu.memory_space<vmem>>[vector<16xi32>, vector<16xi32>], vector<16xf32>,
      tpu.vector_store_idx %arg8[%add3A_1403, %broadcast_in_dim3A_1382], %gather3A_1409 : memref<64x256xf32, #tpu.memory_space<vmem>>[vector<16xi32>, vector<16xi32>], vector<16xf32>,
      %add3A_1410 = arith.constant 48 : i32
      %add3A_1411 = vector.broadcast %add3A_1410 : i32 to vector<16xi32>
      %add3A_1412 = arith.addi %add3A_1411, %iota3A : vector<16xi32>
      %gather3A_1413 = arith.constant 5 : i32
      %gather3A_1414 = arith.constant 0 : i32
      %gather3A_1415 = arith.constant 0 : i32
      %gather3A_1416 = tpu.memref_slice %arg7[%gather3A_1413, %gather3A_1414, %gather3A_1415] : memref<8x64x128xf32, #tpu.memory_space<vmem>> -> memref<1x64x128xf32, #tpu.memory_space<vmem>>
      %gather3A_1417 = tpu.memref_squeeze %gather3A_1416 : memref<1x64x128xf32, #tpu.memory_space<vmem>> -> memref<64x128xf32, #tpu.memory_space<vmem>>
      %gather3A_1418 = tpu.vector_load_idx %gather3A_1417[%add3A_1412, %broadcast_in_dim3A_1381] : memref<64x128xf32, #tpu.memory_space<vmem>>[vector<16xi32>, vector<16xi32>], vector<16xf32>,
      tpu.vector_store_idx %arg8[%add3A_1412, %broadcast_in_dim3A_1382], %gather3A_1418 : memref<64x256xf32, #tpu.memory_space<vmem>>[vector<16xi32>, vector<16xi32>], vector<16xf32>,
      %mul3A_1419 = arith.constant 4 : i32
      %mul3A_1420 = arith.muli %add3A_1186, %mul3A_1419 : i32
      %add3A_1421 = arith.constant 2 : i32
      %add3A_1422 = arith.addi %mul3A_1420, %add3A_1421 : i32
      %jit3A_1423 = arith.constant 16 : i32
      %div3A_1424 = arith.divsi %add3A_1422, %jit3A_1423 : i32
      %sign3A_1425 = arith.constant 0 : i32
      %sign3A_1426 = arith.cmpi sgt, %add3A_1422, %sign3A_1425 : i32
      %sign3A_1427 = arith.extui %sign3A_1426 : i1 to i32
      %sign3A_1428 = arith.constant 0 : i32
      %sign3A_1429 = arith.cmpi slt, %add3A_1422, %sign3A_1428 : i32
      %sign3A_1430 = arith.extui %sign3A_1429 : i1 to i32
      %sign3A_1431 = arith.subi %sign3A_1427, %sign3A_1430 : i32
      %sign3A_1432 = arith.constant 0 : i32
      %sign3A_1433 = arith.cmpi sgt, %jit3A_1423, %sign3A_1432 : i32
      %sign3A_1434 = arith.extui %sign3A_1433 : i1 to i32
      %sign3A_1435 = arith.constant 0 : i32
      %sign3A_1436 = arith.cmpi slt, %jit3A_1423, %sign3A_1435 : i32
      %sign3A_1437 = arith.extui %sign3A_1436 : i1 to i32
      %sign3A_1438 = arith.subi %sign3A_1434, %sign3A_1437 : i32
      %ne3A_1439 = arith.cmpi ne, %sign3A_1431, %sign3A_1438 : i32
      %rem3A_1440 = arith.remsi %add3A_1422, %jit3A_1423 : i32
      %ne3A_1441 = arith.constant 0 : i32
      %ne3A_1442 = arith.cmpi ne, %rem3A_1440, %ne3A_1441 : i32
      %and3A_1443 = arith.andi %ne3A_1439, %ne3A_1442 : i1
      %sub3A_1444 = arith.constant 1 : i32
      %sub3A_1445 = arith.subi %div3A_1424, %sub3A_1444 : i32
      %select_n3A_1446 = arith.select %and3A_1443, %sub3A_1445, %div3A_1424 : i32
      %mul3A_1447 = arith.constant 16 : i32
      %mul3A_1448 = arith.muli %select_n3A_1446, %mul3A_1447 : i32
      %multiple_of3A_1449 = tpu.assume_multiple %mul3A_1448, 16 : i32
      %get3A_1450 = arith.index_cast %multiple_of3A_1449 : i32 to index
      %get3A_1451 = tpu.vector_load %arg6[%get3A_1450] {strides = array<i32>} : memref<256xi32, #tpu.memory_space<vmem>>, vector<16xi32>,
      %jit3A_1452 = arith.constant 16 : i32
      %eq3A_1453 = arith.constant 0 : i32
      %eq3A_1454 = arith.cmpi eq, %jit3A_1452, %eq3A_1453 : i32
      %jit3A_1455 = arith.constant 1 : i32
      %select_n3A_1456 = arith.select %eq3A_1454, %jit3A_1455, %jit3A_1452 : i32
      %rem3A_1457 = arith.remsi %add3A_1422, %select_n3A_1456 : i32
      %ne3A_1458 = arith.constant 0 : i32
      %ne3A_1459 = arith.cmpi ne, %rem3A_1457, %ne3A_1458 : i32
      %lt3A_1460 = arith.constant 0 : i32
      %lt3A_1461 = arith.cmpi slt, %rem3A_1457, %lt3A_1460 : i32
      %lt3A_1462 = arith.constant 0 : i32
      %lt3A_1463 = arith.cmpi slt, %select_n3A_1456, %lt3A_1462 : i32
      %ne3A_1464 = arith.xori %lt3A_1461, %lt3A_1463 : i1
      %and3A_1465 = arith.andi %ne3A_1464, %ne3A_1459 : i1
      %add3A_1466 = arith.addi %rem3A_1457, %select_n3A_1456 : i32
      %select_n3A_1467 = arith.select %and3A_1465, %add3A_1466, %rem3A_1457 : i32
      %broadcast_in_dim3A_1468 = vector.broadcast %select_n3A_1467 : i32 to vector<16xi32>
      %eq3A_1469 = arith.cmpi eq, %iota3A, %broadcast_in_dim3A_1468 : vector<16xi32>
      %jit3A_1470 = arith.constant 0 : i32
      %broadcast_in_dim3A_1471 = vector.broadcast %jit3A_1470 : i32 to vector<16xi32>
      %select_n3A_1472 = arith.select %eq3A_1469, %get3A_1451, %broadcast_in_dim3A_1471 : vector<16xi1>, vector<16xi32>
      %reduce_max3A_1473 = arith.constant true
      %reduce_max3A_1474 = vector.broadcast %reduce_max3A_1473 : i1 to vector<16xi1>
      %reduce_max3A_1475 = arith.constant -2147483648 : i32
      %reduce_max3A_1476 = vector.broadcast %reduce_max3A_1475 : i32 to vector<16xi32>
      %reduce_max3A_1477 = arith.xori %select_n3A_1472, %reduce_max3A_1476 : vector<16xi32>
      %reduce_max3A_1478 = tpu.scan <max>, %reduce_max3A_1477 masked %reduce_max3A_1474 : vector<16xi32>, vector<16xi1> -> vector<16xi32>
      %reduce_max3A_1479 = arith.xori %reduce_max3A_1478, %reduce_max3A_1476 : vector<16xi32>
      %reduce_max3A_1480 = vector.extract %reduce_max3A_1479[15] : i32 from vector<16xi32>
      %jit3A_1481 = arith.constant 128 : i32
      %eq3A_1482 = arith.constant 0 : i32
      %eq3A_1483 = arith.cmpi eq, %jit3A_1481, %eq3A_1482 : i32
      %jit3A_1484 = arith.constant 1 : i32
      %select_n3A_1485 = arith.select %eq3A_1483, %jit3A_1484, %jit3A_1481 : i32
      %rem3A_1486 = arith.remsi %reduce_max3A_1480, %select_n3A_1485 : i32
      %ne3A_1487 = arith.constant 0 : i32
      %ne3A_1488 = arith.cmpi ne, %rem3A_1486, %ne3A_1487 : i32
      %lt3A_1489 = arith.constant 0 : i32
      %lt3A_1490 = arith.cmpi slt, %rem3A_1486, %lt3A_1489 : i32
      %lt3A_1491 = arith.constant 0 : i32
      %lt3A_1492 = arith.cmpi slt, %select_n3A_1485, %lt3A_1491 : i32
      %ne3A_1493 = arith.xori %lt3A_1490, %lt3A_1492 : i1
      %and3A_1494 = arith.andi %ne3A_1493, %ne3A_1488 : i1
      %add3A_1495 = arith.addi %rem3A_1486, %select_n3A_1485 : i32
      %select_n3A_1496 = arith.select %and3A_1494, %add3A_1495, %rem3A_1486 : i32
      %broadcast_in_dim3A_1497 = vector.broadcast %select_n3A_1496 : i32 to vector<16xi32>
      %broadcast_in_dim3A_1498 = vector.broadcast %add3A_1422 : i32 to vector<16xi32>
      %add3A_1499 = arith.constant 0 : i32
      %add3A_1500 = vector.broadcast %add3A_1499 : i32 to vector<16xi32>
      %add3A_1501 = arith.addi %add3A_1500, %iota3A : vector<16xi32>
      %gather3A_1502 = arith.constant 6 : i32
      %gather3A_1503 = arith.constant 0 : i32
      %gather3A_1504 = arith.constant 0 : i32
      %gather3A_1505 = tpu.memref_slice %arg7[%gather3A_1502, %gather3A_1503, %gather3A_1504] : memref<8x64x128xf32, #tpu.memory_space<vmem>> -> memref<1x64x128xf32, #tpu.memory_space<vmem>>
      %gather3A_1506 = tpu.memref_squeeze %gather3A_1505 : memref<1x64x128xf32, #tpu.memory_space<vmem>> -> memref<64x128xf32, #tpu.memory_space<vmem>>
      %gather3A_1507 = tpu.vector_load_idx %gather3A_1506[%add3A_1501, %broadcast_in_dim3A_1497] : memref<64x128xf32, #tpu.memory_space<vmem>>[vector<16xi32>, vector<16xi32>], vector<16xf32>,
      tpu.vector_store_idx %arg8[%add3A_1501, %broadcast_in_dim3A_1498], %gather3A_1507 : memref<64x256xf32, #tpu.memory_space<vmem>>[vector<16xi32>, vector<16xi32>], vector<16xf32>,
      %add3A_1508 = arith.constant 16 : i32
      %add3A_1509 = vector.broadcast %add3A_1508 : i32 to vector<16xi32>
      %add3A_1510 = arith.addi %add3A_1509, %iota3A : vector<16xi32>
      %gather3A_1511 = arith.constant 6 : i32
      %gather3A_1512 = arith.constant 0 : i32
      %gather3A_1513 = arith.constant 0 : i32
      %gather3A_1514 = tpu.memref_slice %arg7[%gather3A_1511, %gather3A_1512, %gather3A_1513] : memref<8x64x128xf32, #tpu.memory_space<vmem>> -> memref<1x64x128xf32, #tpu.memory_space<vmem>>
      %gather3A_1515 = tpu.memref_squeeze %gather3A_1514 : memref<1x64x128xf32, #tpu.memory_space<vmem>> -> memref<64x128xf32, #tpu.memory_space<vmem>>
      %gather3A_1516 = tpu.vector_load_idx %gather3A_1515[%add3A_1510, %broadcast_in_dim3A_1497] : memref<64x128xf32, #tpu.memory_space<vmem>>[vector<16xi32>, vector<16xi32>], vector<16xf32>,
      tpu.vector_store_idx %arg8[%add3A_1510, %broadcast_in_dim3A_1498], %gather3A_1516 : memref<64x256xf32, #tpu.memory_space<vmem>>[vector<16xi32>, vector<16xi32>], vector<16xf32>,
      %add3A_1517 = arith.constant 32 : i32
      %add3A_1518 = vector.broadcast %add3A_1517 : i32 to vector<16xi32>
      %add3A_1519 = arith.addi %add3A_1518, %iota3A : vector<16xi32>
      %gather3A_1520 = arith.constant 6 : i32
      %gather3A_1521 = arith.constant 0 : i32
      %gather3A_1522 = arith.constant 0 : i32
      %gather3A_1523 = tpu.memref_slice %arg7[%gather3A_1520, %gather3A_1521, %gather3A_1522] : memref<8x64x128xf32, #tpu.memory_space<vmem>> -> memref<1x64x128xf32, #tpu.memory_space<vmem>>
      %gather3A_1524 = tpu.memref_squeeze %gather3A_1523 : memref<1x64x128xf32, #tpu.memory_space<vmem>> -> memref<64x128xf32, #tpu.memory_space<vmem>>
      %gather3A_1525 = tpu.vector_load_idx %gather3A_1524[%add3A_1519, %broadcast_in_dim3A_1497] : memref<64x128xf32, #tpu.memory_space<vmem>>[vector<16xi32>, vector<16xi32>], vector<16xf32>,
      tpu.vector_store_idx %arg8[%add3A_1519, %broadcast_in_dim3A_1498], %gather3A_1525 : memref<64x256xf32, #tpu.memory_space<vmem>>[vector<16xi32>, vector<16xi32>], vector<16xf32>,
      %add3A_1526 = arith.constant 48 : i32
      %add3A_1527 = vector.broadcast %add3A_1526 : i32 to vector<16xi32>
      %add3A_1528 = arith.addi %add3A_1527, %iota3A : vector<16xi32>
      %gather3A_1529 = arith.constant 6 : i32
      %gather3A_1530 = arith.constant 0 : i32
      %gather3A_1531 = arith.constant 0 : i32
      %gather3A_1532 = tpu.memref_slice %arg7[%gather3A_1529, %gather3A_1530, %gather3A_1531] : memref<8x64x128xf32, #tpu.memory_space<vmem>> -> memref<1x64x128xf32, #tpu.memory_space<vmem>>
      %gather3A_1533 = tpu.memref_squeeze %gather3A_1532 : memref<1x64x128xf32, #tpu.memory_space<vmem>> -> memref<64x128xf32, #tpu.memory_space<vmem>>
      %gather3A_1534 = tpu.vector_load_idx %gather3A_1533[%add3A_1528, %broadcast_in_dim3A_1497] : memref<64x128xf32, #tpu.memory_space<vmem>>[vector<16xi32>, vector<16xi32>], vector<16xf32>,
      tpu.vector_store_idx %arg8[%add3A_1528, %broadcast_in_dim3A_1498], %gather3A_1534 : memref<64x256xf32, #tpu.memory_space<vmem>>[vector<16xi32>, vector<16xi32>], vector<16xf32>,
      %mul3A_1535 = arith.constant 4 : i32
      %mul3A_1536 = arith.muli %add3A_1186, %mul3A_1535 : i32
      %add3A_1537 = arith.constant 3 : i32
      %add3A_1538 = arith.addi %mul3A_1536, %add3A_1537 : i32
      %jit3A_1539 = arith.constant 16 : i32
      %div3A_1540 = arith.divsi %add3A_1538, %jit3A_1539 : i32
      %sign3A_1541 = arith.constant 0 : i32
      %sign3A_1542 = arith.cmpi sgt, %add3A_1538, %sign3A_1541 : i32
      %sign3A_1543 = arith.extui %sign3A_1542 : i1 to i32
      %sign3A_1544 = arith.constant 0 : i32
      %sign3A_1545 = arith.cmpi slt, %add3A_1538, %sign3A_1544 : i32
      %sign3A_1546 = arith.extui %sign3A_1545 : i1 to i32
      %sign3A_1547 = arith.subi %sign3A_1543, %sign3A_1546 : i32
      %sign3A_1548 = arith.constant 0 : i32
      %sign3A_1549 = arith.cmpi sgt, %jit3A_1539, %sign3A_1548 : i32
      %sign3A_1550 = arith.extui %sign3A_1549 : i1 to i32
      %sign3A_1551 = arith.constant 0 : i32
      %sign3A_1552 = arith.cmpi slt, %jit3A_1539, %sign3A_1551 : i32
      %sign3A_1553 = arith.extui %sign3A_1552 : i1 to i32
      %sign3A_1554 = arith.subi %sign3A_1550, %sign3A_1553 : i32
      %ne3A_1555 = arith.cmpi ne, %sign3A_1547, %sign3A_1554 : i32
      %rem3A_1556 = arith.remsi %add3A_1538, %jit3A_1539 : i32
      %ne3A_1557 = arith.constant 0 : i32
      %ne3A_1558 = arith.cmpi ne, %rem3A_1556, %ne3A_1557 : i32
      %and3A_1559 = arith.andi %ne3A_1555, %ne3A_1558 : i1
      %sub3A_1560 = arith.constant 1 : i32
      %sub3A_1561 = arith.subi %div3A_1540, %sub3A_1560 : i32
      %select_n3A_1562 = arith.select %and3A_1559, %sub3A_1561, %div3A_1540 : i32
      %mul3A_1563 = arith.constant 16 : i32
      %mul3A_1564 = arith.muli %select_n3A_1562, %mul3A_1563 : i32
      %multiple_of3A_1565 = tpu.assume_multiple %mul3A_1564, 16 : i32
      %get3A_1566 = arith.index_cast %multiple_of3A_1565 : i32 to index
      %get3A_1567 = tpu.vector_load %arg6[%get3A_1566] {strides = array<i32>} : memref<256xi32, #tpu.memory_space<vmem>>, vector<16xi32>,
      %jit3A_1568 = arith.constant 16 : i32
      %eq3A_1569 = arith.constant 0 : i32
      %eq3A_1570 = arith.cmpi eq, %jit3A_1568, %eq3A_1569 : i32
      %jit3A_1571 = arith.constant 1 : i32
      %select_n3A_1572 = arith.select %eq3A_1570, %jit3A_1571, %jit3A_1568 : i32
      %rem3A_1573 = arith.remsi %add3A_1538, %select_n3A_1572 : i32
      %ne3A_1574 = arith.constant 0 : i32
      %ne3A_1575 = arith.cmpi ne, %rem3A_1573, %ne3A_1574 : i32
      %lt3A_1576 = arith.constant 0 : i32
      %lt3A_1577 = arith.cmpi slt, %rem3A_1573, %lt3A_1576 : i32
      %lt3A_1578 = arith.constant 0 : i32
      %lt3A_1579 = arith.cmpi slt, %select_n3A_1572, %lt3A_1578 : i32
      %ne3A_1580 = arith.xori %lt3A_1577, %lt3A_1579 : i1
      %and3A_1581 = arith.andi %ne3A_1580, %ne3A_1575 : i1
      %add3A_1582 = arith.addi %rem3A_1573, %select_n3A_1572 : i32
      %select_n3A_1583 = arith.select %and3A_1581, %add3A_1582, %rem3A_1573 : i32
      %broadcast_in_dim3A_1584 = vector.broadcast %select_n3A_1583 : i32 to vector<16xi32>
      %eq3A_1585 = arith.cmpi eq, %iota3A, %broadcast_in_dim3A_1584 : vector<16xi32>
      %jit3A_1586 = arith.constant 0 : i32
      %broadcast_in_dim3A_1587 = vector.broadcast %jit3A_1586 : i32 to vector<16xi32>
      %select_n3A_1588 = arith.select %eq3A_1585, %get3A_1567, %broadcast_in_dim3A_1587 : vector<16xi1>, vector<16xi32>
      %reduce_max3A_1589 = arith.constant true
      %reduce_max3A_1590 = vector.broadcast %reduce_max3A_1589 : i1 to vector<16xi1>
      %reduce_max3A_1591 = arith.constant -2147483648 : i32
      %reduce_max3A_1592 = vector.broadcast %reduce_max3A_1591 : i32 to vector<16xi32>
      %reduce_max3A_1593 = arith.xori %select_n3A_1588, %reduce_max3A_1592 : vector<16xi32>
      %reduce_max3A_1594 = tpu.scan <max>, %reduce_max3A_1593 masked %reduce_max3A_1590 : vector<16xi32>, vector<16xi1> -> vector<16xi32>
      %reduce_max3A_1595 = arith.xori %reduce_max3A_1594, %reduce_max3A_1592 : vector<16xi32>
      %reduce_max3A_1596 = vector.extract %reduce_max3A_1595[15] : i32 from vector<16xi32>
      %jit3A_1597 = arith.constant 128 : i32
      %eq3A_1598 = arith.constant 0 : i32
      %eq3A_1599 = arith.cmpi eq, %jit3A_1597, %eq3A_1598 : i32
      %jit3A_1600 = arith.constant 1 : i32
      %select_n3A_1601 = arith.select %eq3A_1599, %jit3A_1600, %jit3A_1597 : i32
      %rem3A_1602 = arith.remsi %reduce_max3A_1596, %select_n3A_1601 : i32
      %ne3A_1603 = arith.constant 0 : i32
      %ne3A_1604 = arith.cmpi ne, %rem3A_1602, %ne3A_1603 : i32
      %lt3A_1605 = arith.constant 0 : i32
      %lt3A_1606 = arith.cmpi slt, %rem3A_1602, %lt3A_1605 : i32
      %lt3A_1607 = arith.constant 0 : i32
      %lt3A_1608 = arith.cmpi slt, %select_n3A_1601, %lt3A_1607 : i32
      %ne3A_1609 = arith.xori %lt3A_1606, %lt3A_1608 : i1
      %and3A_1610 = arith.andi %ne3A_1609, %ne3A_1604 : i1
      %add3A_1611 = arith.addi %rem3A_1602, %select_n3A_1601 : i32
      %select_n3A_1612 = arith.select %and3A_1610, %add3A_1611, %rem3A_1602 : i32
      %broadcast_in_dim3A_1613 = vector.broadcast %select_n3A_1612 : i32 to vector<16xi32>
      %broadcast_in_dim3A_1614 = vector.broadcast %add3A_1538 : i32 to vector<16xi32>
      %add3A_1615 = arith.constant 0 : i32
      %add3A_1616 = vector.broadcast %add3A_1615 : i32 to vector<16xi32>
      %add3A_1617 = arith.addi %add3A_1616, %iota3A : vector<16xi32>
      %gather3A_1618 = arith.constant 7 : i32
      %gather3A_1619 = arith.constant 0 : i32
      %gather3A_1620 = arith.constant 0 : i32
      %gather3A_1621 = tpu.memref_slice %arg7[%gather3A_1618, %gather3A_1619, %gather3A_1620] : memref<8x64x128xf32, #tpu.memory_space<vmem>> -> memref<1x64x128xf32, #tpu.memory_space<vmem>>
      %gather3A_1622 = tpu.memref_squeeze %gather3A_1621 : memref<1x64x128xf32, #tpu.memory_space<vmem>> -> memref<64x128xf32, #tpu.memory_space<vmem>>
      %gather3A_1623 = tpu.vector_load_idx %gather3A_1622[%add3A_1617, %broadcast_in_dim3A_1613] : memref<64x128xf32, #tpu.memory_space<vmem>>[vector<16xi32>, vector<16xi32>], vector<16xf32>,
      tpu.vector_store_idx %arg8[%add3A_1617, %broadcast_in_dim3A_1614], %gather3A_1623 : memref<64x256xf32, #tpu.memory_space<vmem>>[vector<16xi32>, vector<16xi32>], vector<16xf32>,
      %add3A_1624 = arith.constant 16 : i32
      %add3A_1625 = vector.broadcast %add3A_1624 : i32 to vector<16xi32>
      %add3A_1626 = arith.addi %add3A_1625, %iota3A : vector<16xi32>
      %gather3A_1627 = arith.constant 7 : i32
      %gather3A_1628 = arith.constant 0 : i32
      %gather3A_1629 = arith.constant 0 : i32
      %gather3A_1630 = tpu.memref_slice %arg7[%gather3A_1627, %gather3A_1628, %gather3A_1629] : memref<8x64x128xf32, #tpu.memory_space<vmem>> -> memref<1x64x128xf32, #tpu.memory_space<vmem>>
      %gather3A_1631 = tpu.memref_squeeze %gather3A_1630 : memref<1x64x128xf32, #tpu.memory_space<vmem>> -> memref<64x128xf32, #tpu.memory_space<vmem>>
      %gather3A_1632 = tpu.vector_load_idx %gather3A_1631[%add3A_1626, %broadcast_in_dim3A_1613] : memref<64x128xf32, #tpu.memory_space<vmem>>[vector<16xi32>, vector<16xi32>], vector<16xf32>,
      tpu.vector_store_idx %arg8[%add3A_1626, %broadcast_in_dim3A_1614], %gather3A_1632 : memref<64x256xf32, #tpu.memory_space<vmem>>[vector<16xi32>, vector<16xi32>], vector<16xf32>,
      %add3A_1633 = arith.constant 32 : i32
      %add3A_1634 = vector.broadcast %add3A_1633 : i32 to vector<16xi32>
      %add3A_1635 = arith.addi %add3A_1634, %iota3A : vector<16xi32>
      %gather3A_1636 = arith.constant 7 : i32
      %gather3A_1637 = arith.constant 0 : i32
      %gather3A_1638 = arith.constant 0 : i32
      %gather3A_1639 = tpu.memref_slice %arg7[%gather3A_1636, %gather3A_1637, %gather3A_1638] : memref<8x64x128xf32, #tpu.memory_space<vmem>> -> memref<1x64x128xf32, #tpu.memory_space<vmem>>
      %gather3A_1640 = tpu.memref_squeeze %gather3A_1639 : memref<1x64x128xf32, #tpu.memory_space<vmem>> -> memref<64x128xf32, #tpu.memory_space<vmem>>
      %gather3A_1641 = tpu.vector_load_idx %gather3A_1640[%add3A_1635, %broadcast_in_dim3A_1613] : memref<64x128xf32, #tpu.memory_space<vmem>>[vector<16xi32>, vector<16xi32>], vector<16xf32>,
      tpu.vector_store_idx %arg8[%add3A_1635, %broadcast_in_dim3A_1614], %gather3A_1641 : memref<64x256xf32, #tpu.memory_space<vmem>>[vector<16xi32>, vector<16xi32>], vector<16xf32>,
      %add3A_1642 = arith.constant 48 : i32
      %add3A_1643 = vector.broadcast %add3A_1642 : i32 to vector<16xi32>
      %add3A_1644 = arith.addi %add3A_1643, %iota3A : vector<16xi32>
      %gather3A_1645 = arith.constant 7 : i32
      %gather3A_1646 = arith.constant 0 : i32
      %gather3A_1647 = arith.constant 0 : i32
      %gather3A_1648 = tpu.memref_slice %arg7[%gather3A_1645, %gather3A_1646, %gather3A_1647] : memref<8x64x128xf32, #tpu.memory_space<vmem>> -> memref<1x64x128xf32, #tpu.memory_space<vmem>>
      %gather3A_1649 = tpu.memref_squeeze %gather3A_1648 : memref<1x64x128xf32, #tpu.memory_space<vmem>> -> memref<64x128xf32, #tpu.memory_space<vmem>>
      %gather3A_1650 = tpu.vector_load_idx %gather3A_1649[%add3A_1644, %broadcast_in_dim3A_1613] : memref<64x128xf32, #tpu.memory_space<vmem>>[vector<16xi32>, vector<16xi32>], vector<16xf32>,
      tpu.vector_store_idx %arg8[%add3A_1644, %broadcast_in_dim3A_1614], %gather3A_1650 : memref<64x256xf32, #tpu.memory_space<vmem>>[vector<16xi32>, vector<16xi32>], vector<16xf32>,
    }
    %scan3A_267 = arith.constant 32 : i32
    %dma_wait3A = arith.constant 0 : i32
    %dma_wait3A_268 = tpu.memref_slice %arg4[%dma_wait3A, %mul3A_32] : memref<64x2048xf32, #tpu.memory_space<hbm>> -> memref<64x256xf32, #tpu.memory_space<hbm>>
    %dma_wait3A_269 = arith.constant 0 : i32
    %dma_wait3A_270 = tpu.memref_slice %arg4[%dma_wait3A_269, %mul3A_32] : memref<64x2048xf32, #tpu.memory_space<hbm>> -> memref<64x256xf32, #tpu.memory_space<hbm>>
    tpu.wait_dma2 semaphore(%arg12 : memref<!tpu.dma_semaphore, #tpu.memory_space<semaphore_mem>>) src(%dma_wait3A_270 : memref<64x256xf32, #tpu.memory_space<hbm>>) dst(%arg9 : memref<64x256xf32, #tpu.memory_space<vmem>>)
    %scan3A_271 = arith.constant 0 : i32
    %scan3A_272 = arith.constant 64 : i32
    %scan3A_273 = arith.addi %scan3A_271, %scan3A_272 : i32
    %scan3A_274 = arith.constant 1 : i32
    scf.for %scan3A_276 = %scan3A_271 to %scan3A_273 step %scan3A_274  : i32 {
      %get3A_277 = arith.index_cast %scan3A_276 : i32 to index
      %get3A_278 = arith.constant 0 : index
      %get3A_279 = tpu.vector_load %arg8[%get3A_277, %get3A_278] {strides = array<i32>} : memref<64x256xf32, #tpu.memory_space<vmem>>, vector<16xf32>,
      %get3A_280 = arith.index_cast %scan3A_276 : i32 to index
      %get3A_281 = arith.constant 0 : index
      %get3A_282 = tpu.vector_load %arg9[%get3A_280, %get3A_281] {strides = array<i32>} : memref<64x256xf32, #tpu.memory_space<vmem>>, vector<16xf32>,
      %add3A_283 = arith.addf %get3A_279, %get3A_282 : vector<16xf32>
      %swap3A = arith.index_cast %scan3A_276 : i32 to index
      %swap3A_284 = arith.constant 0 : index
      %swap3A_285 = tpu.vector_load %arg8[%swap3A, %swap3A_284] {strides = array<i32>} : memref<64x256xf32, #tpu.memory_space<vmem>>, vector<16xf32>,
      tpu.vector_store %arg8[%swap3A, %swap3A_284], %add3A_283 {strides = array<i32>} : memref<64x256xf32, #tpu.memory_space<vmem>>, vector<16xf32>,
      %get3A_286 = arith.index_cast %scan3A_276 : i32 to index
      %get3A_287 = arith.constant 16 : index
      %get3A_288 = tpu.vector_load %arg8[%get3A_286, %get3A_287] {strides = array<i32>} : memref<64x256xf32, #tpu.memory_space<vmem>>, vector<16xf32>,
      %get3A_289 = arith.index_cast %scan3A_276 : i32 to index
      %get3A_290 = arith.constant 16 : index
      %get3A_291 = tpu.vector_load %arg9[%get3A_289, %get3A_290] {strides = array<i32>} : memref<64x256xf32, #tpu.memory_space<vmem>>, vector<16xf32>,
      %add3A_292 = arith.addf %get3A_288, %get3A_291 : vector<16xf32>
      %swap3A_293 = arith.index_cast %scan3A_276 : i32 to index
      %swap3A_294 = arith.constant 16 : index
      %swap3A_295 = tpu.vector_load %arg8[%swap3A_293, %swap3A_294] {strides = array<i32>} : memref<64x256xf32, #tpu.memory_space<vmem>>, vector<16xf32>,
      tpu.vector_store %arg8[%swap3A_293, %swap3A_294], %add3A_292 {strides = array<i32>} : memref<64x256xf32, #tpu.memory_space<vmem>>, vector<16xf32>,
      %get3A_296 = arith.index_cast %scan3A_276 : i32 to index
      %get3A_297 = arith.constant 32 : index
      %get3A_298 = tpu.vector_load %arg8[%get3A_296, %get3A_297] {strides = array<i32>} : memref<64x256xf32, #tpu.memory_space<vmem>>, vector<16xf32>,
      %get3A_299 = arith.index_cast %scan3A_276 : i32 to index
      %get3A_300 = arith.constant 32 : index
      %get3A_301 = tpu.vector_load %arg9[%get3A_299, %get3A_300] {strides = array<i32>} : memref<64x256xf32, #tpu.memory_space<vmem>>, vector<16xf32>,
      %add3A_302 = arith.addf %get3A_298, %get3A_301 : vector<16xf32>
      %swap3A_303 = arith.index_cast %scan3A_276 : i32 to index
      %swap3A_304 = arith.constant 32 : index
      %swap3A_305 = tpu.vector_load %arg8[%swap3A_303, %swap3A_304] {strides = array<i32>} : memref<64x256xf32, #tpu.memory_space<vmem>>, vector<16xf32>,
      tpu.vector_store %arg8[%swap3A_303, %swap3A_304], %add3A_302 {strides = array<i32>} : memref<64x256xf32, #tpu.memory_space<vmem>>, vector<16xf32>,
      %get3A_306 = arith.index_cast %scan3A_276 : i32 to index
      %get3A_307 = arith.constant 48 : index
      %get3A_308 = tpu.vector_load %arg8[%get3A_306, %get3A_307] {strides = array<i32>} : memref<64x256xf32, #tpu.memory_space<vmem>>, vector<16xf32>,
      %get3A_309 = arith.index_cast %scan3A_276 : i32 to index
      %get3A_310 = arith.constant 48 : index
      %get3A_311 = tpu.vector_load %arg9[%get3A_309, %get3A_310] {strides = array<i32>} : memref<64x256xf32, #tpu.memory_space<vmem>>, vector<16xf32>,
      %add3A_312 = arith.addf %get3A_308, %get3A_311 : vector<16xf32>
      %swap3A_313 = arith.index_cast %scan3A_276 : i32 to index
      %swap3A_314 = arith.constant 48 : index
      %swap3A_315 = tpu.vector_load %arg8[%swap3A_313, %swap3A_314] {strides = array<i32>} : memref<64x256xf32, #tpu.memory_space<vmem>>, vector<16xf32>,
      tpu.vector_store %arg8[%swap3A_313, %swap3A_314], %add3A_312 {strides = array<i32>} : memref<64x256xf32, #tpu.memory_space<vmem>>, vector<16xf32>,
      %get3A_316 = arith.index_cast %scan3A_276 : i32 to index
      %get3A_317 = arith.constant 64 : index
      %get3A_318 = tpu.vector_load %arg8[%get3A_316, %get3A_317] {strides = array<i32>} : memref<64x256xf32, #tpu.memory_space<vmem>>, vector<16xf32>,
      %get3A_319 = arith.index_cast %scan3A_276 : i32 to index
      %get3A_320 = arith.constant 64 : index
      %get3A_321 = tpu.vector_load %arg9[%get3A_319, %get3A_320] {strides = array<i32>} : memref<64x256xf32, #tpu.memory_space<vmem>>, vector<16xf32>,
      %add3A_322 = arith.addf %get3A_318, %get3A_321 : vector<16xf32>
      %swap3A_323 = arith.index_cast %scan3A_276 : i32 to index
      %swap3A_324 = arith.constant 64 : index
      %swap3A_325 = tpu.vector_load %arg8[%swap3A_323, %swap3A_324] {strides = array<i32>} : memref<64x256xf32, #tpu.memory_space<vmem>>, vector<16xf32>,
      tpu.vector_store %arg8[%swap3A_323, %swap3A_324], %add3A_322 {strides = array<i32>} : memref<64x256xf32, #tpu.memory_space<vmem>>, vector<16xf32>,
      %get3A_326 = arith.index_cast %scan3A_276 : i32 to index
      %get3A_327 = arith.constant 80 : index
      %get3A_328 = tpu.vector_load %arg8[%get3A_326, %get3A_327] {strides = array<i32>} : memref<64x256xf32, #tpu.memory_space<vmem>>, vector<16xf32>,
      %get3A_329 = arith.index_cast %scan3A_276 : i32 to index
      %get3A_330 = arith.constant 80 : index
      %get3A_331 = tpu.vector_load %arg9[%get3A_329, %get3A_330] {strides = array<i32>} : memref<64x256xf32, #tpu.memory_space<vmem>>, vector<16xf32>,
      %add3A_332 = arith.addf %get3A_328, %get3A_331 : vector<16xf32>
      %swap3A_333 = arith.index_cast %scan3A_276 : i32 to index
      %swap3A_334 = arith.constant 80 : index
      %swap3A_335 = tpu.vector_load %arg8[%swap3A_333, %swap3A_334] {strides = array<i32>} : memref<64x256xf32, #tpu.memory_space<vmem>>, vector<16xf32>,
      tpu.vector_store %arg8[%swap3A_333, %swap3A_334], %add3A_332 {strides = array<i32>} : memref<64x256xf32, #tpu.memory_space<vmem>>, vector<16xf32>,
      %get3A_336 = arith.index_cast %scan3A_276 : i32 to index
      %get3A_337 = arith.constant 96 : index
      %get3A_338 = tpu.vector_load %arg8[%get3A_336, %get3A_337] {strides = array<i32>} : memref<64x256xf32, #tpu.memory_space<vmem>>, vector<16xf32>,
      %get3A_339 = arith.index_cast %scan3A_276 : i32 to index
      %get3A_340 = arith.constant 96 : index
      %get3A_341 = tpu.vector_load %arg9[%get3A_339, %get3A_340] {strides = array<i32>} : memref<64x256xf32, #tpu.memory_space<vmem>>, vector<16xf32>,
      %add3A_342 = arith.addf %get3A_338, %get3A_341 : vector<16xf32>
      %swap3A_343 = arith.index_cast %scan3A_276 : i32 to index
      %swap3A_344 = arith.constant 96 : index
      %swap3A_345 = tpu.vector_load %arg8[%swap3A_343, %swap3A_344] {strides = array<i32>} : memref<64x256xf32, #tpu.memory_space<vmem>>, vector<16xf32>,
      tpu.vector_store %arg8[%swap3A_343, %swap3A_344], %add3A_342 {strides = array<i32>} : memref<64x256xf32, #tpu.memory_space<vmem>>, vector<16xf32>,
      %get3A_346 = arith.index_cast %scan3A_276 : i32 to index
      %get3A_347 = arith.constant 112 : index
      %get3A_348 = tpu.vector_load %arg8[%get3A_346, %get3A_347] {strides = array<i32>} : memref<64x256xf32, #tpu.memory_space<vmem>>, vector<16xf32>,
      %get3A_349 = arith.index_cast %scan3A_276 : i32 to index
      %get3A_350 = arith.constant 112 : index
      %get3A_351 = tpu.vector_load %arg9[%get3A_349, %get3A_350] {strides = array<i32>} : memref<64x256xf32, #tpu.memory_space<vmem>>, vector<16xf32>,
      %add3A_352 = arith.addf %get3A_348, %get3A_351 : vector<16xf32>
      %swap3A_353 = arith.index_cast %scan3A_276 : i32 to index
      %swap3A_354 = arith.constant 112 : index
      %swap3A_355 = tpu.vector_load %arg8[%swap3A_353, %swap3A_354] {strides = array<i32>} : memref<64x256xf32, #tpu.memory_space<vmem>>, vector<16xf32>,
      tpu.vector_store %arg8[%swap3A_353, %swap3A_354], %add3A_352 {strides = array<i32>} : memref<64x256xf32, #tpu.memory_space<vmem>>, vector<16xf32>,
      %get3A_356 = arith.index_cast %scan3A_276 : i32 to index
      %get3A_357 = arith.constant 128 : index
      %get3A_358 = tpu.vector_load %arg8[%get3A_356, %get3A_357] {strides = array<i32>} : memref<64x256xf32, #tpu.memory_space<vmem>>, vector<16xf32>,
      %get3A_359 = arith.index_cast %scan3A_276 : i32 to index
      %get3A_360 = arith.constant 128 : index
      %get3A_361 = tpu.vector_load %arg9[%get3A_359, %get3A_360] {strides = array<i32>} : memref<64x256xf32, #tpu.memory_space<vmem>>, vector<16xf32>,
      %add3A_362 = arith.addf %get3A_358, %get3A_361 : vector<16xf32>
      %swap3A_363 = arith.index_cast %scan3A_276 : i32 to index
      %swap3A_364 = arith.constant 128 : index
      %swap3A_365 = tpu.vector_load %arg8[%swap3A_363, %swap3A_364] {strides = array<i32>} : memref<64x256xf32, #tpu.memory_space<vmem>>, vector<16xf32>,
      tpu.vector_store %arg8[%swap3A_363, %swap3A_364], %add3A_362 {strides = array<i32>} : memref<64x256xf32, #tpu.memory_space<vmem>>, vector<16xf32>,
      %get3A_366 = arith.index_cast %scan3A_276 : i32 to index
      %get3A_367 = arith.constant 144 : index
      %get3A_368 = tpu.vector_load %arg8[%get3A_366, %get3A_367] {strides = array<i32>} : memref<64x256xf32, #tpu.memory_space<vmem>>, vector<16xf32>,
      %get3A_369 = arith.index_cast %scan3A_276 : i32 to index
      %get3A_370 = arith.constant 144 : index
      %get3A_371 = tpu.vector_load %arg9[%get3A_369, %get3A_370] {strides = array<i32>} : memref<64x256xf32, #tpu.memory_space<vmem>>, vector<16xf32>,
      %add3A_372 = arith.addf %get3A_368, %get3A_371 : vector<16xf32>
      %swap3A_373 = arith.index_cast %scan3A_276 : i32 to index
      %swap3A_374 = arith.constant 144 : index
      %swap3A_375 = tpu.vector_load %arg8[%swap3A_373, %swap3A_374] {strides = array<i32>} : memref<64x256xf32, #tpu.memory_space<vmem>>, vector<16xf32>,
      tpu.vector_store %arg8[%swap3A_373, %swap3A_374], %add3A_372 {strides = array<i32>} : memref<64x256xf32, #tpu.memory_space<vmem>>, vector<16xf32>,
      %get3A_376 = arith.index_cast %scan3A_276 : i32 to index
      %get3A_377 = arith.constant 160 : index
      %get3A_378 = tpu.vector_load %arg8[%get3A_376, %get3A_377] {strides = array<i32>} : memref<64x256xf32, #tpu.memory_space<vmem>>, vector<16xf32>,
      %get3A_379 = arith.index_cast %scan3A_276 : i32 to index
      %get3A_380 = arith.constant 160 : index
      %get3A_381 = tpu.vector_load %arg9[%get3A_379, %get3A_380] {strides = array<i32>} : memref<64x256xf32, #tpu.memory_space<vmem>>, vector<16xf32>,
      %add3A_382 = arith.addf %get3A_378, %get3A_381 : vector<16xf32>
      %swap3A_383 = arith.index_cast %scan3A_276 : i32 to index
      %swap3A_384 = arith.constant 160 : index
      %swap3A_385 = tpu.vector_load %arg8[%swap3A_383, %swap3A_384] {strides = array<i32>} : memref<64x256xf32, #tpu.memory_space<vmem>>, vector<16xf32>,
      tpu.vector_store %arg8[%swap3A_383, %swap3A_384], %add3A_382 {strides = array<i32>} : memref<64x256xf32, #tpu.memory_space<vmem>>, vector<16xf32>,
      %get3A_386 = arith.index_cast %scan3A_276 : i32 to index
      %get3A_387 = arith.constant 176 : index
      %get3A_388 = tpu.vector_load %arg8[%get3A_386, %get3A_387] {strides = array<i32>} : memref<64x256xf32, #tpu.memory_space<vmem>>, vector<16xf32>,
      %get3A_389 = arith.index_cast %scan3A_276 : i32 to index
      %get3A_390 = arith.constant 176 : index
      %get3A_391 = tpu.vector_load %arg9[%get3A_389, %get3A_390] {strides = array<i32>} : memref<64x256xf32, #tpu.memory_space<vmem>>, vector<16xf32>,
      %add3A_392 = arith.addf %get3A_388, %get3A_391 : vector<16xf32>
      %swap3A_393 = arith.index_cast %scan3A_276 : i32 to index
      %swap3A_394 = arith.constant 176 : index
      %swap3A_395 = tpu.vector_load %arg8[%swap3A_393, %swap3A_394] {strides = array<i32>} : memref<64x256xf32, #tpu.memory_space<vmem>>, vector<16xf32>,
      tpu.vector_store %arg8[%swap3A_393, %swap3A_394], %add3A_392 {strides = array<i32>} : memref<64x256xf32, #tpu.memory_space<vmem>>, vector<16xf32>,
      %get3A_396 = arith.index_cast %scan3A_276 : i32 to index
      %get3A_397 = arith.constant 192 : index
      %get3A_398 = tpu.vector_load %arg8[%get3A_396, %get3A_397] {strides = array<i32>} : memref<64x256xf32, #tpu.memory_space<vmem>>, vector<16xf32>,
      %get3A_399 = arith.index_cast %scan3A_276 : i32 to index
      %get3A_400 = arith.constant 192 : index
      %get3A_401 = tpu.vector_load %arg9[%get3A_399, %get3A_400] {strides = array<i32>} : memref<64x256xf32, #tpu.memory_space<vmem>>, vector<16xf32>,
      %add3A_402 = arith.addf %get3A_398, %get3A_401 : vector<16xf32>
      %swap3A_403 = arith.index_cast %scan3A_276 : i32 to index
      %swap3A_404 = arith.constant 192 : index
      %swap3A_405 = tpu.vector_load %arg8[%swap3A_403, %swap3A_404] {strides = array<i32>} : memref<64x256xf32, #tpu.memory_space<vmem>>, vector<16xf32>,
      tpu.vector_store %arg8[%swap3A_403, %swap3A_404], %add3A_402 {strides = array<i32>} : memref<64x256xf32, #tpu.memory_space<vmem>>, vector<16xf32>,
      %get3A_406 = arith.index_cast %scan3A_276 : i32 to index
      %get3A_407 = arith.constant 208 : index
      %get3A_408 = tpu.vector_load %arg8[%get3A_406, %get3A_407] {strides = array<i32>} : memref<64x256xf32, #tpu.memory_space<vmem>>, vector<16xf32>,
      %get3A_409 = arith.index_cast %scan3A_276 : i32 to index
      %get3A_410 = arith.constant 208 : index
      %get3A_411 = tpu.vector_load %arg9[%get3A_409, %get3A_410] {strides = array<i32>} : memref<64x256xf32, #tpu.memory_space<vmem>>, vector<16xf32>,
      %add3A_412 = arith.addf %get3A_408, %get3A_411 : vector<16xf32>
      %swap3A_413 = arith.index_cast %scan3A_276 : i32 to index
      %swap3A_414 = arith.constant 208 : index
      %swap3A_415 = tpu.vector_load %arg8[%swap3A_413, %swap3A_414] {strides = array<i32>} : memref<64x256xf32, #tpu.memory_space<vmem>>, vector<16xf32>,
      tpu.vector_store %arg8[%swap3A_413, %swap3A_414], %add3A_412 {strides = array<i32>} : memref<64x256xf32, #tpu.memory_space<vmem>>, vector<16xf32>,
      %get3A_416 = arith.index_cast %scan3A_276 : i32 to index
      %get3A_417 = arith.constant 224 : index
      %get3A_418 = tpu.vector_load %arg8[%get3A_416, %get3A_417] {strides = array<i32>} : memref<64x256xf32, #tpu.memory_space<vmem>>, vector<16xf32>,
      %get3A_419 = arith.index_cast %scan3A_276 : i32 to index
      %get3A_420 = arith.constant 224 : index
      %get3A_421 = tpu.vector_load %arg9[%get3A_419, %get3A_420] {strides = array<i32>} : memref<64x256xf32, #tpu.memory_space<vmem>>, vector<16xf32>,
      %add3A_422 = arith.addf %get3A_418, %get3A_421 : vector<16xf32>
      %swap3A_423 = arith.index_cast %scan3A_276 : i32 to index
      %swap3A_424 = arith.constant 224 : index
      %swap3A_425 = tpu.vector_load %arg8[%swap3A_423, %swap3A_424] {strides = array<i32>} : memref<64x256xf32, #tpu.memory_space<vmem>>, vector<16xf32>,
      tpu.vector_store %arg8[%swap3A_423, %swap3A_424], %add3A_422 {strides = array<i32>} : memref<64x256xf32, #tpu.memory_space<vmem>>, vector<16xf32>,
      %get3A_426 = arith.index_cast %scan3A_276 : i32 to index
      %get3A_427 = arith.constant 240 : index
      %get3A_428 = tpu.vector_load %arg8[%get3A_426, %get3A_427] {strides = array<i32>} : memref<64x256xf32, #tpu.memory_space<vmem>>, vector<16xf32>,
      %get3A_429 = arith.index_cast %scan3A_276 : i32 to index
      %get3A_430 = arith.constant 240 : index
      %get3A_431 = tpu.vector_load %arg9[%get3A_429, %get3A_430] {strides = array<i32>} : memref<64x256xf32, #tpu.memory_space<vmem>>, vector<16xf32>,
      %add3A_432 = arith.addf %get3A_428, %get3A_431 : vector<16xf32>
      %swap3A_433 = arith.index_cast %scan3A_276 : i32 to index
      %swap3A_434 = arith.constant 240 : index
      %swap3A_435 = tpu.vector_load %arg8[%swap3A_433, %swap3A_434] {strides = array<i32>} : memref<64x256xf32, #tpu.memory_space<vmem>>, vector<16xf32>,
      tpu.vector_store %arg8[%swap3A_433, %swap3A_434], %add3A_432 {strides = array<i32>} : memref<64x256xf32, #tpu.memory_space<vmem>>, vector<16xf32>,
    }
    %scan3A_275 = arith.constant 64 : i32
    "tpu.region"() ({
      %run_scoped3A = tpu.sem_alloc : memref<!tpu.dma_semaphore, #tpu.memory_space<semaphore_mem>>
      %dma_start3A_276 = arith.constant 0 : i32
      %dma_start3A_277 = tpu.memref_slice %arg5[%select_n3A, %dma_start3A_276, %mul3A_32] : memref<4x64x2048xf32, #tpu.memory_space<hbm>> -> memref<1x64x256xf32, #tpu.memory_space<hbm>>
      %dma_start3A_278 = tpu.memref_squeeze %dma_start3A_277 : memref<1x64x256xf32, #tpu.memory_space<hbm>> -> memref<64x256xf32, #tpu.memory_space<hbm>>
      %dma_start3A_279 = arith.constant 0 : i32
      %dma_start3A_280 = tpu.memref_slice %arg5[%select_n3A, %dma_start3A_279, %mul3A_32] : memref<4x64x2048xf32, #tpu.memory_space<hbm>> -> memref<1x64x256xf32, #tpu.memory_space<hbm>>
      %dma_start3A_281 = tpu.memref_squeeze %dma_start3A_280 : memref<1x64x256xf32, #tpu.memory_space<hbm>> -> memref<64x256xf32, #tpu.memory_space<hbm>>
      tpu.enqueue_dma source(%arg8 : memref<64x256xf32, #tpu.memory_space<vmem>>) target(%dma_start3A_281 : memref<64x256xf32, #tpu.memory_space<hbm>>) target_semaphore(%run_scoped3A : memref<!tpu.dma_semaphore, #tpu.memory_space<semaphore_mem>>)
      %dma_wait3A_282 = arith.constant 0 : i32
      %dma_wait3A_283 = tpu.memref_slice %arg5[%select_n3A, %dma_wait3A_282, %mul3A_32] : memref<4x64x2048xf32, #tpu.memory_space<hbm>> -> memref<1x64x256xf32, #tpu.memory_space<hbm>>
      %dma_wait3A_284 = tpu.memref_squeeze %dma_wait3A_283 : memref<1x64x256xf32, #tpu.memory_space<hbm>> -> memref<64x256xf32, #tpu.memory_space<hbm>>
      %dma_wait3A_285 = arith.constant 0 : i32
      %dma_wait3A_286 = tpu.memref_slice %arg5[%select_n3A, %dma_wait3A_285, %mul3A_32] : memref<4x64x2048xf32, #tpu.memory_space<hbm>> -> memref<1x64x256xf32, #tpu.memory_space<hbm>>
      %dma_wait3A_287 = tpu.memref_squeeze %dma_wait3A_286 : memref<1x64x256xf32, #tpu.memory_space<hbm>> -> memref<64x256xf32, #tpu.memory_space<hbm>>
      tpu.wait_dma2 semaphore(%run_scoped3A : memref<!tpu.dma_semaphore, #tpu.memory_space<semaphore_mem>>) src(%arg8 : memref<64x256xf32, #tpu.memory_space<vmem>>) dst(%dma_wait3A_287 : memref<64x256xf32, #tpu.memory_space<hbm>>)
      tpu.yield
    }) : () -> ()
    return
  }
}

</mosaic_0001>

<sc_bundles>
// kernel: _emb.3.cloned.1.call-start
scs
__scs_entry_jumppad:
0x0: {  	(pc) =	sbr.rel $0x88, $3  }
0x1: {  	(tag) =	ssettag $0x0;
	lr =	simm.s32 $0x1  }
0x2: {  	[smem:$0x3F9E] =	sst lr;
	_ =	strace $0xD0000000  }
0x3: {  	_ = 	snop  }
0x4: {  	_ = 	snop  }
0x5: {  	_ = 	snop  }
0x6: {  	_ = 	snop  }
0x7: {  	_ = 	snop  }
__scs_overlays_trampoline_lowered:
0x8: {  	[smem:$0x3FAD] =	sst s0  }
0x9: {  	[smem:$0x3FAE] =	sst s1  }
0xa: {  	[smem:$0x3FAF] =	sst s2  }
0xb: {  	[smem:$0x3FB0] =	sst s3  }
0xc: {  	[smem:$0x3FB1] =	sst s4  }
0xd: {  	[smem:$0x3FB2] =	sst s5  }
0xe: {  	[smem:$0x3FB3] =	sst s6  }
0xf: {  	[smem:$0x3FB4] =	sst s7  }
0x10: {  	[smem:$0x3FB5] =	sst s8  }
0x11: {  	[smem:$0x3FB6] =	sst s9;
	s0 =	simm.s32 @!p0 $0x0  }
0x12: {  	s1 =	sld [smem:$0x3F9C];
	s0 =	simm.s32 @p0 $0x1  }
0x13: {  	[smem:$0x3FB7] =	sst s0;
	s0 =	simm.s32 @!p1 $0x0  }
0x14: {  	s2 =	sld [smem:$0x3F9B];
	s0 =	simm.s32 @p1 $0x1  }
0x15: {  	[smem:$0x3FB8] =	sst s0;
	s0 =	simm.s32 @!p2 $0x0  }
0x16: {  	s3 =	sld [smem:$0x3FDB];
	s0 =	simm.s32 @p2 $0x1  }
0x17: {  	s4 =	simm.s32 $0x1BF5;
	[smem:$0x3FBA] =	sst s0  }
0x18: {  	s0 =	sld [smem:$0x3F9D];
	_ =	swait.ge [sflag:s4], $0x0  }
0x19: {  	s7 =	sld [smem:$0x3F9E]  }
0x1a: {  	s8 =	sadd.s32 $0xFFFFE003, lr  }
0x1b: {  	s9 =	sadd.s32 $0xFFFFFEF7, lr;
	s5 =	simm.s32 $0xFFFFFFFF;
	p2 =	slt.u32 s8, $0xFFFFF086  }
0x1c: {  	p1 =	slt.u32 s9, $0xF7A;
	s5 =	simm.s32 @!p2 $0x0  }
0x1d: {  	s5 =	simm.s32 @p1 $0x1;
	p0 =	seq.s32 s7, s2  }
0x1e: {  	s7 =	smul.u32 @!p0 $0xF7A, s2;
	p2 =	seq.s32 @!p0 s5, $0x0  }
0x1f: {  	s9 =	smul.u32 $0xF7A, s1;
	s8 =	simm.s32 @!p0 $0x1BF5;
	p2 =	por !p2, p0  }
0x20: {  	[sflag:s8] =	ssyncset.s32 @!p0 $0xFFFFF086;
	s6 =	sadd.s32 @!p0 s3, s7;
	s7 =	simm.s32 @!p0 $0x108  }
0x21: {  	s3 =	sadd.s32 s3, s9;
	s6 =	sadd.s32 @!p0 $0x88, s6;
	s7 =	simm.s32 @p2 $0x1082  }
0x22: {  	[simem:s7], [sflag:s8] =	dma.local @!p0 [hbm:s6], $0xF7A  }
0x23: {  	s9 =	sor.u32 $0xD0000000, s2;
	s6 =	simm.s32 $0x108;
	_ =	swait.ge @!p0 [sflag:s8], $0x0  }
0x24: {  	s3 =	sadd.s32 $0x88, s3;
	s6 =	simm.s32 @!p1 $0x1082;
	[sflag:s4] =	ssyncset.s32 $0xFFFFF086  }
0x25: {  	[simem:s6], [sflag:s4] =	dma.local [hbm:s3], $0xF7A  }
0x26: {  	[smem:$0x3F9E] =	sst s1;
	(tag) =	ssettag s2;
	_ =	strace s9  }
0x27: {  	s1 =	sld [smem:$0x3FAE]  }
0x28: {  	s2 =	sld [smem:$0x3FAF]  }
0x29: {  	s4 =	sld [smem:$0x3FB1]  }
0x2a: {  	p0 =	seq.s32 s5, $0x0;
	s5 =	sld [smem:$0x3FB2]  }
0x2b: {  	s6 =	sld [smem:$0x3FB3]  }
0x2c: {  	s7 =	sld [smem:$0x3FB4]  }
0x2d: {  	s3 =	simm.s32 $0x108;
	s8 =	sld [smem:$0x3FB5]  }
0x2e: {  	s3 =	simm.s32 @!p0 $0x1082;
	s9 =	sld [smem:$0x3FB6]  }
0x2f: {  	lr =	sadd.s32 s0, s3;
	s0 =	sld [smem:$0x3FAD]  }
0x30: {  	s3 =	sld [smem:$0x3FB0]  }
0x31: {  	[smem:$0x3FB9] =	sst s10  }
0x32: {  	s10 =	sld [smem:$0x3FB7];
	_ =	sdelay $0x3  }
0x33: {  	p0 =	seq.s32 s10, $0x1;
	s10 =	sld [smem:$0x3FB9];
	_ =	sdelay $0x3  }
0x34: {  	[smem:$0x3FB9] =	sst s10  }
0x35: {  	s10 =	sld [smem:$0x3FB8];
	_ =	sdelay $0x3  }
0x36: {  	p1 =	seq.s32 s10, $0x1;
	s10 =	sld [smem:$0x3FB9];
	_ =	sdelay $0x3  }
0x37: {  	[smem:$0x3FB9] =	sst s10  }
0x38: {  	s10 =	sld [smem:$0x3FBA]  }
0x39: {  	_ = 	snop;
	(pc) =	sbr.ind lr, $3  }
0x3a: {  	_ = 	snop  }
0x3b: {  	_ = 	snop  }
0x3c: {  	p2 =	seq.s32 s10, $0x1;
	s10 =	sld [smem:$0x3FB9]  }
0x3d: {  	_ =	shalt  }
0x3e: {  	_ =	shalt  }
0x3f: {  	_ =	shalt  }
0x40: {  	_ =	shalt  }
0x41: {  	_ =	shalt  }
0x42: {  	_ =	shalt  }
0x43: {  	_ =	shalt  }
0x44: {  	_ =	shalt  }
0x45: {  	_ =	shalt  }
0x46: {  	_ =	shalt  }
0x47: {  	_ =	shalt  }
0x48: {  	_ =	shalt  }
0x49: {  	_ =	shalt  }
0x4a: {  	_ =	shalt  }
0x4b: {  	_ =	shalt  }
0x4c: {  	_ =	shalt  }
0x4d: {  	_ =	shalt  }
0x4e: {  	_ =	shalt  }
0x4f: {  	_ =	shalt  }
0x50: {  	_ =	shalt  }
0x51: {  	_ =	shalt  }
0x52: {  	_ =	shalt  }
0x53: {  	_ =	shalt  }
0x54: {  	_ =	shalt  }
0x55: {  	_ =	shalt  }
0x56: {  	_ =	shalt  }
0x57: {  	_ =	shalt  }
0x58: {  	_ =	shalt  }
0x59: {  	_ =	shalt  }
0x5a: {  	_ =	shalt  }
0x5b: {  	_ =	shalt  }
0x5c: {  	_ =	shalt  }
0x5d: {  	_ =	shalt  }
0x5e: {  	_ =	shalt  }
0x5f: {  	_ =	shalt  }
0x60: {  	_ =	shalt  }
0x61: {  	_ =	shalt  }
0x62: {  	_ =	shalt  }
0x63: {  	_ =	shalt  }
0x64: {  	_ =	shalt  }
0x65: {  	_ =	shalt  }
0x66: {  	_ =	shalt  }
0x67: {  	_ =	shalt  }
0x68: {  	_ =	shalt  }
0x69: {  	_ =	shalt  }
0x6a: {  	_ =	shalt  }
0x6b: {  	_ =	shalt  }
0x6c: {  	_ =	shalt  }
0x6d: {  	_ =	shalt  }
0x6e: {  	_ =	shalt  }
0x6f: {  	_ =	shalt  }
0x70: {  	_ =	shalt  }
0x71: {  	_ =	shalt  }
0x72: {  	_ =	shalt  }
0x73: {  	_ =	shalt  }
0x74: {  	_ =	shalt  }
0x75: {  	_ =	shalt  }
0x76: {  	_ =	shalt  }
0x77: {  	_ =	shalt  }
0x78: {  	_ =	shalt  }
0x79: {  	_ =	shalt  }
0x7a: {  	_ =	shalt  }
0x7b: {  	_ =	shalt  }
0x7c: {  	_ =	shalt  }
0x7d: {  	_ =	shalt  }
0x7e: {  	_ =	shalt  }
0x7f: {  	_ =	shalt  }
0x80: {  	_ =	shalt  }
0x81: {  	_ =	shalt  }
0x82: {  	_ =	shalt  }
0x83: {  	_ =	shalt  }
0x84: {  	_ =	shalt  }
0x85: {  	_ =	shalt  }
0x86: {  	_ =	shalt  }
0x87: {  	_ =	shalt  }
.Lfunc_end0:
.L_simem_size_0:
called_computation_lowered:
.L_overlay_start_0:
0x88: {  	s2 =	sld [smem:$0x3FD9]  }
0x89: {  	s3 =	sld [smem:$0x3FFE];
	_ =	sdelay $0x1  }
0x8a: {  	s1 =	srdreg.scid  }
0x8b: {  	s0 =	sand.u32 $0x1, s1  }
0x8c: {  	s18 =	sshll.u32 s0, $0xA;
	s2 =	sadd.s32 s3, s2  }
0x8d: {  	s2 =	sadd.s32 s2, s18  }
0x8e: {  	[smem:$0x3FC5] =	sst s2  }
0x8f: {  	_ = 	snop  }
0x90: {  	s2 =	sld [smem:$0x3FC9]  }
0x91: {  	s19 =	sld [smem:$0x3FC8]  }
0x92: {  	s4 =	sld [smem:$0x3FC7]  }
0x93: {  	s5 =	sld [smem:$0x3FD0];
	(tm) =	ssettm $0x1  }
0x94: {  	s6 =	sld [smem:$0x3FFB];
	_ =	sdelay $0x3  }
0x95: {  	_ =	strace s6  }
0x96: {  	s6 =	sld [smem:$0x3FFC];
	_ =	sdelay $0x3  }
0x97: {  	_ =	strace s6  }
0x98: {  	s6 =	sld [smem:$0x3FFD];
	_ =	sdelay $0x3  }
0x99: {  	_ =	strace s6  }
0x9a: {  	_ =	strace $0x8FFFFFFF  }
0x9b: {  	s20 =	sld [smem:$0x3FDB];
	_ =	sdelay $0x1  }
0x9c: {  	s7 =	simm.s32 $_scs_section_size  }
0x9d: {  	s8 =	simm.s32 $_size__tile_overlayer_lowered;
	s9 =	simm.s32 $_tile_overlayer_lowered  }
0x9e: {  	s23 =	simm.s32 $0x1BFF;
	s22 =	sshll.u32 s9, $0x1;
	s6 =	sadd.s32 s7, s20  }
0x9f: {  	s10 =	simm.s32 $0x0;
	s21 =	sshll.u32 s8, $0x1;
	s8 =	sadd.s32 s22, s6  }
0xa0: {  	[timem:s10], [sflag:s23] =	dma.local [hbm:s8], s21  }
0xa1: {  	_ =	swait.ge [sflag:s23], s21  }
0xa2: {  	s7 =	ssub.s32 $0x0, s21;
	[sflag:s23] =	ssyncset.done $0x0  }
0xa3: {  	[sflag:s23] =	ssyncadd.s32 s7;
	_ =	sdelay $0x1  }
0xa4: {  	s24 =	simm.s32 $0x1B8B  }
0xa5: {  	_ =	swait.ge [sflag:s24], $0x1  }
0xa6: {  	[sflag:s24] =	ssyncset.done $0x0  }
0xa7: {  	s25 =	simm.s32 $0x1B8E;
	[sflag:s24] =	ssyncadd.s32 $0xFFFFFFFF  }
0xa8: {  	s26 =	simm.s32 $execute0_lowered;
	[smem:$0x3FD2] =	sst s25  }
0xa9: {  	s7 =	sshll.u32 s26, $0x1;
	_ =	strace $0x80000046;
	[dreg:$0x1] =	wrdreg $0xFFFFFFFF  }
0xaa: {  	s28 =	simm.s32 $_size_execute0_lowered;
	s6 =	sadd.s32 s6, s7;
	[dreg:$0x0] =	wrdreg $0x0  }
0xab: {  	s7 =	sshll.u32 s28, $0x1;
	[dreg:$0x2] =	wrdreg s6  }
0xac: {  	[dreg:$0x3] =	wrdreg s7  }
0xad: {  	[dreg:$0x4] =	wrdreg $0xC0  }
0xae: {  	_ =	task [dreg:s10], $0x5FFFF  }
0xaf: {  	[dreg:$0x1] =	wrdreg $0xFFFFFFFF  }
0xb0: {  	[dreg:$0x0] =	wrdreg $0x60  }
0xb1: {  	[dreg:$0x2] =	wrdreg s2  }
0xb2: {  	[dreg:$0x3] =	wrdreg s19  }
0xb3: {  	[dreg:$0x4] =	wrdreg s4  }
0xb4: {  	[dreg:$0x5] =	wrdreg s5  }
0xb5: {  	[dreg:$0x6] =	wrdreg $0x9  }
0xb6: {  	_ =	task.clear_ibuf [dreg:s10], $0x7FFFF;
	_ =	strace $0x90000046  }
0xb7: {  	s29 =	simm.s32 $0x9;
	_ =	strace $0x80000048  }
0xb8: {  	_ =	swait.ge [sflag:s29], $0x1  }
0xb9: {  	[sflag:s29] =	ssyncadd.s32 $0xFFFFFFFF  }
0xba: {  	_ =	strace $0x90000048  }
0xbb: {  	_ =	sfence  }
0xbc: {  	s30 =	sld [smem:$0x0];
	_ =	sdelay $0x2  }
0xbd: {  	s31 =	sshll.u32 s1, $0xD;
	s1 =	sshrl.u32 s1, $0x2  }
0xbe: {  	s3 =	sand.u32 $0x4000, s31;
	s1 =	sadd.s32 s1, s30  }
0xbf: {  	s0 =	sor.u32 s3, s0;
	s1 =	sshll.u32 s1, $0x11  }
0xc0: {  	s0 =	sor.u32 s1, s0  }
0xc1: {  	s0 =	sadd.s32 $0x8F2B, s0  }
0xc2: {  	[sflag:s0] =	ssyncadd.remote.s32 $0x1  }
0xc3: {  	_ =	sfence.sel $0xFFFF  }
0xc4: {  	[dreg:$0x0] =	wrdreg $0xFFFFFFFF;
	(pc) =	sbr.abs _section_cstart, $3  }
0xc5: {  	[dreg:$0x1] =	wrdreg $0xFFFFFFFF  }
0xc6: {  	_ =	task.clear_ibuf [dreg:s10], $0x2FFFF;
	_ =	strace $0x9FFFFFFF  }
0xc7: {  	(tm) =	ssettm $0x7FFFFFFF  }
tec
execute0_lowered:
.L_overlay_start_1:
0x0: {  	(tag) =	ssettag $0x1  }
0x1: {  	v0 =	vimm.s32 $0xB80  }
0x2: {  	vm1 =	vcmask $0x300;
	vm2 =	vcmask $0x704;
	vm3 =	vcmask $0xB08  }
0x3: {  	vm5 =	vcmask $0xF0C;
	vm6 =	vcmask $0x1310;
	vm7 =	vcmask $0x1714  }
0x4: {  	vm0 =	vcmask $0x1B18;
	v1 =	vimm.s32 $0x1B80;
	v2 =	vimm.s32 $0x2B80  }
0x5: {  	v3 =	vimm.s32 $0x3B80;
	vm4 =	vcmask $0x1F1C;
	v0 =	vsel vm1, $0x0, v0  }
0x6: {  	v1 =	vsel vm1, $0x1000, v1;
	v2 =	vsel vm1, $0x2000, v2;
	v3 =	vsel vm1, $0x3000, v3  }
0x7: {  	vm1 =	vcmask $0x2320;
	v0 =	vsel vm2, $0x80, v0;
	v1 =	vsel vm2, $0x1080, v1  }
0x8: {  	v2 =	vsel vm2, $0x2080, v2;
	v3 =	vsel vm2, $0x3080, v3;
	vm2 =	vcmask $0x2724  }
0x9: {  	v0 =	vsel vm3, $0x100, v0;
	v1 =	vsel vm3, $0x1100, v1;
	v2 =	vsel vm3, $0x2100, v2  }
0xa: {  	v3 =	vsel vm3, $0x3100, v3;
	vm3 =	vcmask $0x2B28;
	v0 =	vsel vm5, $0x180, v0  }
0xb: {  	v1 =	vsel vm5, $0x1180, v1;
	v2 =	vsel vm5, $0x2180, v2;
	v3 =	vsel vm5, $0x3180, v3  }
0xc: {  	v0 =	vsel vm6, $0x200, v0;
	v1 =	vsel vm6, $0x1200, v1;
	v2 =	vsel vm6, $0x2200, v2  }
0xd: {  	s1 =	rddreg [dreg:$0x0];
	v3 =	vsel vm6, $0x3200, v3;
	v0 =	vsel vm7, $0x280, v0;
	v1 =	vsel vm7, $0x1280, v1  }
0xe: {  	s0 =	rddreg [dreg:$0x1];
	v2 =	vsel vm7, $0x2280, v2;
	v3 =	vsel vm7, $0x3280, v3;
	v0 =	vsel vm0, $0x300, v0  }
0xf: {  	s2 =	rddreg [dreg:$0x2];
	v1 =	vsel vm0, $0x1300, v1;
	v2 =	vsel vm0, $0x2300, v2;
	v3 =	vsel vm0, $0x3300, v3  }
0x10: {  	s3 =	rddreg [dreg:$0x3];
	vm0 =	vmmov $0x1;
	v0 =	vsel vm4, $0x380, v0;
	v1 =	vsel vm4, $0x1380, v1  }
0x11: {  	s5 =	simm.s32 $0x0;
	s4 =	srdreg.scid;
	s8 =	stileid.u32;
	v2 =	vsel vm4, $0x2380, v2;
	v3 =	vsel vm4, $0x3380, v3;
	vm4 =	vcmask $0x2F2C  }
0x12: {  	s10 =	simm.s32 $0x4;
	s12 =	simm.s32 $0x4000;
	s14 =	simm.s32 $0x1;
	v0 =	vsel vm1, $0x800, v0;
	v1 =	vsel vm1, $0x1800, v1;
	v2 =	vsel vm1, $0x2800, v2  }
0x13: {  	s15 =	simm.s32 $0x400;
	s16 =	simm.s32 $0x7A1400;
	s17 =	simm.s32 $0x100;
	v3 =	vsel vm1, $0x3800, v3;
	vm1 =	vcmask $0x308;
	v0 =	vsel vm2, $0x880, v0  }
0x14: {  	s18 =	simm.s32 $0x2100;
	s19 =	simm.s32 $0x4100;
	s20 =	simm.s32 $0x6100;
	v1 =	vsel vm2, $0x1880, v1;
	v2 =	vsel vm2, $0x2880, v2;
	v3 =	vsel vm2, $0x3880, v3  }
0x15: {  	s21 =	simm.s32 $0x8100;
	s22 =	simm.s32 $0xA100;
	s23 =	simm.s32 $0xC100;
	vm2 =	vcmask $0x70C;
	v0 =	vsel vm3, $0x900, v0;
	v1 =	vsel vm3, $0x1900, v1  }
0x16: {  	s28 =	simm.s32 $0x3;
	s29 =	simm.s32 $0x0;
	[smem:$0x7FF] =	sst s5;
	v2 =	vsel vm3, $0x2900, v2;
	v3 =	vsel vm3, $0x3900, v3;
	vm3 =	vcmask $0x3330  }
0x17: {  	s4 =	sand.u32 $0x1, s4;
	s6 =	sshll.u32 s8, $0x1;
	s8 =	sshrl.u32 s8, $0x2;
	v0 =	vsel vm4, $0x980, v0;
	v1 =	vsel vm4, $0x1980, v1;
	v2 =	vsel vm4, $0x2980, v2  }
0x18: {  	_ =	strace $0x80000047;
	s24 =	ssub.s32 $0x2, s4;
	s6 =	sand.u32 $0x6, s6;
	v3 =	vsel vm4, $0x3980, v3;
	v4 =	vsel vm3, $0xA00, v0;
	v1 =	vsel vm3, $0x1A00, v1  }
0x19: {  	s25 =	sshll.u32 s8, $0x4;
	s26 =	sshll.u32 s8, $0xE;
	s8 =	simm.s32 $0x800;
	v2 =	vsel vm3, $0x2A00, v2;
	v3 =	vsel vm3, $0x3A00, v3;
	vm3 =	vcmask $0x3734  }
0x1a: {  	s7 =	sshrl.u32 s24, $0x1;
	s4 =	sor.u32 s4, s6;
	s1 =	sadd.s32 s1, s25;
	v0 =	vlaneseq.u32;
	v4 =	vsel vm3, $0xA80, v4;
	v5 =	vsel vm3, $0x1A80, v1  }
0x1b: {  	s31 =	sadd.s32 s3, s26;
	s25 =	simm.s32 $0x10100;
	s26 =	simm.s32 $0x2;
	v6 =	vsel vm3, $0x2A80, v2;
	v7 =	vsel vm3, $0x3A80, v3;
	vm3 =	vcmask $0x3B38  }
0x1c: {  	s7 =	ssub.s32 s24, s7;
	s6 =	sshll.u32 s4, $0x7;
	s30 =	sshll.u32 s4, $0x8;
	v1 =	vmul.u32 $0x80, v0;
	v2 =	vsel vm3, $0xB00, v4;
	v3 =	vsel vm3, $0x1B00, v5  }
0x1d: {  	s24 =	simm.s32 $0xE100;
	s1 =	sadd.s32 s6, s1;
	s5 =	sadd.s32 s2, s30;
	v4 =	vsel vm3, $0x2B00, v6;
	v5 =	vsel vm3, $0x3B00, v7;
	vm3 =	vcmask $0xB10  }
0x1e: {  	s6 =	sadd.s32 s30, s31;
	s7 =	smax.u32 s7, $0x1;
	[dreg:$0x5] =	wrdreg s1;
	v6 =	vor.u32 $0x800, v1;
	v7 =	vor.u32 $0x1000, v1;
	v8 =	vor.u32 $0x1800, v1  }
.LBB2_1:
0x1f: {  	s1 =	simm.s32 $0x0  }
0x20: {  	s2 =	rddreg [dreg:$0x5];
	s3 =	simm.s32 $0x80;
	s4 =	simm.s32 $0x200  }
0x21: {  	[tilespmem:s1], [sflag:$0x4] =	stream.strided.gather [hbm4b:s2+s3], $0x100, s4, s3, $0x38;
	[tilespmem:$0x18100] =	vst v63  }
0x22: {  	_ =	swait.ge [sflag:s10], $0x100  }
0x23: {  	[sflag:s10] =	ssyncset.done $0x0  }
0x24: {  	s11 =	simm.s32 $0x14100;
	[sflag:s10] =	ssyncadd.s32 $0xFFFFFF00  }
0x25: {  	[tilespmem:s11], [sflag:$0x3] =	stream.strided.gather [hbm4b:s5+s8], $0x4000, s12, s8, $0x38;
	[tilespmem:$0x18100] =	vst v63  }
0x26: {  	v9 =	vld [tilespmem:$0x0];
	_ =	sdelay $0x4  }
0x27: {  	v9 =	vnsel vm0, $0x0, v9  }
0x28: {  	v9 =	vxor.u32 $0x80000000, v9  }
0x29: {  	(xrf0) =	vmax.scan.msk.u32 $0xffff, v9;
	_ =	sdelay $0x5  }
0x2a: {  	v9, _, _ =	vpop (xrf0)  }
0x2b: {  	(v2sf) =	vpush v9, $0xF;
	_ =	sdelay $0xe  }
0x2c: {  	s13 =	spop (v2sf)  }
0x2d: {  	s3 =	sxor.u32 $0x80000000, s13  }
0x2e: {  	p0 =	sgt.s32 s13, $0xFFFFFFFF;
	s4 =	sand.u32 $0x7F, s13;
	p1 =	slt.s32 s3, $0x1  }
0x2f: {  	s2 =	sshra.s32 s3, $0x1F;
	p3 =	sne.s32 s4, $0x0;
	p0 =	por p0, p1  }
0x30: {  	s2 =	sshrl.u32 s2, $0x19;
	p0 =	por !p3, !p0  }
0x31: {  	s1 =	sadd.s32 s2, s13;
	s2 =	simm.s32 $0x1;
	p0 =	por !p0, !p0  }
0x32: {  	s1 =	sshrl.u32 s1, $0x7;
	s2 =	simm.s32 @!p0 $0x0  }
0x33: {  	s1 =	ssub.s32 s1, s2  }
0x34: {  	s1 =	sshll.u32 s1, $0x7  }
0x35: {  	s1 =	sand.u32 $0x1FFFFF80, s1  }
0x36: {  	s1 =	sadd.s32 s0, s1  }
0x37: {  	[tilespmem:s17], [sflag:$0x1] =	stream.strided.gather [hbm4b:s1+s15], $0x2000, s16, s15, $0x38;
	[tilespmem:$0x18100] =	vst v63  }
0x38: {  	v9 =	vld [tilespmem:$0x0];
	_ =	sdelay $0x4  }
0x39: {  	v9 =	vsel vm1, $0x0, v9  }
0x3a: {  	v9 =	vxor.u32 $0x80000000, v9  }
0x3b: {  	(xrf0) =	vmax.scan.msk.u32 $0xffff, v9;
	_ =	sdelay $0x5  }
0x3c: {  	v9, _, _ =	vpop (xrf0)  }
0x3d: {  	(v2sf) =	vpush v9, $0xF;
	_ =	sdelay $0xe  }
0x3e: {  	s8 =	spop (v2sf)  }
0x3f: {  	s9 =	sxor.u32 $0x80000000, s8  }
0x40: {  	p4 =	sgt.s32 s8, $0xFFFFFFFF;
	s11 =	sand.u32 $0x7F, s8;
	p5 =	slt.s32 s9, $0x1  }
0x41: {  	s2 =	sshra.s32 s9, $0x1F;
	p6 =	sne.s32 s11, $0x0;
	p0 =	por p4, p5  }
0x42: {  	s2 =	sshrl.u32 s2, $0x19;
	p0 =	por !p6, !p0  }
0x43: {  	s1 =	sadd.s32 s2, s8;
	s2 =	simm.s32 $0x1;
	p0 =	por !p0, !p0  }
0x44: {  	s1 =	sshrl.u32 s1, $0x7;
	s2 =	simm.s32 @!p0 $0x0  }
0x45: {  	s1 =	ssub.s32 s1, s2  }
0x46: {  	s1 =	sshll.u32 s1, $0x7  }
0x47: {  	s1 =	sand.u32 $0x1FFFFF80, s1  }
0x48: {  	s1 =	sadd.s32 s0, s1  }
0x49: {  	[tilespmem:s18], [sflag:$0x1] =	stream.strided.gather [hbm4b:s1+s15], $0x2000, s16, s15, $0x38;
	[tilespmem:$0x18100] =	vst v63  }
0x4a: {  	v9 =	vld [tilespmem:$0x0];
	_ =	sdelay $0x4  }
0x4b: {  	v9 =	vsel vm2, $0x0, v9  }
0x4c: {  	v9 =	vxor.u32 $0x80000000, v9  }
0x4d: {  	(xrf0) =	vmax.scan.msk.u32 $0xffff, v9;
	_ =	sdelay $0x5  }
0x4e: {  	v9, _, _ =	vpop (xrf0)  }
0x4f: {  	(v2sf) =	vpush v9, $0xF;
	_ =	sdelay $0xe  }
0x50: {  	s13 =	spop (v2sf)  }
0x51: {  	s4 =	sxor.u32 $0x80000000, s13  }
0x52: {  	p1 =	sgt.s32 s13, $0xFFFFFFFF;
	s8 =	sand.u32 $0x7F, s13;
	p2 =	slt.s32 s4, $0x1  }
0x53: {  	s2 =	sshra.s32 s4, $0x1F;
	p3 =	sne.s32 s8, $0x0;
	p0 =	por p1, p2  }
0x54: {  	s2 =	sshrl.u32 s2, $0x19;
	p0 =	por !p3, !p0  }
0x55: {  	s1 =	sadd.s32 s2, s13;
	s2 =	simm.s32 $0x1;
	p0 =	por !p0, !p0  }
0x56: {  	s1 =	sshrl.u32 s1, $0x7;
	s2 =	simm.s32 @!p0 $0x0  }
0x57: {  	s1 =	ssub.s32 s1, s2  }
0x58: {  	s1 =	sshll.u32 s1, $0x7  }
0x59: {  	s1 =	sand.u32 $0x1FFFFF80, s1  }
0x5a: {  	s1 =	sadd.s32 s0, s1  }
0x5b: {  	[tilespmem:s19], [sflag:$0x1] =	stream.strided.gather [hbm4b:s1+s15], $0x2000, s16, s15, $0x38;
	[tilespmem:$0x18100] =	vst v63  }
0x5c: {  	v9 =	vld [tilespmem:$0x0];
	_ =	sdelay $0x4  }
0x5d: {  	v9 =	vsel vm3, $0x0, v9  }
0x5e: {  	v9 =	vxor.u32 $0x80000000, v9  }
0x5f: {  	(xrf0) =	vmax.scan.msk.u32 $0xffff, v9;
	_ =	sdelay $0x5  }
0x60: {  	v9, _, _ =	vpop (xrf0)  }
0x61: {  	(v2sf) =	vpush v9, $0xF;
	_ =	sdelay $0xe  }
0x62: {  	s9 =	spop (v2sf)  }
0x63: {  	s11 =	sxor.u32 $0x80000000, s9  }
0x64: {  	p4 =	sgt.s32 s9, $0xFFFFFFFF;
	s13 =	sand.u32 $0x7F, s9;
	p5 =	slt.s32 s11, $0x1  }
0x65: {  	s2 =	sshra.s32 s11, $0x1F;
	p6 =	sne.s32 s13, $0x0;
	p0 =	por p4, p5  }
0x66: {  	s2 =	sshrl.u32 s2, $0x19;
	p0 =	por !p6, !p0  }
0x67: {  	s1 =	sadd.s32 s2, s9;
	s2 =	simm.s32 $0x1;
	p0 =	por !p0, !p0  }
0x68: {  	s1 =	sshrl.u32 s1, $0x7;
	s2 =	simm.s32 @!p0 $0x0  }
.Ltmp0:
0x69: {  	s1 =	ssub.s32 s1, s2;
	(pc) =	sbr.rel .LBB2_2-.Ltmp0, $4  }
0x6a: {  	s1 =	sshll.u32 s1, $0x7  }
0x6b: {  	s1 =	sand.u32 $0x1FFFFF80, s1  }
0x6c: {  	s30 =	simm.s32 $0x2C;
	s31 =	simm.s32 $0x0;
	s1 =	sadd.s32 s0, s1  }
0x6d: {  	[tilespmem:s20], [sflag:$0x1] =	stream.strided.gather [hbm4b:s1+s15], $0x2000, s16, s15, $0x38;
	[tilespmem:$0x18100] =	vst v63  }
.LBB2_4:
0x6e: {  	_ =	swait.ge [sflag:s26], $0x8000  }
0x6f: {  	[sflag:s26] =	ssyncset.done $0x0  }
0x70: {  	[sflag:s26] =	ssyncadd.s32 $0xFFFF8000  }
0x71: {  	v9 =	vld [tilespmem:s1+$0x0];
	_ =	sdelay $0x4  }
0x72: {  	v9 =	vxor.u32 $0x80000000, v9  }
0x73: {  	v9 =	vnsel vm4, $0x80000000, v9  }
0x74: {  	(xrf0) =	vmax.scan.msk.u32 $0xffff, v9;
	_ =	sdelay $0x5  }
0x75: {  	v9, _, _ =	vpop (xrf0)  }
0x76: {  	(v2sf) =	vpush v9, $0xF;
	_ =	sdelay $0xe  }
0x77: {  	s4 =	spop (v2sf)  }
0x78: {  	s4 =	sand.u32 $0x7F, s4  }
0x79: {  	v9 =	vor.u32 s4, v1  }
0x7a: {  	v10 =	vmov s3  }
0x7b: {  	v11 =	vshll.u32 v10, $0x3  }
0x7c: {  	v10 =	vand.u32 $0x7C, v10;
	v11 =	vand.u32 $0x400, v11  }
0x7d: {  	v10 =	vor.u32 v10, v11  }
0x7e: {  	v11 =	vor.u32 v2, v10;
	v9 =	vld.idx.msk [tilespmem:v9+s21+$0x0], $0xffff  }
0x7f: {  	v12 =	vor.u32 s4, v6;
	_ =	sdelay $0x3  }
0x80: {  	[tilespmem:v11+s25+$0x0] =	vst.idx.msk $0xffff, v9  }
0x81: {  	v11 =	vor.u32 v3, v10;
	v9 =	vld.idx.msk [tilespmem:v12+s21+$0x0], $0xffff  }
0x82: {  	v53 =	vor.u32 s4, v7;
	_ =	sdelay $0x3  }
0x83: {  	[tilespmem:v11+s25+$0x0] =	vst.idx.msk $0xffff, v9  }
0x84: {  	v11 =	vor.u32 v4, v10;
	v9 =	vld.idx.msk [tilespmem:v53+s21+$0x0], $0xffff  }
0x85: {  	v54 =	vor.u32 s4, v8;
	_ =	sdelay $0x3  }
0x86: {  	[tilespmem:v11+s25+$0x0] =	vst.idx.msk $0xffff, v9  }
0x87: {  	v10 =	vor.u32 v5, v10;
	v9 =	vld.idx.msk [tilespmem:v54+s21+$0x0], $0xffff;
	_ =	sdelay $0x4  }
0x88: {  	[tilespmem:v10+s25+$0x0] =	vst.idx.msk $0xffff, v9  }
0x89: {  	v9 =	vld [tilespmem:s1+$0x0];
	_ =	sdelay $0x4  }
0x8a: {  	v9 =	vxor.u32 $0x80000000, v9  }
0x8b: {  	v9 =	vnsel vm5, $0x80000000, v9  }
0x8c: {  	(xrf0) =	vmax.scan.msk.u32 $0xffff, v9;
	_ =	sdelay $0x5  }
0x8d: {  	v9, _, _ =	vpop (xrf0)  }
0x8e: {  	(v2sf) =	vpush v9, $0xF;
	_ =	sdelay $0xe  }
0x8f: {  	s4 =	spop (v2sf)  }
0x90: {  	s3 =	sand.u32 $0x7F, s4  }
0x91: {  	v9 =	vor.u32 s3, v1  }
0x92: {  	v10 =	vmov s2  }
0x93: {  	v11 =	vshll.u32 v10, $0x3  }
0x94: {  	v10 =	vand.u32 $0x7D, v10;
	v11 =	vand.u32 $0x400, v11  }
0x95: {  	v10 =	vor.u32 v10, v11  }
0x96: {  	v11 =	vor.u32 v2, v10;
	v9 =	vld.idx.msk [tilespmem:v9+s22+$0x0], $0xffff  }
0x97: {  	v55 =	vor.u32 s3, v6;
	_ =	sdelay $0x3  }
0x98: {  	[tilespmem:v11+s25+$0x0] =	vst.idx.msk $0xffff, v9  }
0x99: {  	v11 =	vor.u32 v3, v10;
	v9 =	vld.idx.msk [tilespmem:v55+s22+$0x0], $0xffff  }
0x9a: {  	v56 =	vor.u32 s3, v7;
	_ =	sdelay $0x3  }
0x9b: {  	[tilespmem:v11+s25+$0x0] =	vst.idx.msk $0xffff, v9  }
0x9c: {  	v11 =	vor.u32 v4, v10;
	v9 =	vld.idx.msk [tilespmem:v56+s22+$0x0], $0xffff  }
0x9d: {  	v57 =	vor.u32 s3, v8;
	_ =	sdelay $0x3  }
0x9e: {  	[tilespmem:v11+s25+$0x0] =	vst.idx.msk $0xffff, v9  }
0x9f: {  	v10 =	vor.u32 v5, v10;
	v9 =	vld.idx.msk [tilespmem:v57+s22+$0x0], $0xffff;
	_ =	sdelay $0x4  }
0xa0: {  	[tilespmem:v10+s25+$0x0] =	vst.idx.msk $0xffff, v9  }
0xa1: {  	v9 =	vld [tilespmem:s1+$0x0];
	_ =	sdelay $0x4  }
0xa2: {  	v9 =	vxor.u32 $0x80000000, v9  }
0xa3: {  	v9 =	vnsel vm6, $0x80000000, v9  }
0xa4: {  	(xrf0) =	vmax.scan.msk.u32 $0xffff, v9;
	_ =	sdelay $0x5  }
0xa5: {  	v9, _, _ =	vpop (xrf0)  }
0xa6: {  	(v2sf) =	vpush v9, $0xF;
	_ =	sdelay $0xe  }
0xa7: {  	s11 =	spop (v2sf)  }
0xa8: {  	s2 =	sand.u32 $0x7F, s11  }
0xa9: {  	v9 =	vor.u32 s2, v1  }
0xaa: {  	v10 =	vmov s8  }
0xab: {  	v11 =	vshll.u32 v10, $0x3  }
0xac: {  	v10 =	vand.u32 $0x7E, v10;
	v11 =	vand.u32 $0x400, v11  }
0xad: {  	v10 =	vor.u32 v10, v11  }
0xae: {  	v11 =	vor.u32 v2, v10;
	v9 =	vld.idx.msk [tilespmem:v9+s23+$0x0], $0xffff  }
0xaf: {  	v58 =	vor.u32 s2, v6;
	_ =	sdelay $0x3  }
0xb0: {  	[tilespmem:v11+s25+$0x0] =	vst.idx.msk $0xffff, v9  }
0xb1: {  	v11 =	vor.u32 v3, v10;
	v9 =	vld.idx.msk [tilespmem:v58+s23+$0x0], $0xffff  }
0xb2: {  	v59 =	vor.u32 s2, v7;
	_ =	sdelay $0x3  }
0xb3: {  	[tilespmem:v11+s25+$0x0] =	vst.idx.msk $0xffff, v9  }
0xb4: {  	v11 =	vor.u32 v4, v10;
	v9 =	vld.idx.msk [tilespmem:v59+s23+$0x0], $0xffff  }
0xb5: {  	v60 =	vor.u32 s2, v8;
	_ =	sdelay $0x3  }
0xb6: {  	[tilespmem:v11+s25+$0x0] =	vst.idx.msk $0xffff, v9  }
0xb7: {  	v10 =	vor.u32 v5, v10;
	v9 =	vld.idx.msk [tilespmem:v60+s23+$0x0], $0xffff;
	_ =	sdelay $0x4  }
0xb8: {  	[tilespmem:v10+s25+$0x0] =	vst.idx.msk $0xffff, v9  }
0xb9: {  	v9 =	vld [tilespmem:s1+$0x0];
	_ =	sdelay $0x4  }
0xba: {  	v9 =	vxor.u32 $0x80000000, v9  }
0xbb: {  	v9 =	vnsel vm7, $0x80000000, v9  }
0xbc: {  	(xrf0) =	vmax.scan.msk.u32 $0xffff, v9;
	_ =	sdelay $0x5  }
0xbd: {  	v9, _, _ =	vpop (xrf0)  }
0xbe: {  	(v2sf) =	vpush v9, $0xF;
	_ =	sdelay $0xe  }
0xbf: {  	s13 =	spop (v2sf)  }
0xc0: {  	s1 =	sand.u32 $0x7F, s13  }
0xc1: {  	v9 =	vor.u32 s1, v1  }
0xc2: {  	v10 =	vmov s9  }
0xc3: {  	v11 =	vshll.u32 v10, $0x3  }
0xc4: {  	v10 =	vand.u32 $0x7F, v10;
	v11 =	vand.u32 $0x400, v11  }
0xc5: {  	v10 =	vor.u32 v10, v11  }
0xc6: {  	v11 =	vor.u32 v2, v10;
	v9 =	vld.idx.msk [tilespmem:v9+s24+$0x0], $0xffff  }
0xc7: {  	v61 =	vor.u32 s1, v6;
	_ =	sdelay $0x3  }
0xc8: {  	[tilespmem:v11+s25+$0x0] =	vst.idx.msk $0xffff, v9  }
0xc9: {  	v11 =	vor.u32 v3, v10;
	v9 =	vld.idx.msk [tilespmem:v61+s24+$0x0], $0xffff  }
0xca: {  	v62 =	vor.u32 s1, v7;
	_ =	sdelay $0x3  }
0xcb: {  	[tilespmem:v11+s25+$0x0] =	vst.idx.msk $0xffff, v9  }
0xcc: {  	v11 =	vor.u32 v4, v10;
	v9 =	vld.idx.msk [tilespmem:v62+s24+$0x0], $0xffff  }
0xcd: {  	v63 =	vor.u32 s1, v8;
	_ =	sdelay $0x3  }
0xce: {  	s31 =	sadd.s32 $0x8, s31;
	[tilespmem:v11+s25+$0x0] =	vst.idx.msk $0xffff, v9  }
0xcf: {  	p0 =	sne.s32 s31, $0x100;
	v10 =	vor.u32 v5, v10;
	v9 =	vld.idx.msk [tilespmem:v63+s24+$0x0], $0xffff  }
.Ltmp1:
0xd0: {  	_ = 	snop;
	(pc) =	sbr.rel @!p0 .LBB2_5-.Ltmp1, $2  }
0xd1: {  	_ =	sdelay $0x2  }
0xd2: {  	s30 =	sadd.s32 $0x20, s30;
	[tilespmem:v10+s25+$0x0] =	vst.idx.msk $0xffff, v9  }
.LBB2_2:
0xd3: {  	s1 =	sadd.s32 $0xFFFFFFD4, s30  }
0xd4: {  	s1 =	sand.u32 $0x3C0, s1  }
0xd5: {  	s1 =	sshrl.u32 s1, $0x2  }
0xd6: {  	v9 =	vld [tilespmem:s1+$0x0];
	_ =	sdelay $0x1  }
0xd7: {  	s3 =	sadd.s32 $0x4, s31  }
0xd8: {  	s2 =	sand.u32 $0xC, s3  }
0xd9: {  	v10 =	vmov s2  }
0xda: {  	vm4 =	veq.s32 v10, v0;
	v9 =	vxor.u32 $0x80000000, v9  }
0xdb: {  	v9 =	vnsel vm4, $0x80000000, v9  }
0xdc: {  	(xrf0) =	vmax.scan.msk.u32 $0xffff, v9;
	_ =	sdelay $0x5  }
0xdd: {  	v9, _, _ =	vpop (xrf0)  }
0xde: {  	(v2sf) =	vpush v9, $0xF;
	_ =	sdelay $0xe  }
0xdf: {  	s11 =	spop (v2sf)  }
0xe0: {  	s8 =	sxor.u32 $0x80000000, s11  }
0xe1: {  	p0 =	sgt.s32 s11, $0xFFFFFFFF;
	s9 =	sand.u32 $0x7F, s11;
	p1 =	slt.s32 s8, $0x1  }
0xe2: {  	s8 =	sshra.s32 s8, $0x1F;
	p3 =	sne.s32 s9, $0x0;
	p0 =	por p0, p1  }
0xe3: {  	s8 =	sshrl.u32 s8, $0x19;
	p0 =	por !p3, !p0  }
0xe4: {  	s2 =	sadd.s32 s8, s11;
	s8 =	simm.s32 $0x1;
	p0 =	por !p0, !p0  }
0xe5: {  	s2 =	sshrl.u32 s2, $0x7;
	s8 =	simm.s32 @!p0 $0x0  }
0xe6: {  	s2 =	ssub.s32 s2, s8  }
0xe7: {  	s2 =	sshll.u32 s2, $0x7  }
0xe8: {  	s2 =	sand.u32 $0x1FFFFF80, s2  }
0xe9: {  	s2 =	sadd.s32 s0, s2  }
0xea: {  	[tilespmem:s21], [sflag:$0x2] =	stream.strided.gather [hbm4b:s2+s15], $0x2000, s16, s15, $0x38;
	[tilespmem:$0x18100] =	vst v63  }
0xeb: {  	v9 =	vld [tilespmem:s1+$0x0];
	_ =	sdelay $0x1  }
0xec: {  	s2 =	sadd.s32 $0x5, s31  }
0xed: {  	s13 =	sand.u32 $0xD, s2  }
0xee: {  	v10 =	vmov s13  }
0xef: {  	vm5 =	veq.s32 v10, v0;
	v9 =	vxor.u32 $0x80000000, v9  }
0xf0: {  	v9 =	vnsel vm5, $0x80000000, v9  }
0xf1: {  	(xrf0) =	vmax.scan.msk.u32 $0xffff, v9;
	_ =	sdelay $0x5  }
0xf2: {  	v9, _, _ =	vpop (xrf0)  }
0xf3: {  	(v2sf) =	vpush v9, $0xF;
	_ =	sdelay $0xe  }
0xf4: {  	s4 =	spop (v2sf)  }
0xf5: {  	s11 =	sxor.u32 $0x80000000, s4  }
0xf6: {  	p4 =	sgt.s32 s4, $0xFFFFFFFF;
	s13 =	sand.u32 $0x7F, s4;
	p5 =	slt.s32 s11, $0x1  }
0xf7: {  	s9 =	sshra.s32 s11, $0x1F;
	p6 =	sne.s32 s13, $0x0;
	p0 =	por p4, p5  }
0xf8: {  	s9 =	sshrl.u32 s9, $0x19;
	p0 =	por !p6, !p0  }
0xf9: {  	s8 =	sadd.s32 s9, s4;
	s9 =	simm.s32 $0x1;
	p0 =	por !p0, !p0  }
0xfa: {  	s8 =	sshrl.u32 s8, $0x7;
	s9 =	simm.s32 @!p0 $0x0  }
0xfb: {  	s8 =	ssub.s32 s8, s9  }
0xfc: {  	s8 =	sshll.u32 s8, $0x7  }
0xfd: {  	s8 =	sand.u32 $0x1FFFFF80, s8  }
0xfe: {  	s8 =	sadd.s32 s0, s8  }
0xff: {  	[tilespmem:s22], [sflag:$0x2] =	stream.strided.gather [hbm4b:s8+s15], $0x2000, s16, s15, $0x38;
	[tilespmem:$0x18100] =	vst v63  }
0x100: {  	v9 =	vld [tilespmem:s1+$0x0];
	_ =	sdelay $0x1  }
0x101: {  	s8 =	sadd.s32 $0x6, s31  }
0x102: {  	s4 =	sand.u32 $0xE, s8  }
0x103: {  	v10 =	vmov s4  }
0x104: {  	vm6 =	veq.s32 v10, v0;
	v9 =	vxor.u32 $0x80000000, v9  }
0x105: {  	v9 =	vnsel vm6, $0x80000000, v9  }
0x106: {  	(xrf0) =	vmax.scan.msk.u32 $0xffff, v9;
	_ =	sdelay $0x5  }
0x107: {  	v9, _, _ =	vpop (xrf0)  }
0x108: {  	(v2sf) =	vpush v9, $0xF;
	_ =	sdelay $0xe  }
0x109: {  	s9 =	spop (v2sf)  }
0x10a: {  	s11 =	sxor.u32 $0x80000000, s9  }
0x10b: {  	p1 =	sgt.s32 s9, $0xFFFFFFFF;
	s4 =	sand.u32 $0x7F, s9;
	p2 =	slt.s32 s11, $0x1  }
0x10c: {  	s13 =	sshra.s32 s11, $0x1F;
	p3 =	sne.s32 s4, $0x0;
	p0 =	por p1, p2  }
0x10d: {  	s13 =	sshrl.u32 s13, $0x19;
	p0 =	por !p3, !p0  }
0x10e: {  	s4 =	sadd.s32 s13, s9;
	s9 =	simm.s32 $0x1;
	p0 =	por !p0, !p0  }
0x10f: {  	s4 =	sshrl.u32 s4, $0x7;
	s9 =	simm.s32 @!p0 $0x0  }
0x110: {  	s4 =	ssub.s32 s4, s9  }
0x111: {  	s4 =	sshll.u32 s4, $0x7  }
0x112: {  	s4 =	sand.u32 $0x1FFFFF80, s4  }
0x113: {  	s4 =	sadd.s32 s0, s4  }
0x114: {  	[tilespmem:s23], [sflag:$0x2] =	stream.strided.gather [hbm4b:s4+s15], $0x2000, s16, s15, $0x38;
	[tilespmem:$0x18100] =	vst v63  }
0x115: {  	v9 =	vld [tilespmem:s1+$0x0];
	_ =	sdelay $0x1  }
0x116: {  	s9 =	sadd.s32 $0x7, s31  }
0x117: {  	s11 =	sand.u32 $0xF, s9  }
0x118: {  	v10 =	vmov s11  }
0x119: {  	vm7 =	veq.s32 v10, v0;
	v9 =	vxor.u32 $0x80000000, v9  }
0x11a: {  	v9 =	vnsel vm7, $0x80000000, v9  }
0x11b: {  	(xrf0) =	vmax.scan.msk.u32 $0xffff, v9;
	_ =	sdelay $0x5  }
0x11c: {  	v9, _, _ =	vpop (xrf0)  }
0x11d: {  	(v2sf) =	vpush v9, $0xF;
	_ =	sdelay $0xe  }
0x11e: {  	s4 =	spop (v2sf)  }
0x11f: {  	s13 =	sxor.u32 $0x80000000, s4  }
0x120: {  	p4 =	sgt.s32 s4, $0xFFFFFFFF;
	s11 =	sand.u32 $0x7F, s4;
	p5 =	slt.s32 s13, $0x1  }
0x121: {  	s13 =	sshra.s32 s13, $0x1F;
	p6 =	sne.s32 s11, $0x0;
	p0 =	por p4, p5  }
0x122: {  	s13 =	sshrl.u32 s13, $0x19;
	p0 =	por !p6, !p0  }
0x123: {  	s11 =	simm.s32 $0x1;
	s4 =	sadd.s32 s13, s4;
	p0 =	por !p0, !p0  }
0x124: {  	s4 =	sshrl.u32 s4, $0x7;
	s11 =	simm.s32 @!p0 $0x0  }
0x125: {  	s4 =	ssub.s32 s4, s11  }
0x126: {  	s4 =	sshll.u32 s4, $0x7  }
0x127: {  	s4 =	sand.u32 $0x1FFFFF80, s4  }
0x128: {  	s4 =	sadd.s32 s0, s4  }
0x129: {  	[tilespmem:s24], [sflag:$0x2] =	stream.strided.gather [hbm4b:s4+s15], $0x2000, s16, s15, $0x38;
	[tilespmem:$0x18100] =	vst v63  }
0x12a: {  	_ =	swait.ge [sflag:s14], $0x8000  }
0x12b: {  	[sflag:s14] =	ssyncset.done $0x0  }
0x12c: {  	[sflag:s14] =	ssyncadd.s32 $0xFFFF8000  }
0x12d: {  	v9 =	vld [tilespmem:s1+$0x0];
	_ =	sdelay $0x2  }
0x12e: {  	s13 =	sand.u32 $0x8, s31  }
0x12f: {  	v10 =	vmov s13  }
0x130: {  	vm8 =	veq.s32 v10, v0;
	v9 =	vxor.u32 $0x80000000, v9  }
0x131: {  	v9 =	vnsel vm8, $0x80000000, v9  }
0x132: {  	(xrf0) =	vmax.scan.msk.u32 $0xffff, v9;
	_ =	sdelay $0x5  }
0x133: {  	v9, _, _ =	vpop (xrf0)  }
0x134: {  	(v2sf) =	vpush v9, $0xF;
	_ =	sdelay $0xe  }
0x135: {  	s11 =	spop (v2sf)  }
0x136: {  	s4 =	sand.u32 $0x7F, s11  }
0x137: {  	v9 =	vor.u32 s4, v1  }
0x138: {  	v10 =	vmov s31  }
0x139: {  	v11 =	vshll.u32 v10, $0x3  }
0x13a: {  	v10 =	vand.u32 $0x78, v10;
	v11 =	vand.u32 $0x400, v11  }
0x13b: {  	v10 =	vor.u32 v10, v11  }
0x13c: {  	v11 =	vor.u32 v2, v10;
	v9 =	vld.idx.msk [tilespmem:v9+s17+$0x0], $0xffff  }
0x13d: {  	v12 =	vor.u32 s4, v6;
	_ =	sdelay $0x3  }
0x13e: {  	[tilespmem:v11+s25+$0x0] =	vst.idx.msk $0xffff, v9  }
0x13f: {  	v11 =	vor.u32 v3, v10;
	v9 =	vld.idx.msk [tilespmem:v12+s17+$0x0], $0xffff  }
0x140: {  	v53 =	vor.u32 s4, v7;
	_ =	sdelay $0x3  }
0x141: {  	[tilespmem:v11+s25+$0x0] =	vst.idx.msk $0xffff, v9  }
0x142: {  	v11 =	vor.u32 v4, v10;
	v9 =	vld.idx.msk [tilespmem:v53+s17+$0x0], $0xffff  }
0x143: {  	v54 =	vor.u32 s4, v8;
	_ =	sdelay $0x3  }
0x144: {  	[tilespmem:v11+s25+$0x0] =	vst.idx.msk $0xffff, v9  }
0x145: {  	v10 =	vor.u32 v5, v10;
	v9 =	vld.idx.msk [tilespmem:v54+s17+$0x0], $0xffff;
	_ =	sdelay $0x4  }
0x146: {  	[tilespmem:v10+s25+$0x0] =	vst.idx.msk $0xffff, v9  }
0x147: {  	v9 =	vld [tilespmem:s1+$0x0];
	_ =	sdelay $0x1  }
0x148: {  	s4 =	sadd.s32 $0x1, s31  }
0x149: {  	s13 =	sand.u32 $0x9, s4  }
0x14a: {  	v10 =	vmov s13  }
0x14b: {  	vm8 =	veq.s32 v10, v0;
	v9 =	vxor.u32 $0x80000000, v9  }
0x14c: {  	v9 =	vnsel vm8, $0x80000000, v9  }
0x14d: {  	(xrf0) =	vmax.scan.msk.u32 $0xffff, v9;
	_ =	sdelay $0x5  }
0x14e: {  	v9, _, _ =	vpop (xrf0)  }
0x14f: {  	(v2sf) =	vpush v9, $0xF;
	_ =	sdelay $0xe  }
0x150: {  	s13 =	spop (v2sf)  }
0x151: {  	s11 =	sand.u32 $0x7F, s13  }
0x152: {  	v9 =	vor.u32 s11, v1  }
0x153: {  	v10 =	vmov s4  }
0x154: {  	v11 =	vshll.u32 v10, $0x3  }
0x155: {  	v10 =	vand.u32 $0x79, v10;
	v11 =	vand.u32 $0x400, v11  }
0x156: {  	v10 =	vor.u32 v10, v11  }
0x157: {  	v11 =	vor.u32 v2, v10;
	v9 =	vld.idx.msk [tilespmem:v9+s18+$0x0], $0xffff  }
0x158: {  	v55 =	vor.u32 s11, v6;
	_ =	sdelay $0x3  }
0x159: {  	[tilespmem:v11+s25+$0x0] =	vst.idx.msk $0xffff, v9  }
0x15a: {  	v11 =	vor.u32 v3, v10;
	v9 =	vld.idx.msk [tilespmem:v55+s18+$0x0], $0xffff  }
0x15b: {  	v56 =	vor.u32 s11, v7;
	_ =	sdelay $0x3  }
0x15c: {  	[tilespmem:v11+s25+$0x0] =	vst.idx.msk $0xffff, v9  }
0x15d: {  	v11 =	vor.u32 v4, v10;
	v9 =	vld.idx.msk [tilespmem:v56+s18+$0x0], $0xffff  }
0x15e: {  	v57 =	vor.u32 s11, v8;
	_ =	sdelay $0x3  }
0x15f: {  	[tilespmem:v11+s25+$0x0] =	vst.idx.msk $0xffff, v9  }
0x160: {  	v10 =	vor.u32 v5, v10;
	v9 =	vld.idx.msk [tilespmem:v57+s18+$0x0], $0xffff;
	_ =	sdelay $0x4  }
0x161: {  	[tilespmem:v10+s25+$0x0] =	vst.idx.msk $0xffff, v9  }
0x162: {  	v9 =	vld [tilespmem:s1+$0x0];
	_ =	sdelay $0x1  }
0x163: {  	s4 =	sadd.s32 $0x2, s31  }
0x164: {  	s13 =	sand.u32 $0xA, s4  }
0x165: {  	v10 =	vmov s13  }
0x166: {  	vm8 =	veq.s32 v10, v0;
	v9 =	vxor.u32 $0x80000000, v9  }
0x167: {  	v9 =	vnsel vm8, $0x80000000, v9  }
0x168: {  	(xrf0) =	vmax.scan.msk.u32 $0xffff, v9;
	_ =	sdelay $0x5  }
0x169: {  	v9, _, _ =	vpop (xrf0)  }
0x16a: {  	(v2sf) =	vpush v9, $0xF;
	_ =	sdelay $0xe  }
0x16b: {  	s13 =	spop (v2sf)  }
0x16c: {  	s11 =	sand.u32 $0x7F, s13  }
0x16d: {  	v9 =	vor.u32 s11, v1  }
0x16e: {  	v10 =	vmov s4  }
0x16f: {  	v11 =	vshll.u32 v10, $0x3  }
0x170: {  	v10 =	vand.u32 $0x7A, v10;
	v11 =	vand.u32 $0x400, v11  }
0x171: {  	v10 =	vor.u32 v10, v11  }
0x172: {  	v11 =	vor.u32 v2, v10;
	v9 =	vld.idx.msk [tilespmem:v9+s19+$0x0], $0xffff  }
0x173: {  	v58 =	vor.u32 s11, v6;
	_ =	sdelay $0x3  }
0x174: {  	[tilespmem:v11+s25+$0x0] =	vst.idx.msk $0xffff, v9  }
0x175: {  	v11 =	vor.u32 v3, v10;
	v9 =	vld.idx.msk [tilespmem:v58+s19+$0x0], $0xffff  }
0x176: {  	v59 =	vor.u32 s11, v7;
	_ =	sdelay $0x3  }
0x177: {  	[tilespmem:v11+s25+$0x0] =	vst.idx.msk $0xffff, v9  }
0x178: {  	v11 =	vor.u32 v4, v10;
	v9 =	vld.idx.msk [tilespmem:v59+s19+$0x0], $0xffff  }
0x179: {  	v60 =	vor.u32 s11, v8;
	_ =	sdelay $0x3  }
0x17a: {  	[tilespmem:v11+s25+$0x0] =	vst.idx.msk $0xffff, v9  }
0x17b: {  	v10 =	vor.u32 v5, v10;
	v9 =	vld.idx.msk [tilespmem:v60+s19+$0x0], $0xffff;
	_ =	sdelay $0x4  }
0x17c: {  	[tilespmem:v10+s25+$0x0] =	vst.idx.msk $0xffff, v9  }
0x17d: {  	v9 =	vld [tilespmem:s1+$0x0];
	_ =	sdelay $0x1  }
0x17e: {  	s4 =	sadd.s32 $0x3, s31  }
0x17f: {  	s13 =	sand.u32 $0xB, s4  }
0x180: {  	v10 =	vmov s13  }
0x181: {  	vm8 =	veq.s32 v10, v0;
	v9 =	vxor.u32 $0x80000000, v9  }
0x182: {  	v9 =	vnsel vm8, $0x80000000, v9  }
0x183: {  	(xrf0) =	vmax.scan.msk.u32 $0xffff, v9;
	_ =	sdelay $0x5  }
0x184: {  	v9, _, _ =	vpop (xrf0)  }
0x185: {  	(v2sf) =	vpush v9, $0xF;
	_ =	sdelay $0xe  }
0x186: {  	s13 =	spop (v2sf)  }
0x187: {  	s11 =	sand.u32 $0x7F, s13  }
0x188: {  	v9 =	vor.u32 s11, v1  }
0x189: {  	v10 =	vmov s4  }
0x18a: {  	v11 =	vshll.u32 v10, $0x3  }
0x18b: {  	v10 =	vand.u32 $0x7B, v10;
	v11 =	vand.u32 $0x400, v11  }
0x18c: {  	v10 =	vor.u32 v10, v11  }
0x18d: {  	v11 =	vor.u32 v2, v10;
	v9 =	vld.idx.msk [tilespmem:v9+s20+$0x0], $0xffff  }
0x18e: {  	v61 =	vor.u32 s11, v6;
	_ =	sdelay $0x3  }
0x18f: {  	[tilespmem:v11+s25+$0x0] =	vst.idx.msk $0xffff, v9  }
0x190: {  	v11 =	vor.u32 v3, v10;
	v9 =	vld.idx.msk [tilespmem:v61+s20+$0x0], $0xffff  }
0x191: {  	v62 =	vor.u32 s11, v7;
	_ =	sdelay $0x3  }
0x192: {  	[tilespmem:v11+s25+$0x0] =	vst.idx.msk $0xffff, v9  }
0x193: {  	v11 =	vor.u32 v4, v10;
	v9 =	vld.idx.msk [tilespmem:v62+s20+$0x0], $0xffff  }
0x194: {  	v63 =	vor.u32 s11, v8;
	_ =	sdelay $0x3  }
0x195: {  	[tilespmem:v11+s25+$0x0] =	vst.idx.msk $0xffff, v9  }
0x196: {  	p0 =	seq.s32 s31, $0xF8;
	v10 =	vor.u32 v5, v10;
	v9 =	vld.idx.msk [tilespmem:v63+s20+$0x0], $0xffff  }
.Ltmp2:
0x197: {  	_ = 	snop;
	(pc) =	sbr.rel @p0 .LBB2_4-.Ltmp2, $2  }
0x198: {  	_ =	sdelay $0x2  }
0x199: {  	[tilespmem:v10+s25+$0x0] =	vst.idx.msk $0xffff, v9  }
0x19a: {  	s4 =	sadd.s32 $0xFFFFFFF4, s30  }
0x19b: {  	s4 =	sand.u32 $0x7C0, s4  }
0x19c: {  	s4 =	sshrl.u32 s4, $0x2  }
0x19d: {  	v9 =	vld [tilespmem:s4+$0x0];
	_ =	sdelay $0x1  }
0x19e: {  	s13 =	sxor.u32 $0xFFFFFFFF, s31  }
0x19f: {  	s4 =	sand.u32 $0x8, s13  }
0x1a0: {  	v10 =	vmov s4  }
0x1a1: {  	vm8 =	veq.s32 v10, v0;
	v9 =	vxor.u32 $0x80000000, v9  }
0x1a2: {  	v9 =	vnsel vm8, $0x80000000, v9  }
0x1a3: {  	(xrf0) =	vmax.scan.msk.u32 $0xffff, v9;
	_ =	sdelay $0x5  }
0x1a4: {  	v9, _, _ =	vpop (xrf0)  }
0x1a5: {  	(v2sf) =	vpush v9, $0xF;
	_ =	sdelay $0xe  }
0x1a6: {  	s4 =	spop (v2sf)  }
0x1a7: {  	s11 =	sxor.u32 $0x80000000, s4  }
0x1a8: {  	p0 =	sgt.s32 s4, $0xFFFFFFFF;
	s13 =	sand.u32 $0x7F, s4;
	p1 =	slt.s32 s11, $0x1  }
0x1a9: {  	s11 =	sshra.s32 s11, $0x1F;
	p3 =	sne.s32 s13, $0x0;
	p0 =	por p0, p1  }
0x1aa: {  	s11 =	sshrl.u32 s11, $0x19;
	p0 =	por !p3, !p0  }
0x1ab: {  	s4 =	sadd.s32 s11, s4;
	s11 =	simm.s32 $0x1;
	p0 =	por !p0, !p0  }
0x1ac: {  	s4 =	sshrl.u32 s4, $0x7;
	s11 =	simm.s32 @!p0 $0x0  }
0x1ad: {  	s4 =	ssub.s32 s4, s11  }
0x1ae: {  	s4 =	sshll.u32 s4, $0x7  }
0x1af: {  	s4 =	sand.u32 $0x1FFFFF80, s4  }
0x1b0: {  	s11 =	sadd.s32 $0xFFFFFFF8, s30;
	s4 =	sadd.s32 s0, s4  }
0x1b1: {  	[tilespmem:s17], [sflag:$0x1] =	stream.strided.gather [hbm4b:s4+s15], $0x2000, s16, s15, $0x38;
	[tilespmem:$0x18100] =	vst v63  }
0x1b2: {  	s4 =	sand.u32 $0x7C0, s11  }
0x1b3: {  	s4 =	sshrl.u32 s4, $0x2  }
0x1b4: {  	v9 =	vld [tilespmem:s4+$0x0];
	_ =	sdelay $0x1  }
0x1b5: {  	s13 =	sadd.s32 $0x9, s31  }
0x1b6: {  	s4 =	sand.u32 $0x9, s13  }
0x1b7: {  	v10 =	vmov s4  }
0x1b8: {  	vm8 =	veq.s32 v10, v0;
	v9 =	vxor.u32 $0x80000000, v9  }
0x1b9: {  	v9 =	vnsel vm8, $0x80000000, v9  }
0x1ba: {  	(xrf0) =	vmax.scan.msk.u32 $0xffff, v9;
	_ =	sdelay $0x5  }
0x1bb: {  	v9, _, _ =	vpop (xrf0)  }
0x1bc: {  	(v2sf) =	vpush v9, $0xF;
	_ =	sdelay $0xe  }
0x1bd: {  	s4 =	spop (v2sf)  }
0x1be: {  	s11 =	sxor.u32 $0x80000000, s4  }
0x1bf: {  	p4 =	sgt.s32 s4, $0xFFFFFFFF;
	s13 =	sand.u32 $0x7F, s4;
	p5 =	slt.s32 s11, $0x1  }
0x1c0: {  	s11 =	sshra.s32 s11, $0x1F;
	p6 =	sne.s32 s13, $0x0;
	p0 =	por p4, p5  }
0x1c1: {  	s11 =	sshrl.u32 s11, $0x19;
	p0 =	por !p6, !p0  }
0x1c2: {  	s4 =	sadd.s32 s11, s4;
	s11 =	simm.s32 $0x1;
	p0 =	por !p0, !p0  }
0x1c3: {  	s4 =	sshrl.u32 s4, $0x7;
	s11 =	simm.s32 @!p0 $0x0  }
0x1c4: {  	s4 =	ssub.s32 s4, s11  }
0x1c5: {  	s4 =	sshll.u32 s4, $0x7  }
0x1c6: {  	s4 =	sand.u32 $0x1FFFFF80, s4  }
0x1c7: {  	s11 =	sadd.s32 $0xFFFFFFFC, s30;
	s4 =	sadd.s32 s0, s4  }
0x1c8: {  	[tilespmem:s18], [sflag:$0x1] =	stream.strided.gather [hbm4b:s4+s15], $0x2000, s16, s15, $0x38;
	[tilespmem:$0x18100] =	vst v63  }
0x1c9: {  	s4 =	sand.u32 $0x7C0, s11  }
0x1ca: {  	s4 =	sshrl.u32 s4, $0x2  }
0x1cb: {  	v9 =	vld [tilespmem:s4+$0x0];
	_ =	sdelay $0x1  }
0x1cc: {  	s13 =	sadd.s32 $0xA, s31  }
0x1cd: {  	s4 =	sand.u32 $0xA, s13  }
0x1ce: {  	v10 =	vmov s4  }
0x1cf: {  	vm8 =	veq.s32 v10, v0;
	v9 =	vxor.u32 $0x80000000, v9  }
0x1d0: {  	v9 =	vnsel vm8, $0x80000000, v9  }
0x1d1: {  	(xrf0) =	vmax.scan.msk.u32 $0xffff, v9;
	_ =	sdelay $0x5  }
0x1d2: {  	v9, _, _ =	vpop (xrf0)  }
0x1d3: {  	(v2sf) =	vpush v9, $0xF;
	_ =	sdelay $0xe  }
0x1d4: {  	s4 =	spop (v2sf)  }
0x1d5: {  	s11 =	sxor.u32 $0x80000000, s4  }
0x1d6: {  	p1 =	sgt.s32 s4, $0xFFFFFFFF;
	s13 =	sand.u32 $0x7F, s4;
	p2 =	slt.s32 s11, $0x1  }
0x1d7: {  	s11 =	sshra.s32 s11, $0x1F;
	p3 =	sne.s32 s13, $0x0;
	p0 =	por p1, p2  }
0x1d8: {  	s11 =	sshrl.u32 s11, $0x19;
	p0 =	por !p3, !p0  }
0x1d9: {  	s4 =	sadd.s32 s11, s4;
	s11 =	simm.s32 $0x1;
	p0 =	por !p0, !p0  }
0x1da: {  	s4 =	sshrl.u32 s4, $0x7;
	s11 =	simm.s32 @!p0 $0x0  }
0x1db: {  	s4 =	ssub.s32 s4, s11  }
0x1dc: {  	s4 =	sshll.u32 s4, $0x7  }
0x1dd: {  	s4 =	sand.u32 $0x1FFFFF80, s4  }
0x1de: {  	s11 =	sand.u32 $0x7C0, s30;
	s4 =	sadd.s32 s0, s4  }
0x1df: {  	[tilespmem:s19], [sflag:$0x1] =	stream.strided.gather [hbm4b:s4+s15], $0x2000, s16, s15, $0x38;
	[tilespmem:$0x18100] =	vst v63  }
0x1e0: {  	s4 =	sshrl.u32 s11, $0x2  }
0x1e1: {  	v9 =	vld [tilespmem:s4+$0x0];
	_ =	sdelay $0x1  }
0x1e2: {  	s13 =	sadd.s32 $0xB, s31  }
0x1e3: {  	s4 =	sand.u32 $0xB, s13  }
0x1e4: {  	v10 =	vmov s4  }
0x1e5: {  	vm8 =	veq.s32 v10, v0;
	v9 =	vxor.u32 $0x80000000, v9  }
0x1e6: {  	v9 =	vnsel vm8, $0x80000000, v9  }
0x1e7: {  	(xrf0) =	vmax.scan.msk.u32 $0xffff, v9;
	_ =	sdelay $0x5  }
0x1e8: {  	v9, _, _ =	vpop (xrf0)  }
0x1e9: {  	(v2sf) =	vpush v9, $0xF;
	_ =	sdelay $0xe  }
0x1ea: {  	s4 =	spop (v2sf)  }
0x1eb: {  	s11 =	sxor.u32 $0x80000000, s4  }
0x1ec: {  	p4 =	sgt.s32 s4, $0xFFFFFFFF;
	s13 =	sand.u32 $0x7F, s4;
	p5 =	slt.s32 s11, $0x1  }
0x1ed: {  	s11 =	sshra.s32 s11, $0x1F;
	p6 =	sne.s32 s13, $0x0;
	p0 =	por p4, p5  }
0x1ee: {  	s11 =	sshrl.u32 s11, $0x19;
	p0 =	por !p6, !p0  }
0x1ef: {  	s4 =	sadd.s32 s11, s4;
	s11 =	simm.s32 $0x1;
	p0 =	por !p0, !p0  }
0x1f0: {  	s4 =	sshrl.u32 s4, $0x7;
	s11 =	simm.s32 @!p0 $0x0  }
.Ltmp3:
0x1f1: {  	s4 =	ssub.s32 s4, s11;
	(pc) =	sbr.rel .LBB2_4-.Ltmp3, $4  }
0x1f2: {  	s4 =	sshll.u32 s4, $0x7  }
0x1f3: {  	s4 =	sand.u32 $0x1FFFFF80, s4  }
0x1f4: {  	s4 =	sadd.s32 s0, s4  }
0x1f5: {  	[tilespmem:s20], [sflag:$0x1] =	stream.strided.gather [hbm4b:s4+s15], $0x2000, s16, s15, $0x38;
	[tilespmem:$0x18100] =	vst v63  }
.LBB2_5:
0x1f6: {  	_ =	swait.ge [sflag:s28], $0x4000;
	s1 =	simm.s32 $0x0  }
0x1f7: {  	[sflag:s28] =	ssyncset.done $0x0;
	s2 =	sand.u32 $0x3800, s1;
	s1 =	sand.u32 $0x380, s1  }
0x1f8: {  	[sflag:s28] =	ssyncadd.s32 $0xFFFFC000;
	s1 =	sor.u32 s1, s2  }
0x1f9: {  	v16 =	vld [tilespmem:s1+$0x14100]  }
0x1fa: {  	v17 =	vld [tilespmem:s1+$0x14110]  }
0x1fb: {  	v18 =	vld [tilespmem:s1+$0x14120]  }
0x1fc: {  	v19 =	vld [tilespmem:s1+$0x14130]  }
0x1fd: {  	v20 =	vld [tilespmem:s1+$0x14140]  }
0x1fe: {  	v21 =	vld [tilespmem:s1+$0x14150]  }
0x1ff: {  	v22 =	vld [tilespmem:s1+$0x14160]  }
0x200: {  	v23 =	vld [tilespmem:s1+$0x14170]  }
0x201: {  	v24 =	vld [tilespmem:s1+$0x14500]  }
0x202: {  	v15 =	vld [tilespmem:s1+$0x14510]  }
0x203: {  	v14 =	vld [tilespmem:s1+$0x14520]  }
0x204: {  	v13 =	vld [tilespmem:s1+$0x14530]  }
0x205: {  	v12 =	vld [tilespmem:s1+$0x14540]  }
0x206: {  	v11 =	vld [tilespmem:s1+$0x14550]  }
0x207: {  	v10 =	vld [tilespmem:s1+$0x14560]  }
0x208: {  	v9 =	vld [tilespmem:s1+$0x14570]  }
0x209: {  	v25 =	vld [tilespmem:s1+$0x10100]  }
0x20a: {  	v26 =	vld [tilespmem:s1+$0x10110]  }
0x20b: {  	v27 =	vld [tilespmem:s1+$0x10120]  }
0x20c: {  	v28 =	vld [tilespmem:s1+$0x10130]  }
0x20d: {  	v29 =	vld [tilespmem:s1+$0x10140]  }
0x20e: {  	v60 =	vld [tilespmem:s1+$0x10150];
	v16 =	vadd.f32 v16, v25  }
0x20f: {  	v61 =	vld [tilespmem:s1+$0x10160];
	v17 =	vadd.f32 v17, v26  }
0x210: {  	v62 =	vld [tilespmem:s1+$0x10170];
	[tilespmem:s1+$0x10100] =	vst v16;
	v16 =	vadd.f32 v18, v27  }
0x211: {  	v63 =	vld [tilespmem:s1+$0x10500];
	[tilespmem:s1+$0x10110] =	vst v17;
	v17 =	vadd.f32 v19, v28  }
0x212: {  	v19 =	vld [tilespmem:s1+$0x10510];
	[tilespmem:s1+$0x10120] =	vst v16;
	v16 =	vadd.f32 v20, v29  }
0x213: {  	v18 =	vld [tilespmem:s1+$0x10520];
	[tilespmem:s1+$0x10130] =	vst v17;
	v17 =	vadd.f32 v21, v60  }
0x214: {  	v20 =	vadd.f32 v22, v61;
	[tilespmem:s1+$0x10140] =	vst v16;
	v16 =	vld [tilespmem:s1+$0x10530]  }
0x215: {  	v22 =	vadd.f32 v23, v62;
	[tilespmem:s1+$0x10150] =	vst v17;
	v17 =	vld [tilespmem:s1+$0x10540]  }
0x216: {  	s3 =	simm.s32 $0x100;
	s2 =	simm.s32 $0x80;
	v21 =	vadd.f32 v24, v63;
	[tilespmem:s1+$0x10160] =	vst v20;
	v20 =	vld [tilespmem:s1+$0x10550]  }
.LBB2_6:
0x217: {  	s4 =	sand.u32 $0x3800, s3;
	s8 =	sand.u32 $0x380, s2;
	p0 =	sne.s32 s3, $0x3F00;
	[tilespmem:s1+$0x10170] =	vst v22;
	v15 =	vadd.f32 v15, v19;
	v19 =	vld [tilespmem:s1+$0x10560]  }
0x218: {  	s4 =	sor.u32 s8, s4;
	[tilespmem:s1+$0x10500] =	vst v21;
	v14 =	vadd.f32 v14, v18;
	v18 =	vld [tilespmem:s1+$0x10570]  }
0x219: {  	v21 =	vld [tilespmem:s4+$0x14100];
	[tilespmem:s1+$0x10510] =	vst v15;
	v13 =	vadd.f32 v13, v16  }
0x21a: {  	v16 =	vld [tilespmem:s4+$0x14110];
	[tilespmem:s1+$0x10520] =	vst v14;
	v12 =	vadd.f32 v12, v17  }
0x21b: {  	v17 =	vld [tilespmem:s4+$0x14120];
	[tilespmem:s1+$0x10530] =	vst v13;
	v11 =	vadd.f32 v11, v20  }
0x21c: {  	v20 =	vld [tilespmem:s4+$0x14130];
	[tilespmem:s1+$0x10540] =	vst v12;
	v10 =	vadd.f32 v10, v19  }
0x21d: {  	v19 =	vld [tilespmem:s4+$0x14140];
	[tilespmem:s1+$0x10550] =	vst v11;
	v9 =	vadd.f32 v9, v18  }
0x21e: {  	v18 =	vld [tilespmem:s4+$0x14150];
	[tilespmem:s1+$0x10560] =	vst v10  }
0x21f: {  	v22 =	vld [tilespmem:s4+$0x14160];
	[tilespmem:s1+$0x10570] =	vst v9;
	s1 =	smov.u32 s4  }
0x220: {  	v23 =	vld [tilespmem:s1+$0x14170]  }
0x221: {  	v24 =	vld [tilespmem:s1+$0x14500]  }
0x222: {  	v15 =	vld [tilespmem:s1+$0x14510]  }
0x223: {  	v14 =	vld [tilespmem:s1+$0x14520]  }
0x224: {  	v13 =	vld [tilespmem:s1+$0x14530]  }
0x225: {  	v12 =	vld [tilespmem:s1+$0x14540]  }
0x226: {  	v11 =	vld [tilespmem:s1+$0x14550]  }
0x227: {  	v10 =	vld [tilespmem:s1+$0x14560]  }
0x228: {  	v9 =	vld [tilespmem:s1+$0x14570]  }
0x229: {  	v25 =	vld [tilespmem:s1+$0x10100]  }
0x22a: {  	v26 =	vld [tilespmem:s1+$0x10110]  }
0x22b: {  	v27 =	vld [tilespmem:s1+$0x10120]  }
0x22c: {  	v28 =	vld [tilespmem:s1+$0x10130]  }
0x22d: {  	v29 =	vld [tilespmem:s1+$0x10140]  }
0x22e: {  	v21 =	vadd.f32 v21, v25;
	v25 =	vld [tilespmem:s1+$0x10150]  }
0x22f: {  	v16 =	vadd.f32 v16, v26;
	v26 =	vld [tilespmem:s1+$0x10160]  }
0x230: {  	[tilespmem:s1+$0x10100] =	vst v21;
	v17 =	vadd.f32 v17, v27;
	v21 =	vld [tilespmem:s1+$0x10170]  }
0x231: {  	[tilespmem:s1+$0x10110] =	vst v16;
	v16 =	vadd.f32 v20, v28;
	v20 =	vld [tilespmem:s1+$0x10500]  }
.Ltmp4:
0x232: {  	[tilespmem:s1+$0x10120] =	vst v17;
	v17 =	vadd.f32 v19, v29;
	v19 =	vld [tilespmem:s1+$0x10510];
	(pc) =	sbr.rel @p0 .LBB2_6-.Ltmp4, $4  }
0x233: {  	[tilespmem:s1+$0x10130] =	vst v16;
	v25 =	vadd.f32 v18, v25;
	v18 =	vld [tilespmem:s1+$0x10520]  }
0x234: {  	[tilespmem:s1+$0x10140] =	vst v17;
	v26 =	vadd.f32 v22, v26;
	v16 =	vld [tilespmem:s1+$0x10530]  }
0x235: {  	[tilespmem:s1+$0x10150] =	vst v25;
	v22 =	vadd.f32 v23, v21;
	v17 =	vld [tilespmem:s1+$0x10540]  }
0x236: {  	s2 =	sadd.s32 $0x80, s2;
	s3 =	sadd.s32 $0x100, s3;
	[tilespmem:s1+$0x10160] =	vst v26;
	v21 =	vadd.f32 v24, v20;
	v20 =	vld [tilespmem:s1+$0x10550]  }
0x237: {  	[tilespmem:s1+$0x10170] =	vst v22;
	v15 =	vadd.f32 v15, v19;
	v62 =	vld [tilespmem:s1+$0x10560]  }
0x238: {  	v63 =	vld [tilespmem:s1+$0x10570];
	[tilespmem:s1+$0x10500] =	vst v21;
	v14 =	vadd.f32 v14, v18  }
0x239: {  	[tilespmem:s1+$0x10510] =	vst v15;
	v13 =	vadd.f32 v13, v16  }
0x23a: {  	[tilespmem:s1+$0x10520] =	vst v14;
	v12 =	vadd.f32 v12, v17  }
0x23b: {  	[tilespmem:s1+$0x10530] =	vst v13;
	v11 =	vadd.f32 v11, v20  }
0x23c: {  	[tilespmem:s1+$0x10540] =	vst v12;
	v10 =	vadd.f32 v10, v62  }
0x23d: {  	s29 =	sadd.s32 $0x1, s29;
	v9 =	vadd.f32 v9, v63;
	[tilespmem:s1+$0x10550] =	vst v11  }
0x23e: {  	p0 =	sne.s32 s29, s7;
	[tilespmem:s1+$0x10560] =	vst v10  }
.Ltmp5:
0x23f: {  	s8 =	simm.s32 $0x800;
	[tilespmem:s1+$0x10570] =	vst v9;
	(pc) =	sbr.rel @p0 .LBB2_1-.Ltmp5, $4  }
0x240: {  	[hbm4b:s6+s8] =	stream.strided.scatter [tilespmem:s25], [sflag:$0x4], $0x4000, s12, s8, $0x38;
	[tilespmem:$0x18100] =	vst v63  }
0x241: {  	_ =	swait.ge [sflag:s10], $0x4000  }
0x242: {  	[sflag:s10] =	ssyncset.done $0x0  }
0x243: {  	[sflag:s10] =	ssyncadd.s32 $0xFFFFC000  }
0x244: {  	_ =	sfence.sel $0x180000  }
0x245: {  	[bflag:$0x0] =	sbarrier.arrive $0xFFFF  }
0x246: {  	_ =	strace $0x90000047  }
0x247: {  	s0 =	stileid.u32;
	[bflag:$0x2] =	sbarrier.arrive $0xFFFF  }
0x248: {  	p0 =	sne.s32 s0, $0x0;
	s0 =	rddreg [dreg:$0x4]  }
0x249: {  	s0 =	sadd.s32 @!p0 $0x100000, s0  }
0x24a: {  	[sflag:s0] =	ssyncadd.tile.s32 @!p0 $0x1;
	_ =	shalt  }
.Lfunc_end2:
_tile_overlayer_lowered:
.L_overlay_start_2:
0x24b: {  	(tag) =	ssettag $0x2  }
0x24c: {  	s0 =	rddreg [dreg:$0x0];
	s2 =	stileid.u32  }
0x24d: {  	s1 =	rddreg [dreg:$0x1];
	p0 =	sne.s32 s2, $0x0  }
0x24e: {  	s3 =	rddreg [dreg:$0x2];
	[bflag:$0x3] =	sbarrier.arrive $0xFFFF;
	s2 =	simm.s32 @!p0 $0x1C04  }
0x24f: {  	[timem:s3], [sflag:s2] =	dma.local @!p0 [hbm:s0], s1  }
0x250: {  	s0 =	simm.s32 @!p0 $0x4  }
0x251: {  	_ =	swait.ge @!p0 [sflag:s0], s1  }
0x252: {  	s1 =	ssub.s32 @!p0 $0x0, s1;
	[sflag:s0] =	ssyncset.done @!p0 $0x0  }
0x253: {  	[sflag:s0] =	ssyncadd.s32 @!p0 s1  }
0x254: {  	[bflag:$0x3] =	sbarrier.arrive $0xFFFF  }
0x255: {  	_ =	shalt  }

</sc_bundles>
